<compile_context>
chip_gen: v7x
topology: tpu7x:2x2x1
jax: 0.10.2.dev20260603
libtpu: 0.0.44.dev20260713+nightly
codegen_flags: <defaults>
</compile_context>

<pallas_src>
import functools

import jax
import jax.numpy as jnp
from jax import lax
from jax.experimental import pallas as pl
from jax.experimental.pallas import tpu as pltpu
from jax.experimental.pallas import tpu_sc as plsc

N_NODES = 10000
N_EDGES = 160000
D_IN = 256
D_HID = 1024
D_OUT = 256
BN_EPS = 1e-5

R = 400
NBLK = N_NODES // R


def _phase1_body(eps_ref, x_ref, aggA_ref, aggB_ref, W1_ref, b1_ref,
                 h1_ref, s1_ref, s2_ref):
    i = pl.program_id(0)
    scale = 1.0 + eps_ref[0, 0]
    hinA = scale * x_ref[:, :128] + aggA_ref[...]
    hinB = scale * x_ref[:, 128:] + aggB_ref[...]
    h1 = (jnp.dot(hinA, W1_ref[:128, :], preferred_element_type=jnp.float32)
          + jnp.dot(hinB, W1_ref[128:, :], preferred_element_type=jnp.float32)
          + b1_ref[...])
    h1_ref[...] = h1
    ps1 = jnp.sum(h1, axis=0, keepdims=True)
    ps2 = jnp.sum(h1 * h1, axis=0, keepdims=True)

    @pl.when(i == 0)
    def _():
        s1_ref[...] = ps1
        s2_ref[...] = ps2

    @pl.when(i != 0)
    def _():
        s1_ref[...] += ps1
        s2_ref[...] += ps2


def _phase2_body(h1_ref, s1_ref, s2_ref, g1_ref, beta1_ref, W2_ref, b2_ref,
                 h2_ref, t1_ref, t2_ref):
    i = pl.program_id(0)
    n = jnp.float32(N_NODES)
    mu = s1_ref[...] / n
    var = s2_ref[...] / n - mu * mu
    rstd = lax.rsqrt(var + BN_EPS)
    a = (h1_ref[...] - mu) * (rstd * g1_ref[...]) + beta1_ref[...]
    a = jnp.maximum(a, 0.0)
    h2 = jnp.dot(a, W2_ref[...], preferred_element_type=jnp.float32) + b2_ref[...]
    h2_ref[...] = h2
    ps1 = jnp.sum(h2, axis=0, keepdims=True)
    ps2 = jnp.sum(h2 * h2, axis=0, keepdims=True)

    @pl.when(i == 0)
    def _():
        t1_ref[...] = ps1
        t2_ref[...] = ps2

    @pl.when(i != 0)
    def _():
        t1_ref[...] += ps1
        t2_ref[...] += ps2


def _phase3_body(h2_ref, t1_ref, t2_ref, g2_ref, beta2_ref, out_ref):
    n = jnp.float32(N_NODES)
    mu = t1_ref[...] / n
    var = t2_ref[...] / n - mu * mu
    rstd = lax.rsqrt(var + BN_EPS)
    out_ref[...] = (h2_ref[...] - mu) * (rstd * g2_ref[...]) + beta2_ref[...]



K = 128
SCH = 8
NSUP = 10
E_TILE = NSUP * SCH * K
N_ACC = 10008
OROWS = 624


def _agg_sc_body(x2_hbm, idx_hbm, zeros_hbm, out_hbm,
                 idx_vm, rows_vm, acc_sh, gsems, ssems, isems):
    c = lax.axis_index("c")
    s = lax.axis_index("s")
    pltpu.sync_copy(zeros_hbm, acc_sh.at[pl.ds(s * OROWS, OROWS)])

    @pl.when(s == 15)
    def _():
        pltpu.sync_copy(zeros_hbm.at[pl.ds(0, N_ACC - 16 * OROWS)],
                        acc_sh.at[pl.ds(16 * OROWS, N_ACC - 16 * OROWS)])

    plsc.subcore_barrier()

    def idx_load(m, bi):
        pltpu.async_copy(idx_hbm.at[c, s, m], idx_vm.at[bi], isems[bi])

    def wait_idx(bi):
        pltpu.make_async_copy(idx_hbm.at[c, s, 0], idx_vm.at[bi],
                              isems[bi]).wait()

    def gather(bi, t, b):
        pltpu.async_copy(x2_hbm.at[idx_vm.at[bi, t, 0]], rows_vm.at[b],
                         gsems[b])

    def wait_gather(b):
        pltpu.make_async_copy(x2_hbm.at[idx_vm.at[0, 0, 0]], rows_vm.at[b],
                              gsems[b]).wait()

    def scatter(bi, t, b):
        pltpu.async_copy(rows_vm.at[b], acc_sh.at[idx_vm.at[bi, t, 1]],
                         ssems[b], add=True)

    def wait_scatter(b):
        pltpu.make_async_copy(rows_vm.at[b], acc_sh.at[idx_vm.at[0, 0, 1]],
                              ssems[b]).wait()

    def super_body(g, islot):
        for t in range(SCH):
            if t == 0:
                @pl.when(g > 0)
                def _():
                    wait_scatter(1)
                idx_load(g + 1, islot ^ 1)
            else:
                wait_scatter((t + 1) & 1)
            if t < SCH - 1:
                gather(islot, t + 1, (t + 1) & 1)
            else:
                wait_idx(islot ^ 1)
                gather(islot ^ 1, 0, 0)
            wait_gather(t & 1)
            scatter(islot, t, t & 1)

    idx_load(0, 0)
    wait_idx(0)
    gather(0, 0, 0)

    def body(gg, carry):
        super_body(2 * gg, 0)
        super_body(2 * gg + 1, 1)
        return carry

    lax.fori_loop(0, NSUP // 2, body, 0)
    wait_scatter(1)
    wait_gather(0)
    plsc.subcore_barrier()
    pltpu.sync_copy(acc_sh.at[pl.ds(s * OROWS, OROWS)],
                    out_hbm.at[c, pl.ds(s * OROWS, OROWS)])

    @pl.when(s == 15)
    def _():
        pltpu.sync_copy(acc_sh.at[pl.ds(16 * OROWS, N_NODES - 16 * OROWS)],
                        out_hbm.at[c, pl.ds(16 * OROWS, N_NODES - 16 * OROWS)])


@functools.partial(
    pl.kernel,
    out_type=jax.ShapeDtypeStruct((2, N_NODES, 128), jnp.float32),
    mesh=plsc.VectorSubcoreMesh(core_axis_name="c", subcore_axis_name="s"),
    scratch_types=[
        pltpu.VMEM((2, SCH, 2, K), jnp.int32),
        pltpu.VMEM((2, K, 128), jnp.float32),
        pltpu.VMEM_SHARED((N_ACC, 128), jnp.float32),
    ] + [pltpu.SemaphoreType.DMA] * 6,
)
def _agg_sc(x2_hbm, idx_hbm, zeros_hbm, out_hbm,
            idx_vm, rows_vm, acc_sh, *sems):
    _agg_sc_body(x2_hbm, idx_hbm, zeros_hbm, out_hbm,
                 idx_vm, rows_vm, acc_sh,
                 sems[:2], sems[2:4], sems[4:])


def _aggregate(x, src, dst):
    e_full = (NSUP + 1) * SCH * K
    npad = e_full - N_EDGES // 16
    x2 = x.reshape(2 * N_NODES, 128)
    src_t = jnp.concatenate(
        [src.reshape(16, N_EDGES // 16),
         jnp.zeros((16, npad), jnp.int32)], axis=1).reshape(16, NSUP + 1, SCH, K)
    dst_t = jnp.concatenate(
        [dst.reshape(16, N_EDGES // 16),
         jnp.full((16, npad), N_NODES, jnp.int32)],
        axis=1).reshape(16, NSUP + 1, SCH, K)
    idx = jnp.stack([jnp.stack([src_t * 2, dst_t], axis=3),
                     jnp.stack([src_t * 2 + 1, dst_t], axis=3)])
    zeros = jnp.zeros((OROWS, 128), jnp.float32)
    agg = _agg_sc(x2, idx, zeros)
    return agg[0], agg[1]


def kernel(x, edge_index, eps, W1, b1, g1, beta1, W2, b2, g2, beta2):
    src = edge_index[0].astype(jnp.int32)
    dst = edge_index[1].astype(jnp.int32)
    aggA, aggB = _aggregate(x, src, dst)

    eps2 = eps.reshape(1, 1)
    b1r = b1.reshape(1, D_HID)
    g1r = g1.reshape(1, D_HID)
    beta1r = beta1.reshape(1, D_HID)
    b2r = b2.reshape(1, D_OUT)
    g2r = g2.reshape(1, D_OUT)
    beta2r = beta2.reshape(1, D_OUT)

    full = lambda shape: pl.BlockSpec(shape, lambda i: (0,) * len(shape))
    rowblk = lambda c: pl.BlockSpec((R, c), lambda i: (i, 0))

    h1, s1, s2 = pl.pallas_call(
        _phase1_body,
        grid=(NBLK,),
        in_specs=[full((1, 1)), rowblk(D_IN), rowblk(128), rowblk(128),
                  full((D_IN, D_HID)), full((1, D_HID))],
        out_specs=[rowblk(D_HID), full((1, D_HID)), full((1, D_HID))],
        out_shape=[jax.ShapeDtypeStruct((N_NODES, D_HID), jnp.float32),
                   jax.ShapeDtypeStruct((1, D_HID), jnp.float32),
                   jax.ShapeDtypeStruct((1, D_HID), jnp.float32)],
    )(eps2, x, aggA, aggB, W1, b1r)

    h2, t1, t2 = pl.pallas_call(
        _phase2_body,
        grid=(NBLK,),
        in_specs=[rowblk(D_HID), full((1, D_HID)), full((1, D_HID)),
                  full((1, D_HID)), full((1, D_HID)),
                  full((D_HID, D_OUT)), full((1, D_OUT))],
        out_specs=[rowblk(D_OUT), full((1, D_OUT)), full((1, D_OUT))],
        out_shape=[jax.ShapeDtypeStruct((N_NODES, D_OUT), jnp.float32),
                   jax.ShapeDtypeStruct((1, D_OUT), jnp.float32),
                   jax.ShapeDtypeStruct((1, D_OUT), jnp.float32)],
    )(h1, s1, s2, g1r, beta1r, W2, b2r)

    out = pl.pallas_call(
        _phase3_body,
        grid=(NBLK,),
        in_specs=[rowblk(D_OUT), full((1, D_OUT)), full((1, D_OUT)),
                  full((1, D_OUT)), full((1, D_OUT))],
        out_specs=rowblk(D_OUT),
        out_shape=jax.ShapeDtypeStruct((N_NODES, D_OUT), jnp.float32),
    )(h2, t1, t2, g2r, beta2r)
    return out

# --- scband reference (transcript-rebuilt; emitter-appended) ---
"""Pipeline reference for scband-my-ginconv-70188355551844 (READ-ONLY COPY).

The authoritative reference and input builder live on the scoring server;
editing this copy changes nothing except your own understanding.
"""

import jax, jax.numpy as jnp
import numpy as np

N_NODES = 10000
N_EDGES = 160000
D_IN = 256
D_HID = 1024
D_OUT = 256
BN_EPS = 1e-5


def setup_inputs(seed: int = 0) -> dict:
    key = jax.random.key(seed)
    ks = jax.random.split(key, 8)
    x = jax.random.normal(ks[0], (N_NODES, D_IN), dtype=jnp.float32)
    edge_index = jax.random.randint(ks[1], (2, N_EDGES), 0, N_NODES, dtype=jnp.int64)
    # GINConv train_eps=True -> learnable scalar eps, initialized to 0
    eps = jnp.zeros((), dtype=jnp.float32)
    # MLP: Linear(D_IN, D_HID) -> BN(D_HID) -> ReLU -> Linear(D_HID, D_OUT)
    lim1 = 1.0 / np.sqrt(D_IN)
    W1 = jax.random.uniform(ks[2], (D_IN, D_HID), minval=-lim1, maxval=lim1, dtype=jnp.float32)
    b1 = jax.random.uniform(ks[3], (D_HID,), minval=-lim1, maxval=lim1, dtype=jnp.float32)
    g1 = jnp.ones((D_HID,), dtype=jnp.float32)
    beta1 = jnp.zeros((D_HID,), dtype=jnp.float32)
    lim2 = 1.0 / np.sqrt(D_HID)
    W2 = jax.random.uniform(ks[4], (D_HID, D_OUT), minval=-lim2, maxval=lim2, dtype=jnp.float32)
    b2 = jax.random.uniform(ks[5], (D_OUT,), minval=-lim2, maxval=lim2, dtype=jnp.float32)
    g2 = jnp.ones((D_OUT,), dtype=jnp.float32)
    beta2 = jnp.zeros((D_OUT,), dtype=jnp.float32)
    return {"x": x, "edge_index": edge_index, "eps": eps, "W1": W1, "b1": b1,
            "g1": g1, "beta1": beta1, "W2": W2, "b2": b2, "g2": g2, "beta2": beta2}


def _batchnorm_train(h, gamma, beta):
    mu = jnp.mean(h, axis=0)
    var = jnp.var(h, axis=0)
    return (h - mu) / jnp.sqrt(var + BN_EPS) * gamma + beta


def reference(x, edge_index, eps, W1, b1, g1, beta1, W2, b2, g2, beta2):
    src = edge_index[0]
    dst = edge_index[1]
    # GIN aggregation: sum of neighbor (source) features at each destination node
    msgs = jnp.take(x, src, axis=0)
    agg = jax.ops.segment_sum(msgs, dst, num_segments=N_NODES)
    h = (1.0 + eps) * x + agg
    # MLP: Linear -> BN(train) -> ReLU -> Linear
    h = h @ W1 + b1
    h = _batchnorm_train(h, g1, beta1)
    h = jax.nn.relu(h)
    h = h @ W2 + b2
    # output BatchNorm1d (training mode, batch statistics)
    out = _batchnorm_train(h, g2, beta2)
    return out

if __name__ == "__main__":
    import jax
    _d = setup_inputs()
    print(jax.jit(kernel)(*tuple(_d.values())))

</pallas_src>

<mosaic_0001>
#map = affine_map<(d0, d1) -> (0, 0)>
#map1 = affine_map<(d0, d1) -> (0, 0, 0, 0, 0, 0)>
#map2 = affine_map<(d0, d1) -> (0, 0, 0)>
module attributes {stable_mosaic.version = 14 : i64} {
  func.func @_agg_sc(%arg0: i32, %arg1: i32, %arg2: memref<20000x128xf32, #tpu.memory_space<hbm>>, %arg3: memref<2x16x11x8x2x128xi32, #tpu.memory_space<hbm>>, %arg4: memref<624x128xf32, #tpu.memory_space<hbm>>, %arg5: memref<2x10000x128xf32, #tpu.memory_space<hbm>>, %arg6: memref<2x8x2x128xi32, #tpu.memory_space<vmem>>, %arg7: memref<2x128x128xf32, #tpu.memory_space<vmem>>, %arg8: memref<10008x128xf32, #tpu.memory_space<vmem_shared>>, %arg9: memref<!tpu.dma_semaphore, #tpu.memory_space<semaphore_mem>>, %arg10: memref<!tpu.dma_semaphore, #tpu.memory_space<semaphore_mem>>, %arg11: memref<!tpu.dma_semaphore, #tpu.memory_space<semaphore_mem>>, %arg12: memref<!tpu.dma_semaphore, #tpu.memory_space<semaphore_mem>>, %arg13: memref<!tpu.dma_semaphore, #tpu.memory_space<semaphore_mem>>, %arg14: memref<!tpu.dma_semaphore, #tpu.memory_space<semaphore_mem>>) attributes {dimension_semantics = [#tpu.dimension_semantics<core_parallel>, #tpu.dimension_semantics<subcore_parallel>], iteration_bounds = array<i64: 2, 16>, scalar_prefetch = 0 : i64, scratch_operands = 9 : i64, tpu.core_type = #tpu.core_type<sc_vector_subcore>, window_params = [{transform_indices = #map}, {transform_indices = #map1}, {transform_indices = #map}, {transform_indices = #map2}]} {
    %mul3A = arith.constant 624 : i32
    %mul3A_0 = arith.muli %arg1, %mul3A : i32
    "tpu.region"() ({
      %run_scoped3A = tpu.sem_alloc : memref<!tpu.dma_semaphore, #tpu.memory_space<semaphore_mem>>
      %dma_start3A_102 = arith.constant 0 : i32
      %dma_start3A_103 = tpu.memref_slice %arg8[%mul3A_0, %dma_start3A_102] : memref<10008x128xf32, #tpu.memory_space<vmem_shared>> -> memref<624x128xf32, #tpu.memory_space<vmem_shared>>
      tpu.enqueue_dma source(%arg4 : memref<624x128xf32, #tpu.memory_space<hbm>>) target(%dma_start3A_103 : memref<624x128xf32, #tpu.memory_space<vmem_shared>>) target_semaphore(%run_scoped3A : memref<!tpu.dma_semaphore, #tpu.memory_space<semaphore_mem>>)
      %dma_wait3A_104 = arith.constant 0 : i32
      %dma_wait3A_105 = tpu.memref_slice %arg8[%mul3A_0, %dma_wait3A_104] : memref<10008x128xf32, #tpu.memory_space<vmem_shared>> -> memref<624x128xf32, #tpu.memory_space<vmem_shared>>
      tpu.wait_dma2 semaphore(%run_scoped3A : memref<!tpu.dma_semaphore, #tpu.memory_space<semaphore_mem>>) src(%arg4 : memref<624x128xf32, #tpu.memory_space<hbm>>) dst(%dma_wait3A_105 : memref<624x128xf32, #tpu.memory_space<vmem_shared>>)
      tpu.yield
    }) : () -> ()
    %eq3A = arith.constant 15 : i32
    %eq3A_1 = arith.cmpi eq, %arg1, %eq3A : i32
    %convert_element_type3A = arith.extui %eq3A_1 : i1 to i32
    %cond3A = arith.constant 0 : i32
    %cond3A_2 = arith.cmpi ne, %convert_element_type3A, %cond3A : i32
    scf.if %cond3A_2 {
      "tpu.region"() ({
        %run_scoped3A = tpu.sem_alloc : memref<!tpu.dma_semaphore, #tpu.memory_space<semaphore_mem>>
        %dma_start3A_102 = arith.constant 9984 : i32
        %dma_start3A_103 = arith.constant 0 : i32
        %dma_start3A_104 = tpu.memref_slice %arg8[%dma_start3A_102, %dma_start3A_103] : memref<10008x128xf32, #tpu.memory_space<vmem_shared>> -> memref<24x128xf32, #tpu.memory_space<vmem_shared>>
        %dma_start3A_105 = arith.constant 0 : i32
        %dma_start3A_106 = arith.constant 0 : i32
        %dma_start3A_107 = tpu.memref_slice %arg4[%dma_start3A_105, %dma_start3A_106] : memref<624x128xf32, #tpu.memory_space<hbm>> -> memref<24x128xf32, #tpu.memory_space<hbm>>
        tpu.enqueue_dma source(%dma_start3A_107 : memref<24x128xf32, #tpu.memory_space<hbm>>) target(%dma_start3A_104 : memref<24x128xf32, #tpu.memory_space<vmem_shared>>) target_semaphore(%run_scoped3A : memref<!tpu.dma_semaphore, #tpu.memory_space<semaphore_mem>>)
        %dma_wait3A_108 = arith.constant 9984 : i32
        %dma_wait3A_109 = arith.constant 0 : i32
        %dma_wait3A_110 = tpu.memref_slice %arg8[%dma_wait3A_108, %dma_wait3A_109] : memref<10008x128xf32, #tpu.memory_space<vmem_shared>> -> memref<24x128xf32, #tpu.memory_space<vmem_shared>>
        %dma_wait3A_111 = arith.constant 0 : i32
        %dma_wait3A_112 = arith.constant 0 : i32
        %dma_wait3A_113 = tpu.memref_slice %arg4[%dma_wait3A_111, %dma_wait3A_112] : memref<624x128xf32, #tpu.memory_space<hbm>> -> memref<24x128xf32, #tpu.memory_space<hbm>>
        tpu.wait_dma2 semaphore(%run_scoped3A : memref<!tpu.dma_semaphore, #tpu.memory_space<semaphore_mem>>) src(%dma_wait3A_113 : memref<24x128xf32, #tpu.memory_space<hbm>>) dst(%dma_wait3A_110 : memref<24x128xf32, #tpu.memory_space<vmem_shared>>)
        tpu.yield
      }) : () -> ()
    } else {
    }
    %barrier3A = arith.constant 0 : index
    tpu.barrier barrier_id(%barrier3A)
    %dma_start3A = arith.constant 0 : i32
    %dma_start3A_3 = arith.constant 0 : i32
    %dma_start3A_4 = arith.constant 0 : i32
    %dma_start3A_5 = arith.constant 0 : i32
    %dma_start3A_6 = arith.constant 0 : i32
    %dma_start3A_7 = tpu.memref_slice %arg6[%dma_start3A_3, %dma_start3A_4, %dma_start3A_5, %dma_start3A_6] : memref<2x8x2x128xi32, #tpu.memory_space<vmem>> -> memref<1x8x2x128xi32, #tpu.memory_space<vmem>>
    %dma_start3A_8 = tpu.memref_squeeze %dma_start3A_7 : memref<1x8x2x128xi32, #tpu.memory_space<vmem>> -> memref<8x2x128xi32, #tpu.memory_space<vmem>>
    %dma_start3A_9 = arith.constant 0 : i32
    %dma_start3A_10 = arith.constant 0 : i32
    %dma_start3A_11 = arith.constant 0 : i32
    %dma_start3A_12 = tpu.memref_slice %arg3[%arg0, %arg1, %dma_start3A, %dma_start3A_9, %dma_start3A_10, %dma_start3A_11] : memref<2x16x11x8x2x128xi32, #tpu.memory_space<hbm>> -> memref<1x1x1x8x2x128xi32, #tpu.memory_space<hbm>>
    %dma_start3A_13 = tpu.memref_squeeze %dma_start3A_12 : memref<1x1x1x8x2x128xi32, #tpu.memory_space<hbm>> -> memref<8x2x128xi32, #tpu.memory_space<hbm>>
    %dma_start3A_14 = arith.constant 0 : i32
    %dma_start3A_15 = arith.constant 0 : i32
    %dma_start3A_16 = arith.constant 0 : i32
    %dma_start3A_17 = tpu.memref_slice %arg6[%dma_start3A_3, %dma_start3A_14, %dma_start3A_15, %dma_start3A_16] : memref<2x8x2x128xi32, #tpu.memory_space<vmem>> -> memref<1x8x2x128xi32, #tpu.memory_space<vmem>>
    %dma_start3A_18 = tpu.memref_squeeze %dma_start3A_17 : memref<1x8x2x128xi32, #tpu.memory_space<vmem>> -> memref<8x2x128xi32, #tpu.memory_space<vmem>>
    %dma_start3A_19 = arith.constant 0 : i32
    %dma_start3A_20 = arith.constant 0 : i32
    %dma_start3A_21 = arith.constant 0 : i32
    %dma_start3A_22 = tpu.memref_slice %arg3[%arg0, %arg1, %dma_start3A, %dma_start3A_19, %dma_start3A_20, %dma_start3A_21] : memref<2x16x11x8x2x128xi32, #tpu.memory_space<hbm>> -> memref<1x1x1x8x2x128xi32, #tpu.memory_space<hbm>>
    %dma_start3A_23 = tpu.memref_squeeze %dma_start3A_22 : memref<1x1x1x8x2x128xi32, #tpu.memory_space<hbm>> -> memref<8x2x128xi32, #tpu.memory_space<hbm>>
    tpu.enqueue_dma source(%dma_start3A_23 : memref<8x2x128xi32, #tpu.memory_space<hbm>>) target(%dma_start3A_18 : memref<8x2x128xi32, #tpu.memory_space<vmem>>) target_semaphore(%arg13 : memref<!tpu.dma_semaphore, #tpu.memory_space<semaphore_mem>>)
    %dma_wait3A = arith.constant 0 : i32
    %dma_wait3A_24 = arith.constant 0 : i32
    %dma_wait3A_25 = arith.constant 0 : i32
    %dma_wait3A_26 = arith.constant 0 : i32
    %dma_wait3A_27 = arith.constant 0 : i32
    %dma_wait3A_28 = tpu.memref_slice %arg6[%dma_wait3A_24, %dma_wait3A_25, %dma_wait3A_26, %dma_wait3A_27] : memref<2x8x2x128xi32, #tpu.memory_space<vmem>> -> memref<1x8x2x128xi32, #tpu.memory_space<vmem>>
    %dma_wait3A_29 = tpu.memref_squeeze %dma_wait3A_28 : memref<1x8x2x128xi32, #tpu.memory_space<vmem>> -> memref<8x2x128xi32, #tpu.memory_space<vmem>>
    %dma_wait3A_30 = arith.constant 0 : i32
    %dma_wait3A_31 = arith.constant 0 : i32
    %dma_wait3A_32 = arith.constant 0 : i32
    %dma_wait3A_33 = tpu.memref_slice %arg3[%arg0, %arg1, %dma_wait3A, %dma_wait3A_30, %dma_wait3A_31, %dma_wait3A_32] : memref<2x16x11x8x2x128xi32, #tpu.memory_space<hbm>> -> memref<1x1x1x8x2x128xi32, #tpu.memory_space<hbm>>
    %dma_wait3A_34 = tpu.memref_squeeze %dma_wait3A_33 : memref<1x1x1x8x2x128xi32, #tpu.memory_space<hbm>> -> memref<8x2x128xi32, #tpu.memory_space<hbm>>
    %dma_wait3A_35 = arith.constant 0 : i32
    %dma_wait3A_36 = arith.constant 0 : i32
    %dma_wait3A_37 = arith.constant 0 : i32
    %dma_wait3A_38 = tpu.memref_slice %arg6[%dma_wait3A_24, %dma_wait3A_35, %dma_wait3A_36, %dma_wait3A_37] : memref<2x8x2x128xi32, #tpu.memory_space<vmem>> -> memref<1x8x2x128xi32, #tpu.memory_space<vmem>>
    %dma_wait3A_39 = tpu.memref_squeeze %dma_wait3A_38 : memref<1x8x2x128xi32, #tpu.memory_space<vmem>> -> memref<8x2x128xi32, #tpu.memory_space<vmem>>
    %dma_wait3A_40 = arith.constant 0 : i32
    %dma_wait3A_41 = arith.constant 0 : i32
    %dma_wait3A_42 = arith.constant 0 : i32
    %dma_wait3A_43 = tpu.memref_slice %arg3[%arg0, %arg1, %dma_wait3A, %dma_wait3A_40, %dma_wait3A_41, %dma_wait3A_42] : memref<2x16x11x8x2x128xi32, #tpu.memory_space<hbm>> -> memref<1x1x1x8x2x128xi32, #tpu.memory_space<hbm>>
    %dma_wait3A_44 = tpu.memref_squeeze %dma_wait3A_43 : memref<1x1x1x8x2x128xi32, #tpu.memory_space<hbm>> -> memref<8x2x128xi32, #tpu.memory_space<hbm>>
    tpu.wait_dma2 semaphore(%arg13 : memref<!tpu.dma_semaphore, #tpu.memory_space<semaphore_mem>>) src(%dma_wait3A_44 : memref<8x2x128xi32, #tpu.memory_space<hbm>>) dst(%dma_wait3A_39 : memref<8x2x128xi32, #tpu.memory_space<vmem>>)
    %dma_start3A_45 = arith.constant 0 : i32
    %dma_start3A_46 = arith.constant 0 : i32
    %dma_start3A_47 = arith.constant 0 : i32
    %dma_start3A_48 = arith.constant 0 : i32
    %dma_start3A_49 = arith.constant 0 : i32
    %dma_start3A_50 = arith.constant 0 : i32
    %dma_start3A_51 = tpu.memref_slice %arg7[%dma_start3A_48, %dma_start3A_49, %dma_start3A_50] : memref<2x128x128xf32, #tpu.memory_space<vmem>> -> memref<1x128x128xf32, #tpu.memory_space<vmem>>
    %dma_start3A_52 = tpu.memref_squeeze %dma_start3A_51 : memref<1x128x128xf32, #tpu.memory_space<vmem>> -> memref<128x128xf32, #tpu.memory_space<vmem>>
    %dma_start3A_53 = arith.constant 0 : i32
    %dma_start3A_54 = tpu.memref_slice %arg6[%dma_start3A_45, %dma_start3A_46, %dma_start3A_47, %dma_start3A_53] : memref<2x8x2x128xi32, #tpu.memory_space<vmem>> -> memref<1x1x1x128xi32, #tpu.memory_space<vmem>>
    %dma_start3A_55 = tpu.memref_squeeze %dma_start3A_54 : memref<1x1x1x128xi32, #tpu.memory_space<vmem>> -> memref<128xi32, #tpu.memory_space<vmem>>
    %dma_start3A_56 = arith.constant 0 : i32
    %dma_start3A_57 = arith.constant 0 : i32
    %dma_start3A_58 = tpu.memref_slice %arg2[%dma_start3A_56, %dma_start3A_57] : memref<20000x128xf32, #tpu.memory_space<hbm>> -> memref<20000x128xf32, #tpu.memory_space<hbm>>
    tpu.enqueue_indirect_dma source(%dma_start3A_58 : memref<20000x128xf32, #tpu.memory_space<hbm>>) target(%dma_start3A_52 : memref<128x128xf32, #tpu.memory_space<vmem>>) offsets(%dma_start3A_55 : memref<128xi32, #tpu.memory_space<vmem>>) semaphore(%arg9 : memref<!tpu.dma_semaphore, #tpu.memory_space<semaphore_mem>>)
    %scan3A = arith.constant 0 : i32
    %scan3A_59 = arith.constant 0 : i32
    %scan3A_60 = arith.constant 5 : i32
    %scan3A_61 = arith.addi %scan3A_59, %scan3A_60 : i32
    %scan3A_62 = arith.constant 1 : i32
    scf.for %scan3A_102 = %scan3A_59 to %scan3A_61 step %scan3A_62  : i32 {
      %mul3A_103 = arith.constant 2 : i32
      %mul3A_104 = arith.muli %mul3A_103, %scan3A_102 : i32
      %gt3A = arith.constant 0 : i32
      %gt3A_105 = arith.cmpi sgt, %mul3A_104, %gt3A : i32
      %convert_element_type3A_106 = arith.extui %gt3A_105 : i1 to i32
      %cond3A_107 = arith.constant 0 : i32
      %cond3A_108 = arith.cmpi ne, %convert_element_type3A_106, %cond3A_107 : i32
      scf.if %cond3A_108 {
        %dma_wait3A_1075 = arith.constant 1 : i32
        %dma_wait3A_1076 = arith.constant 0 : i32
        %dma_wait3A_1077 = arith.constant 0 : i32
        %dma_wait3A_1078 = arith.constant 1 : i32
        %dma_wait3A_1079 = arith.constant 0 : i32
        %dma_wait3A_1080 = arith.constant 0 : i32
        %dma_wait3A_1081 = tpu.memref_slice %arg7[%dma_wait3A_1075, %dma_wait3A_1079, %dma_wait3A_1080] : memref<2x128x128xf32, #tpu.memory_space<vmem>> -> memref<1x128x128xf32, #tpu.memory_space<vmem>>
        %dma_wait3A_1082 = tpu.memref_squeeze %dma_wait3A_1081 : memref<1x128x128xf32, #tpu.memory_space<vmem>> -> memref<128x128xf32, #tpu.memory_space<vmem>>
        %dma_wait3A_1083 = arith.constant 0 : i32
        %dma_wait3A_1084 = tpu.memref_slice %arg6[%dma_wait3A_1076, %dma_wait3A_1077, %dma_wait3A_1078, %dma_wait3A_1083] : memref<2x8x2x128xi32, #tpu.memory_space<vmem>> -> memref<1x1x1x128xi32, #tpu.memory_space<vmem>>
        %dma_wait3A_1085 = tpu.memref_squeeze %dma_wait3A_1084 : memref<1x1x1x128xi32, #tpu.memory_space<vmem>> -> memref<128xi32, #tpu.memory_space<vmem>>
        %dma_wait3A_1086 = arith.constant 0 : i32
        %dma_wait3A_1087 = arith.constant 0 : i32
        %dma_wait3A_1088 = tpu.memref_slice %arg8[%dma_wait3A_1086, %dma_wait3A_1087] : memref<10008x128xf32, #tpu.memory_space<vmem_shared>> -> memref<10008x128xf32, #tpu.memory_space<vmem_shared>>
        tpu.wait_indirect_dma semaphore(%arg12 : memref<!tpu.dma_semaphore, #tpu.memory_space<semaphore_mem>>) src(%dma_wait3A_1082 : memref<128x128xf32, #tpu.memory_space<vmem>>) dst(%dma_wait3A_1088 : memref<10008x128xf32, #tpu.memory_space<vmem_shared>>)
      } else {
      }
      %add3A = arith.constant 1 : i32
      %add3A_109 = arith.addi %mul3A_104, %add3A : i32
      %dma_start3A_110 = arith.constant 1 : i32
      %dma_start3A_111 = arith.constant 0 : i32
      %dma_start3A_112 = arith.constant 0 : i32
      %dma_start3A_113 = arith.constant 0 : i32
      %dma_start3A_114 = tpu.memref_slice %arg6[%dma_start3A_110, %dma_start3A_111, %dma_start3A_112, %dma_start3A_113] : memref<2x8x2x128xi32, #tpu.memory_space<vmem>> -> memref<1x8x2x128xi32, #tpu.memory_space<vmem>>
      %dma_start3A_115 = tpu.memref_squeeze %dma_start3A_114 : memref<1x8x2x128xi32, #tpu.memory_space<vmem>> -> memref<8x2x128xi32, #tpu.memory_space<vmem>>
      %dma_start3A_116 = arith.constant 0 : i32
      %dma_start3A_117 = arith.constant 0 : i32
      %dma_start3A_118 = arith.constant 0 : i32
      %dma_start3A_119 = tpu.memref_slice %arg3[%arg0, %arg1, %add3A_109, %dma_start3A_116, %dma_start3A_117, %dma_start3A_118] : memref<2x16x11x8x2x128xi32, #tpu.memory_space<hbm>> -> memref<1x1x1x8x2x128xi32, #tpu.memory_space<hbm>>
      %dma_start3A_120 = tpu.memref_squeeze %dma_start3A_119 : memref<1x1x1x8x2x128xi32, #tpu.memory_space<hbm>> -> memref<8x2x128xi32, #tpu.memory_space<hbm>>
      %dma_start3A_121 = arith.constant 0 : i32
      %dma_start3A_122 = arith.constant 0 : i32
      %dma_start3A_123 = arith.constant 0 : i32
      %dma_start3A_124 = tpu.memref_slice %arg6[%dma_start3A_110, %dma_start3A_121, %dma_start3A_122, %dma_start3A_123] : memref<2x8x2x128xi32, #tpu.memory_space<vmem>> -> memref<1x8x2x128xi32, #tpu.memory_space<vmem>>
      %dma_start3A_125 = tpu.memref_squeeze %dma_start3A_124 : memref<1x8x2x128xi32, #tpu.memory_space<vmem>> -> memref<8x2x128xi32, #tpu.memory_space<vmem>>
      %dma_start3A_126 = arith.constant 0 : i32
      %dma_start3A_127 = arith.constant 0 : i32
      %dma_start3A_128 = arith.constant 0 : i32
      %dma_start3A_129 = tpu.memref_slice %arg3[%arg0, %arg1, %add3A_109, %dma_start3A_126, %dma_start3A_127, %dma_start3A_128] : memref<2x16x11x8x2x128xi32, #tpu.memory_space<hbm>> -> memref<1x1x1x8x2x128xi32, #tpu.memory_space<hbm>>
      %dma_start3A_130 = tpu.memref_squeeze %dma_start3A_129 : memref<1x1x1x8x2x128xi32, #tpu.memory_space<hbm>> -> memref<8x2x128xi32, #tpu.memory_space<hbm>>
      tpu.enqueue_dma source(%dma_start3A_130 : memref<8x2x128xi32, #tpu.memory_space<hbm>>) target(%dma_start3A_125 : memref<8x2x128xi32, #tpu.memory_space<vmem>>) target_semaphore(%arg14 : memref<!tpu.dma_semaphore, #tpu.memory_space<semaphore_mem>>)
      %dma_start3A_131 = arith.constant 0 : i32
      %dma_start3A_132 = arith.constant 1 : i32
      %dma_start3A_133 = arith.constant 0 : i32
      %dma_start3A_134 = arith.constant 1 : i32
      %dma_start3A_135 = arith.constant 0 : i32
      %dma_start3A_136 = arith.constant 0 : i32
      %dma_start3A_137 = tpu.memref_slice %arg7[%dma_start3A_134, %dma_start3A_135, %dma_start3A_136] : memref<2x128x128xf32, #tpu.memory_space<vmem>> -> memref<1x128x128xf32, #tpu.memory_space<vmem>>
      %dma_start3A_138 = tpu.memref_squeeze %dma_start3A_137 : memref<1x128x128xf32, #tpu.memory_space<vmem>> -> memref<128x128xf32, #tpu.memory_space<vmem>>
      %dma_start3A_139 = arith.constant 0 : i32
      %dma_start3A_140 = tpu.memref_slice %arg6[%dma_start3A_131, %dma_start3A_132, %dma_start3A_133, %dma_start3A_139] : memref<2x8x2x128xi32, #tpu.memory_space<vmem>> -> memref<1x1x1x128xi32, #tpu.memory_space<vmem>>
      %dma_start3A_141 = tpu.memref_squeeze %dma_start3A_140 : memref<1x1x1x128xi32, #tpu.memory_space<vmem>> -> memref<128xi32, #tpu.memory_space<vmem>>
      %dma_start3A_142 = arith.constant 0 : i32
      %dma_start3A_143 = arith.constant 0 : i32
      %dma_start3A_144 = tpu.memref_slice %arg2[%dma_start3A_142, %dma_start3A_143] : memref<20000x128xf32, #tpu.memory_space<hbm>> -> memref<20000x128xf32, #tpu.memory_space<hbm>>
      tpu.enqueue_indirect_dma source(%dma_start3A_144 : memref<20000x128xf32, #tpu.memory_space<hbm>>) target(%dma_start3A_138 : memref<128x128xf32, #tpu.memory_space<vmem>>) offsets(%dma_start3A_141 : memref<128xi32, #tpu.memory_space<vmem>>) semaphore(%arg10 : memref<!tpu.dma_semaphore, #tpu.memory_space<semaphore_mem>>)
      %dma_wait3A_145 = arith.constant 0 : i32
      %dma_wait3A_146 = arith.constant 0 : i32
      %dma_wait3A_147 = arith.constant 0 : i32
      %dma_wait3A_148 = arith.constant 0 : i32
      %dma_wait3A_149 = arith.constant 0 : i32
      %dma_wait3A_150 = arith.constant 0 : i32
      %dma_wait3A_151 = tpu.memref_slice %arg7[%dma_wait3A_148, %dma_wait3A_149, %dma_wait3A_150] : memref<2x128x128xf32, #tpu.memory_space<vmem>> -> memref<1x128x128xf32, #tpu.memory_space<vmem>>
      %dma_wait3A_152 = tpu.memref_squeeze %dma_wait3A_151 : memref<1x128x128xf32, #tpu.memory_space<vmem>> -> memref<128x128xf32, #tpu.memory_space<vmem>>
      %dma_wait3A_153 = arith.constant 0 : i32
      %dma_wait3A_154 = tpu.memref_slice %arg6[%dma_wait3A_145, %dma_wait3A_146, %dma_wait3A_147, %dma_wait3A_153] : memref<2x8x2x128xi32, #tpu.memory_space<vmem>> -> memref<1x1x1x128xi32, #tpu.memory_space<vmem>>
      %dma_wait3A_155 = tpu.memref_squeeze %dma_wait3A_154 : memref<1x1x1x128xi32, #tpu.memory_space<vmem>> -> memref<128xi32, #tpu.memory_space<vmem>>
      %dma_wait3A_156 = arith.constant 0 : i32
      %dma_wait3A_157 = arith.constant 0 : i32
      %dma_wait3A_158 = tpu.memref_slice %arg2[%dma_wait3A_156, %dma_wait3A_157] : memref<20000x128xf32, #tpu.memory_space<hbm>> -> memref<20000x128xf32, #tpu.memory_space<hbm>>
      tpu.wait_indirect_dma semaphore(%arg9 : memref<!tpu.dma_semaphore, #tpu.memory_space<semaphore_mem>>) src(%dma_wait3A_158 : memref<20000x128xf32, #tpu.memory_space<hbm>>) dst(%dma_wait3A_152 : memref<128x128xf32, #tpu.memory_space<vmem>>)
      %dma_start3A_159 = arith.constant 0 : i32
      %dma_start3A_160 = arith.constant 0 : i32
      %dma_start3A_161 = arith.constant 0 : i32
      %dma_start3A_162 = arith.constant 1 : i32
      %dma_start3A_163 = arith.constant 0 : i32
      %dma_start3A_164 = arith.constant 0 : i32
      %dma_start3A_165 = tpu.memref_slice %arg7[%dma_start3A_159, %dma_start3A_163, %dma_start3A_164] : memref<2x128x128xf32, #tpu.memory_space<vmem>> -> memref<1x128x128xf32, #tpu.memory_space<vmem>>
      %dma_start3A_166 = tpu.memref_squeeze %dma_start3A_165 : memref<1x128x128xf32, #tpu.memory_space<vmem>> -> memref<128x128xf32, #tpu.memory_space<vmem>>
      %dma_start3A_167 = arith.constant 0 : i32
      %dma_start3A_168 = tpu.memref_slice %arg6[%dma_start3A_160, %dma_start3A_161, %dma_start3A_162, %dma_start3A_167] : memref<2x8x2x128xi32, #tpu.memory_space<vmem>> -> memref<1x1x1x128xi32, #tpu.memory_space<vmem>>
      %dma_start3A_169 = tpu.memref_squeeze %dma_start3A_168 : memref<1x1x1x128xi32, #tpu.memory_space<vmem>> -> memref<128xi32, #tpu.memory_space<vmem>>
      %dma_start3A_170 = arith.constant 0 : i32
      %dma_start3A_171 = arith.constant 0 : i32
      %dma_start3A_172 = tpu.memref_slice %arg8[%dma_start3A_170, %dma_start3A_171] : memref<10008x128xf32, #tpu.memory_space<vmem_shared>> -> memref<10008x128xf32, #tpu.memory_space<vmem_shared>>
      tpu.enqueue_indirect_dma source(%dma_start3A_166 : memref<128x128xf32, #tpu.memory_space<vmem>>) target(%dma_start3A_172 : memref<10008x128xf32, #tpu.memory_space<vmem_shared>>) offsets(%dma_start3A_169 : memref<128xi32, #tpu.memory_space<vmem>>) semaphore(%arg11 : memref<!tpu.dma_semaphore, #tpu.memory_space<semaphore_mem>>) {add = true}
      %dma_wait3A_173 = arith.constant 0 : i32
      %dma_wait3A_174 = arith.constant 0 : i32
      %dma_wait3A_175 = arith.constant 0 : i32
      %dma_wait3A_176 = arith.constant 1 : i32
      %dma_wait3A_177 = arith.constant 0 : i32
      %dma_wait3A_178 = arith.constant 0 : i32
      %dma_wait3A_179 = tpu.memref_slice %arg7[%dma_wait3A_173, %dma_wait3A_177, %dma_wait3A_178] : memref<2x128x128xf32, #tpu.memory_space<vmem>> -> memref<1x128x128xf32, #tpu.memory_space<vmem>>
      %dma_wait3A_180 = tpu.memref_squeeze %dma_wait3A_179 : memref<1x128x128xf32, #tpu.memory_space<vmem>> -> memref<128x128xf32, #tpu.memory_space<vmem>>
      %dma_wait3A_181 = arith.constant 0 : i32
      %dma_wait3A_182 = tpu.memref_slice %arg6[%dma_wait3A_174, %dma_wait3A_175, %dma_wait3A_176, %dma_wait3A_181] : memref<2x8x2x128xi32, #tpu.memory_space<vmem>> -> memref<1x1x1x128xi32, #tpu.memory_space<vmem>>
      %dma_wait3A_183 = tpu.memref_squeeze %dma_wait3A_182 : memref<1x1x1x128xi32, #tpu.memory_space<vmem>> -> memref<128xi32, #tpu.memory_space<vmem>>
      %dma_wait3A_184 = arith.constant 0 : i32
      %dma_wait3A_185 = arith.constant 0 : i32
      %dma_wait3A_186 = tpu.memref_slice %arg8[%dma_wait3A_184, %dma_wait3A_185] : memref<10008x128xf32, #tpu.memory_space<vmem_shared>> -> memref<10008x128xf32, #tpu.memory_space<vmem_shared>>
      tpu.wait_indirect_dma semaphore(%arg11 : memref<!tpu.dma_semaphore, #tpu.memory_space<semaphore_mem>>) src(%dma_wait3A_180 : memref<128x128xf32, #tpu.memory_space<vmem>>) dst(%dma_wait3A_186 : memref<10008x128xf32, #tpu.memory_space<vmem_shared>>)
      %dma_start3A_187 = arith.constant 0 : i32
      %dma_start3A_188 = arith.constant 2 : i32
      %dma_start3A_189 = arith.constant 0 : i32
      %dma_start3A_190 = arith.constant 0 : i32
      %dma_start3A_191 = arith.constant 0 : i32
      %dma_start3A_192 = arith.constant 0 : i32
      %dma_start3A_193 = tpu.memref_slice %arg7[%dma_start3A_190, %dma_start3A_191, %dma_start3A_192] : memref<2x128x128xf32, #tpu.memory_space<vmem>> -> memref<1x128x128xf32, #tpu.memory_space<vmem>>
      %dma_start3A_194 = tpu.memref_squeeze %dma_start3A_193 : memref<1x128x128xf32, #tpu.memory_space<vmem>> -> memref<128x128xf32, #tpu.memory_space<vmem>>
      %dma_start3A_195 = arith.constant 0 : i32
      %dma_start3A_196 = tpu.memref_slice %arg6[%dma_start3A_187, %dma_start3A_188, %dma_start3A_189, %dma_start3A_195] : memref<2x8x2x128xi32, #tpu.memory_space<vmem>> -> memref<1x1x1x128xi32, #tpu.memory_space<vmem>>
      %dma_start3A_197 = tpu.memref_squeeze %dma_start3A_196 : memref<1x1x1x128xi32, #tpu.memory_space<vmem>> -> memref<128xi32, #tpu.memory_space<vmem>>
      %dma_start3A_198 = arith.constant 0 : i32
      %dma_start3A_199 = arith.constant 0 : i32
      %dma_start3A_200 = tpu.memref_slice %arg2[%dma_start3A_198, %dma_start3A_199] : memref<20000x128xf32, #tpu.memory_space<hbm>> -> memref<20000x128xf32, #tpu.memory_space<hbm>>
      tpu.enqueue_indirect_dma source(%dma_start3A_200 : memref<20000x128xf32, #tpu.memory_space<hbm>>) target(%dma_start3A_194 : memref<128x128xf32, #tpu.memory_space<vmem>>) offsets(%dma_start3A_197 : memref<128xi32, #tpu.memory_space<vmem>>) semaphore(%arg9 : memref<!tpu.dma_semaphore, #tpu.memory_space<semaphore_mem>>)
      %dma_wait3A_201 = arith.constant 0 : i32
      %dma_wait3A_202 = arith.constant 0 : i32
      %dma_wait3A_203 = arith.constant 0 : i32
      %dma_wait3A_204 = arith.constant 1 : i32
      %dma_wait3A_205 = arith.constant 0 : i32
      %dma_wait3A_206 = arith.constant 0 : i32
      %dma_wait3A_207 = tpu.memref_slice %arg7[%dma_wait3A_204, %dma_wait3A_205, %dma_wait3A_206] : memref<2x128x128xf32, #tpu.memory_space<vmem>> -> memref<1x128x128xf32, #tpu.memory_space<vmem>>
      %dma_wait3A_208 = tpu.memref_squeeze %dma_wait3A_207 : memref<1x128x128xf32, #tpu.memory_space<vmem>> -> memref<128x128xf32, #tpu.memory_space<vmem>>
      %dma_wait3A_209 = arith.constant 0 : i32
      %dma_wait3A_210 = tpu.memref_slice %arg6[%dma_wait3A_201, %dma_wait3A_202, %dma_wait3A_203, %dma_wait3A_209] : memref<2x8x2x128xi32, #tpu.memory_space<vmem>> -> memref<1x1x1x128xi32, #tpu.memory_space<vmem>>
      %dma_wait3A_211 = tpu.memref_squeeze %dma_wait3A_210 : memref<1x1x1x128xi32, #tpu.memory_space<vmem>> -> memref<128xi32, #tpu.memory_space<vmem>>
      %dma_wait3A_212 = arith.constant 0 : i32
      %dma_wait3A_213 = arith.constant 0 : i32
      %dma_wait3A_214 = tpu.memref_slice %arg2[%dma_wait3A_212, %dma_wait3A_213] : memref<20000x128xf32, #tpu.memory_space<hbm>> -> memref<20000x128xf32, #tpu.memory_space<hbm>>
      tpu.wait_indirect_dma semaphore(%arg10 : memref<!tpu.dma_semaphore, #tpu.memory_space<semaphore_mem>>) src(%dma_wait3A_214 : memref<20000x128xf32, #tpu.memory_space<hbm>>) dst(%dma_wait3A_208 : memref<128x128xf32, #tpu.memory_space<vmem>>)
      %dma_start3A_215 = arith.constant 1 : i32
      %dma_start3A_216 = arith.constant 0 : i32
      %dma_start3A_217 = arith.constant 1 : i32
      %dma_start3A_218 = arith.constant 1 : i32
      %dma_start3A_219 = arith.constant 0 : i32
      %dma_start3A_220 = arith.constant 0 : i32
      %dma_start3A_221 = tpu.memref_slice %arg7[%dma_start3A_215, %dma_start3A_219, %dma_start3A_220] : memref<2x128x128xf32, #tpu.memory_space<vmem>> -> memref<1x128x128xf32, #tpu.memory_space<vmem>>
      %dma_start3A_222 = tpu.memref_squeeze %dma_start3A_221 : memref<1x128x128xf32, #tpu.memory_space<vmem>> -> memref<128x128xf32, #tpu.memory_space<vmem>>
      %dma_start3A_223 = arith.constant 0 : i32
      %dma_start3A_224 = tpu.memref_slice %arg6[%dma_start3A_216, %dma_start3A_217, %dma_start3A_218, %dma_start3A_223] : memref<2x8x2x128xi32, #tpu.memory_space<vmem>> -> memref<1x1x1x128xi32, #tpu.memory_space<vmem>>
      %dma_start3A_225 = tpu.memref_squeeze %dma_start3A_224 : memref<1x1x1x128xi32, #tpu.memory_space<vmem>> -> memref<128xi32, #tpu.memory_space<vmem>>
      %dma_start3A_226 = arith.constant 0 : i32
      %dma_start3A_227 = arith.constant 0 : i32
      %dma_start3A_228 = tpu.memref_slice %arg8[%dma_start3A_226, %dma_start3A_227] : memref<10008x128xf32, #tpu.memory_space<vmem_shared>> -> memref<10008x128xf32, #tpu.memory_space<vmem_shared>>
      tpu.enqueue_indirect_dma source(%dma_start3A_222 : memref<128x128xf32, #tpu.memory_space<vmem>>) target(%dma_start3A_228 : memref<10008x128xf32, #tpu.memory_space<vmem_shared>>) offsets(%dma_start3A_225 : memref<128xi32, #tpu.memory_space<vmem>>) semaphore(%arg12 : memref<!tpu.dma_semaphore, #tpu.memory_space<semaphore_mem>>) {add = true}
      %dma_wait3A_229 = arith.constant 1 : i32
      %dma_wait3A_230 = arith.constant 0 : i32
      %dma_wait3A_231 = arith.constant 0 : i32
      %dma_wait3A_232 = arith.constant 1 : i32
      %dma_wait3A_233 = arith.constant 0 : i32
      %dma_wait3A_234 = arith.constant 0 : i32
      %dma_wait3A_235 = tpu.memref_slice %arg7[%dma_wait3A_229, %dma_wait3A_233, %dma_wait3A_234] : memref<2x128x128xf32, #tpu.memory_space<vmem>> -> memref<1x128x128xf32, #tpu.memory_space<vmem>>
      %dma_wait3A_236 = tpu.memref_squeeze %dma_wait3A_235 : memref<1x128x128xf32, #tpu.memory_space<vmem>> -> memref<128x128xf32, #tpu.memory_space<vmem>>
      %dma_wait3A_237 = arith.constant 0 : i32
      %dma_wait3A_238 = tpu.memref_slice %arg6[%dma_wait3A_230, %dma_wait3A_231, %dma_wait3A_232, %dma_wait3A_237] : memref<2x8x2x128xi32, #tpu.memory_space<vmem>> -> memref<1x1x1x128xi32, #tpu.memory_space<vmem>>
      %dma_wait3A_239 = tpu.memref_squeeze %dma_wait3A_238 : memref<1x1x1x128xi32, #tpu.memory_space<vmem>> -> memref<128xi32, #tpu.memory_space<vmem>>
      %dma_wait3A_240 = arith.constant 0 : i32
      %dma_wait3A_241 = arith.constant 0 : i32
      %dma_wait3A_242 = tpu.memref_slice %arg8[%dma_wait3A_240, %dma_wait3A_241] : memref<10008x128xf32, #tpu.memory_space<vmem_shared>> -> memref<10008x128xf32, #tpu.memory_space<vmem_shared>>
      tpu.wait_indirect_dma semaphore(%arg12 : memref<!tpu.dma_semaphore, #tpu.memory_space<semaphore_mem>>) src(%dma_wait3A_236 : memref<128x128xf32, #tpu.memory_space<vmem>>) dst(%dma_wait3A_242 : memref<10008x128xf32, #tpu.memory_space<vmem_shared>>)
      %dma_start3A_243 = arith.constant 0 : i32
      %dma_start3A_244 = arith.constant 3 : i32
      %dma_start3A_245 = arith.constant 0 : i32
      %dma_start3A_246 = arith.constant 1 : i32
      %dma_start3A_247 = arith.constant 0 : i32
      %dma_start3A_248 = arith.constant 0 : i32
      %dma_start3A_249 = tpu.memref_slice %arg7[%dma_start3A_246, %dma_start3A_247, %dma_start3A_248] : memref<2x128x128xf32, #tpu.memory_space<vmem>> -> memref<1x128x128xf32, #tpu.memory_space<vmem>>
      %dma_start3A_250 = tpu.memref_squeeze %dma_start3A_249 : memref<1x128x128xf32, #tpu.memory_space<vmem>> -> memref<128x128xf32, #tpu.memory_space<vmem>>
      %dma_start3A_251 = arith.constant 0 : i32
      %dma_start3A_252 = tpu.memref_slice %arg6[%dma_start3A_243, %dma_start3A_244, %dma_start3A_245, %dma_start3A_251] : memref<2x8x2x128xi32, #tpu.memory_space<vmem>> -> memref<1x1x1x128xi32, #tpu.memory_space<vmem>>
      %dma_start3A_253 = tpu.memref_squeeze %dma_start3A_252 : memref<1x1x1x128xi32, #tpu.memory_space<vmem>> -> memref<128xi32, #tpu.memory_space<vmem>>
      %dma_start3A_254 = arith.constant 0 : i32
      %dma_start3A_255 = arith.constant 0 : i32
      %dma_start3A_256 = tpu.memref_slice %arg2[%dma_start3A_254, %dma_start3A_255] : memref<20000x128xf32, #tpu.memory_space<hbm>> -> memref<20000x128xf32, #tpu.memory_space<hbm>>
      tpu.enqueue_indirect_dma source(%dma_start3A_256 : memref<20000x128xf32, #tpu.memory_space<hbm>>) target(%dma_start3A_250 : memref<128x128xf32, #tpu.memory_space<vmem>>) offsets(%dma_start3A_253 : memref<128xi32, #tpu.memory_space<vmem>>) semaphore(%arg10 : memref<!tpu.dma_semaphore, #tpu.memory_space<semaphore_mem>>)
      %dma_wait3A_257 = arith.constant 0 : i32
      %dma_wait3A_258 = arith.constant 0 : i32
      %dma_wait3A_259 = arith.constant 0 : i32
      %dma_wait3A_260 = arith.constant 0 : i32
      %dma_wait3A_261 = arith.constant 0 : i32
      %dma_wait3A_262 = arith.constant 0 : i32
      %dma_wait3A_263 = tpu.memref_slice %arg7[%dma_wait3A_260, %dma_wait3A_261, %dma_wait3A_262] : memref<2x128x128xf32, #tpu.memory_space<vmem>> -> memref<1x128x128xf32, #tpu.memory_space<vmem>>
      %dma_wait3A_264 = tpu.memref_squeeze %dma_wait3A_263 : memref<1x128x128xf32, #tpu.memory_space<vmem>> -> memref<128x128xf32, #tpu.memory_space<vmem>>
      %dma_wait3A_265 = arith.constant 0 : i32
      %dma_wait3A_266 = tpu.memref_slice %arg6[%dma_wait3A_257, %dma_wait3A_258, %dma_wait3A_259, %dma_wait3A_265] : memref<2x8x2x128xi32, #tpu.memory_space<vmem>> -> memref<1x1x1x128xi32, #tpu.memory_space<vmem>>
      %dma_wait3A_267 = tpu.memref_squeeze %dma_wait3A_266 : memref<1x1x1x128xi32, #tpu.memory_space<vmem>> -> memref<128xi32, #tpu.memory_space<vmem>>
      %dma_wait3A_268 = arith.constant 0 : i32
      %dma_wait3A_269 = arith.constant 0 : i32
      %dma_wait3A_270 = tpu.memref_slice %arg2[%dma_wait3A_268, %dma_wait3A_269] : memref<20000x128xf32, #tpu.memory_space<hbm>> -> memref<20000x128xf32, #tpu.memory_space<hbm>>
      tpu.wait_indirect_dma semaphore(%arg9 : memref<!tpu.dma_semaphore, #tpu.memory_space<semaphore_mem>>) src(%dma_wait3A_270 : memref<20000x128xf32, #tpu.memory_space<hbm>>) dst(%dma_wait3A_264 : memref<128x128xf32, #tpu.memory_space<vmem>>)
      %dma_start3A_271 = arith.constant 0 : i32
      %dma_start3A_272 = arith.constant 0 : i32
      %dma_start3A_273 = arith.constant 2 : i32
      %dma_start3A_274 = arith.constant 1 : i32
      %dma_start3A_275 = arith.constant 0 : i32
      %dma_start3A_276 = arith.constant 0 : i32
      %dma_start3A_277 = tpu.memref_slice %arg7[%dma_start3A_271, %dma_start3A_275, %dma_start3A_276] : memref<2x128x128xf32, #tpu.memory_space<vmem>> -> memref<1x128x128xf32, #tpu.memory_space<vmem>>
      %dma_start3A_278 = tpu.memref_squeeze %dma_start3A_277 : memref<1x128x128xf32, #tpu.memory_space<vmem>> -> memref<128x128xf32, #tpu.memory_space<vmem>>
      %dma_start3A_279 = arith.constant 0 : i32
      %dma_start3A_280 = tpu.memref_slice %arg6[%dma_start3A_272, %dma_start3A_273, %dma_start3A_274, %dma_start3A_279] : memref<2x8x2x128xi32, #tpu.memory_space<vmem>> -> memref<1x1x1x128xi32, #tpu.memory_space<vmem>>
      %dma_start3A_281 = tpu.memref_squeeze %dma_start3A_280 : memref<1x1x1x128xi32, #tpu.memory_space<vmem>> -> memref<128xi32, #tpu.memory_space<vmem>>
      %dma_start3A_282 = arith.constant 0 : i32
      %dma_start3A_283 = arith.constant 0 : i32
      %dma_start3A_284 = tpu.memref_slice %arg8[%dma_start3A_282, %dma_start3A_283] : memref<10008x128xf32, #tpu.memory_space<vmem_shared>> -> memref<10008x128xf32, #tpu.memory_space<vmem_shared>>
      tpu.enqueue_indirect_dma source(%dma_start3A_278 : memref<128x128xf32, #tpu.memory_space<vmem>>) target(%dma_start3A_284 : memref<10008x128xf32, #tpu.memory_space<vmem_shared>>) offsets(%dma_start3A_281 : memref<128xi32, #tpu.memory_space<vmem>>) semaphore(%arg11 : memref<!tpu.dma_semaphore, #tpu.memory_space<semaphore_mem>>) {add = true}
      %dma_wait3A_285 = arith.constant 0 : i32
      %dma_wait3A_286 = arith.constant 0 : i32
      %dma_wait3A_287 = arith.constant 0 : i32
      %dma_wait3A_288 = arith.constant 1 : i32
      %dma_wait3A_289 = arith.constant 0 : i32
      %dma_wait3A_290 = arith.constant 0 : i32
      %dma_wait3A_291 = tpu.memref_slice %arg7[%dma_wait3A_285, %dma_wait3A_289, %dma_wait3A_290] : memref<2x128x128xf32, #tpu.memory_space<vmem>> -> memref<1x128x128xf32, #tpu.memory_space<vmem>>
      %dma_wait3A_292 = tpu.memref_squeeze %dma_wait3A_291 : memref<1x128x128xf32, #tpu.memory_space<vmem>> -> memref<128x128xf32, #tpu.memory_space<vmem>>
      %dma_wait3A_293 = arith.constant 0 : i32
      %dma_wait3A_294 = tpu.memref_slice %arg6[%dma_wait3A_286, %dma_wait3A_287, %dma_wait3A_288, %dma_wait3A_293] : memref<2x8x2x128xi32, #tpu.memory_space<vmem>> -> memref<1x1x1x128xi32, #tpu.memory_space<vmem>>
      %dma_wait3A_295 = tpu.memref_squeeze %dma_wait3A_294 : memref<1x1x1x128xi32, #tpu.memory_space<vmem>> -> memref<128xi32, #tpu.memory_space<vmem>>
      %dma_wait3A_296 = arith.constant 0 : i32
      %dma_wait3A_297 = arith.constant 0 : i32
      %dma_wait3A_298 = tpu.memref_slice %arg8[%dma_wait3A_296, %dma_wait3A_297] : memref<10008x128xf32, #tpu.memory_space<vmem_shared>> -> memref<10008x128xf32, #tpu.memory_space<vmem_shared>>
      tpu.wait_indirect_dma semaphore(%arg11 : memref<!tpu.dma_semaphore, #tpu.memory_space<semaphore_mem>>) src(%dma_wait3A_292 : memref<128x128xf32, #tpu.memory_space<vmem>>) dst(%dma_wait3A_298 : memref<10008x128xf32, #tpu.memory_space<vmem_shared>>)
      %dma_start3A_299 = arith.constant 0 : i32
      %dma_start3A_300 = arith.constant 4 : i32
      %dma_start3A_301 = arith.constant 0 : i32
      %dma_start3A_302 = arith.constant 0 : i32
      %dma_start3A_303 = arith.constant 0 : i32
      %dma_start3A_304 = arith.constant 0 : i32
      %dma_start3A_305 = tpu.memref_slice %arg7[%dma_start3A_302, %dma_start3A_303, %dma_start3A_304] : memref<2x128x128xf32, #tpu.memory_space<vmem>> -> memref<1x128x128xf32, #tpu.memory_space<vmem>>
      %dma_start3A_306 = tpu.memref_squeeze %dma_start3A_305 : memref<1x128x128xf32, #tpu.memory_space<vmem>> -> memref<128x128xf32, #tpu.memory_space<vmem>>
      %dma_start3A_307 = arith.constant 0 : i32
      %dma_start3A_308 = tpu.memref_slice %arg6[%dma_start3A_299, %dma_start3A_300, %dma_start3A_301, %dma_start3A_307] : memref<2x8x2x128xi32, #tpu.memory_space<vmem>> -> memref<1x1x1x128xi32, #tpu.memory_space<vmem>>
      %dma_start3A_309 = tpu.memref_squeeze %dma_start3A_308 : memref<1x1x1x128xi32, #tpu.memory_space<vmem>> -> memref<128xi32, #tpu.memory_space<vmem>>
      %dma_start3A_310 = arith.constant 0 : i32
      %dma_start3A_311 = arith.constant 0 : i32
      %dma_start3A_312 = tpu.memref_slice %arg2[%dma_start3A_310, %dma_start3A_311] : memref<20000x128xf32, #tpu.memory_space<hbm>> -> memref<20000x128xf32, #tpu.memory_space<hbm>>
      tpu.enqueue_indirect_dma source(%dma_start3A_312 : memref<20000x128xf32, #tpu.memory_space<hbm>>) target(%dma_start3A_306 : memref<128x128xf32, #tpu.memory_space<vmem>>) offsets(%dma_start3A_309 : memref<128xi32, #tpu.memory_space<vmem>>) semaphore(%arg9 : memref<!tpu.dma_semaphore, #tpu.memory_space<semaphore_mem>>)
      %dma_wait3A_313 = arith.constant 0 : i32
      %dma_wait3A_314 = arith.constant 0 : i32
      %dma_wait3A_315 = arith.constant 0 : i32
      %dma_wait3A_316 = arith.constant 1 : i32
      %dma_wait3A_317 = arith.constant 0 : i32
      %dma_wait3A_318 = arith.constant 0 : i32
      %dma_wait3A_319 = tpu.memref_slice %arg7[%dma_wait3A_316, %dma_wait3A_317, %dma_wait3A_318] : memref<2x128x128xf32, #tpu.memory_space<vmem>> -> memref<1x128x128xf32, #tpu.memory_space<vmem>>
      %dma_wait3A_320 = tpu.memref_squeeze %dma_wait3A_319 : memref<1x128x128xf32, #tpu.memory_space<vmem>> -> memref<128x128xf32, #tpu.memory_space<vmem>>
      %dma_wait3A_321 = arith.constant 0 : i32
      %dma_wait3A_322 = tpu.memref_slice %arg6[%dma_wait3A_313, %dma_wait3A_314, %dma_wait3A_315, %dma_wait3A_321] : memref<2x8x2x128xi32, #tpu.memory_space<vmem>> -> memref<1x1x1x128xi32, #tpu.memory_space<vmem>>
      %dma_wait3A_323 = tpu.memref_squeeze %dma_wait3A_322 : memref<1x1x1x128xi32, #tpu.memory_space<vmem>> -> memref<128xi32, #tpu.memory_space<vmem>>
      %dma_wait3A_324 = arith.constant 0 : i32
      %dma_wait3A_325 = arith.constant 0 : i32
      %dma_wait3A_326 = tpu.memref_slice %arg2[%dma_wait3A_324, %dma_wait3A_325] : memref<20000x128xf32, #tpu.memory_space<hbm>> -> memref<20000x128xf32, #tpu.memory_space<hbm>>
      tpu.wait_indirect_dma semaphore(%arg10 : memref<!tpu.dma_semaphore, #tpu.memory_space<semaphore_mem>>) src(%dma_wait3A_326 : memref<20000x128xf32, #tpu.memory_space<hbm>>) dst(%dma_wait3A_320 : memref<128x128xf32, #tpu.memory_space<vmem>>)
      %dma_start3A_327 = arith.constant 1 : i32
      %dma_start3A_328 = arith.constant 0 : i32
      %dma_start3A_329 = arith.constant 3 : i32
      %dma_start3A_330 = arith.constant 1 : i32
      %dma_start3A_331 = arith.constant 0 : i32
      %dma_start3A_332 = arith.constant 0 : i32
      %dma_start3A_333 = tpu.memref_slice %arg7[%dma_start3A_327, %dma_start3A_331, %dma_start3A_332] : memref<2x128x128xf32, #tpu.memory_space<vmem>> -> memref<1x128x128xf32, #tpu.memory_space<vmem>>
      %dma_start3A_334 = tpu.memref_squeeze %dma_start3A_333 : memref<1x128x128xf32, #tpu.memory_space<vmem>> -> memref<128x128xf32, #tpu.memory_space<vmem>>
      %dma_start3A_335 = arith.constant 0 : i32
      %dma_start3A_336 = tpu.memref_slice %arg6[%dma_start3A_328, %dma_start3A_329, %dma_start3A_330, %dma_start3A_335] : memref<2x8x2x128xi32, #tpu.memory_space<vmem>> -> memref<1x1x1x128xi32, #tpu.memory_space<vmem>>
      %dma_start3A_337 = tpu.memref_squeeze %dma_start3A_336 : memref<1x1x1x128xi32, #tpu.memory_space<vmem>> -> memref<128xi32, #tpu.memory_space<vmem>>
      %dma_start3A_338 = arith.constant 0 : i32
      %dma_start3A_339 = arith.constant 0 : i32
      %dma_start3A_340 = tpu.memref_slice %arg8[%dma_start3A_338, %dma_start3A_339] : memref<10008x128xf32, #tpu.memory_space<vmem_shared>> -> memref<10008x128xf32, #tpu.memory_space<vmem_shared>>
      tpu.enqueue_indirect_dma source(%dma_start3A_334 : memref<128x128xf32, #tpu.memory_space<vmem>>) target(%dma_start3A_340 : memref<10008x128xf32, #tpu.memory_space<vmem_shared>>) offsets(%dma_start3A_337 : memref<128xi32, #tpu.memory_space<vmem>>) semaphore(%arg12 : memref<!tpu.dma_semaphore, #tpu.memory_space<semaphore_mem>>) {add = true}
      %dma_wait3A_341 = arith.constant 1 : i32
      %dma_wait3A_342 = arith.constant 0 : i32
      %dma_wait3A_343 = arith.constant 0 : i32
      %dma_wait3A_344 = arith.constant 1 : i32
      %dma_wait3A_345 = arith.constant 0 : i32
      %dma_wait3A_346 = arith.constant 0 : i32
      %dma_wait3A_347 = tpu.memref_slice %arg7[%dma_wait3A_341, %dma_wait3A_345, %dma_wait3A_346] : memref<2x128x128xf32, #tpu.memory_space<vmem>> -> memref<1x128x128xf32, #tpu.memory_space<vmem>>
      %dma_wait3A_348 = tpu.memref_squeeze %dma_wait3A_347 : memref<1x128x128xf32, #tpu.memory_space<vmem>> -> memref<128x128xf32, #tpu.memory_space<vmem>>
      %dma_wait3A_349 = arith.constant 0 : i32
      %dma_wait3A_350 = tpu.memref_slice %arg6[%dma_wait3A_342, %dma_wait3A_343, %dma_wait3A_344, %dma_wait3A_349] : memref<2x8x2x128xi32, #tpu.memory_space<vmem>> -> memref<1x1x1x128xi32, #tpu.memory_space<vmem>>
      %dma_wait3A_351 = tpu.memref_squeeze %dma_wait3A_350 : memref<1x1x1x128xi32, #tpu.memory_space<vmem>> -> memref<128xi32, #tpu.memory_space<vmem>>
      %dma_wait3A_352 = arith.constant 0 : i32
      %dma_wait3A_353 = arith.constant 0 : i32
      %dma_wait3A_354 = tpu.memref_slice %arg8[%dma_wait3A_352, %dma_wait3A_353] : memref<10008x128xf32, #tpu.memory_space<vmem_shared>> -> memref<10008x128xf32, #tpu.memory_space<vmem_shared>>
      tpu.wait_indirect_dma semaphore(%arg12 : memref<!tpu.dma_semaphore, #tpu.memory_space<semaphore_mem>>) src(%dma_wait3A_348 : memref<128x128xf32, #tpu.memory_space<vmem>>) dst(%dma_wait3A_354 : memref<10008x128xf32, #tpu.memory_space<vmem_shared>>)
      %dma_start3A_355 = arith.constant 0 : i32
      %dma_start3A_356 = arith.constant 5 : i32
      %dma_start3A_357 = arith.constant 0 : i32
      %dma_start3A_358 = arith.constant 1 : i32
      %dma_start3A_359 = arith.constant 0 : i32
      %dma_start3A_360 = arith.constant 0 : i32
      %dma_start3A_361 = tpu.memref_slice %arg7[%dma_start3A_358, %dma_start3A_359, %dma_start3A_360] : memref<2x128x128xf32, #tpu.memory_space<vmem>> -> memref<1x128x128xf32, #tpu.memory_space<vmem>>
      %dma_start3A_362 = tpu.memref_squeeze %dma_start3A_361 : memref<1x128x128xf32, #tpu.memory_space<vmem>> -> memref<128x128xf32, #tpu.memory_space<vmem>>
      %dma_start3A_363 = arith.constant 0 : i32
      %dma_start3A_364 = tpu.memref_slice %arg6[%dma_start3A_355, %dma_start3A_356, %dma_start3A_357, %dma_start3A_363] : memref<2x8x2x128xi32, #tpu.memory_space<vmem>> -> memref<1x1x1x128xi32, #tpu.memory_space<vmem>>
      %dma_start3A_365 = tpu.memref_squeeze %dma_start3A_364 : memref<1x1x1x128xi32, #tpu.memory_space<vmem>> -> memref<128xi32, #tpu.memory_space<vmem>>
      %dma_start3A_366 = arith.constant 0 : i32
      %dma_start3A_367 = arith.constant 0 : i32
      %dma_start3A_368 = tpu.memref_slice %arg2[%dma_start3A_366, %dma_start3A_367] : memref<20000x128xf32, #tpu.memory_space<hbm>> -> memref<20000x128xf32, #tpu.memory_space<hbm>>
      tpu.enqueue_indirect_dma source(%dma_start3A_368 : memref<20000x128xf32, #tpu.memory_space<hbm>>) target(%dma_start3A_362 : memref<128x128xf32, #tpu.memory_space<vmem>>) offsets(%dma_start3A_365 : memref<128xi32, #tpu.memory_space<vmem>>) semaphore(%arg10 : memref<!tpu.dma_semaphore, #tpu.memory_space<semaphore_mem>>)
      %dma_wait3A_369 = arith.constant 0 : i32
      %dma_wait3A_370 = arith.constant 0 : i32
      %dma_wait3A_371 = arith.constant 0 : i32
      %dma_wait3A_372 = arith.constant 0 : i32
      %dma_wait3A_373 = arith.constant 0 : i32
      %dma_wait3A_374 = arith.constant 0 : i32
      %dma_wait3A_375 = tpu.memref_slice %arg7[%dma_wait3A_372, %dma_wait3A_373, %dma_wait3A_374] : memref<2x128x128xf32, #tpu.memory_space<vmem>> -> memref<1x128x128xf32, #tpu.memory_space<vmem>>
      %dma_wait3A_376 = tpu.memref_squeeze %dma_wait3A_375 : memref<1x128x128xf32, #tpu.memory_space<vmem>> -> memref<128x128xf32, #tpu.memory_space<vmem>>
      %dma_wait3A_377 = arith.constant 0 : i32
      %dma_wait3A_378 = tpu.memref_slice %arg6[%dma_wait3A_369, %dma_wait3A_370, %dma_wait3A_371, %dma_wait3A_377] : memref<2x8x2x128xi32, #tpu.memory_space<vmem>> -> memref<1x1x1x128xi32, #tpu.memory_space<vmem>>
      %dma_wait3A_379 = tpu.memref_squeeze %dma_wait3A_378 : memref<1x1x1x128xi32, #tpu.memory_space<vmem>> -> memref<128xi32, #tpu.memory_space<vmem>>
      %dma_wait3A_380 = arith.constant 0 : i32
      %dma_wait3A_381 = arith.constant 0 : i32
      %dma_wait3A_382 = tpu.memref_slice %arg2[%dma_wait3A_380, %dma_wait3A_381] : memref<20000x128xf32, #tpu.memory_space<hbm>> -> memref<20000x128xf32, #tpu.memory_space<hbm>>
      tpu.wait_indirect_dma semaphore(%arg9 : memref<!tpu.dma_semaphore, #tpu.memory_space<semaphore_mem>>) src(%dma_wait3A_382 : memref<20000x128xf32, #tpu.memory_space<hbm>>) dst(%dma_wait3A_376 : memref<128x128xf32, #tpu.memory_space<vmem>>)
      %dma_start3A_383 = arith.constant 0 : i32
      %dma_start3A_384 = arith.constant 0 : i32
      %dma_start3A_385 = arith.constant 4 : i32
      %dma_start3A_386 = arith.constant 1 : i32
      %dma_start3A_387 = arith.constant 0 : i32
      %dma_start3A_388 = arith.constant 0 : i32
      %dma_start3A_389 = tpu.memref_slice %arg7[%dma_start3A_383, %dma_start3A_387, %dma_start3A_388] : memref<2x128x128xf32, #tpu.memory_space<vmem>> -> memref<1x128x128xf32, #tpu.memory_space<vmem>>
      %dma_start3A_390 = tpu.memref_squeeze %dma_start3A_389 : memref<1x128x128xf32, #tpu.memory_space<vmem>> -> memref<128x128xf32, #tpu.memory_space<vmem>>
      %dma_start3A_391 = arith.constant 0 : i32
      %dma_start3A_392 = tpu.memref_slice %arg6[%dma_start3A_384, %dma_start3A_385, %dma_start3A_386, %dma_start3A_391] : memref<2x8x2x128xi32, #tpu.memory_space<vmem>> -> memref<1x1x1x128xi32, #tpu.memory_space<vmem>>
      %dma_start3A_393 = tpu.memref_squeeze %dma_start3A_392 : memref<1x1x1x128xi32, #tpu.memory_space<vmem>> -> memref<128xi32, #tpu.memory_space<vmem>>
      %dma_start3A_394 = arith.constant 0 : i32
      %dma_start3A_395 = arith.constant 0 : i32
      %dma_start3A_396 = tpu.memref_slice %arg8[%dma_start3A_394, %dma_start3A_395] : memref<10008x128xf32, #tpu.memory_space<vmem_shared>> -> memref<10008x128xf32, #tpu.memory_space<vmem_shared>>
      tpu.enqueue_indirect_dma source(%dma_start3A_390 : memref<128x128xf32, #tpu.memory_space<vmem>>) target(%dma_start3A_396 : memref<10008x128xf32, #tpu.memory_space<vmem_shared>>) offsets(%dma_start3A_393 : memref<128xi32, #tpu.memory_space<vmem>>) semaphore(%arg11 : memref<!tpu.dma_semaphore, #tpu.memory_space<semaphore_mem>>) {add = true}
      %dma_wait3A_397 = arith.constant 0 : i32
      %dma_wait3A_398 = arith.constant 0 : i32
      %dma_wait3A_399 = arith.constant 0 : i32
      %dma_wait3A_400 = arith.constant 1 : i32
      %dma_wait3A_401 = arith.constant 0 : i32
      %dma_wait3A_402 = arith.constant 0 : i32
      %dma_wait3A_403 = tpu.memref_slice %arg7[%dma_wait3A_397, %dma_wait3A_401, %dma_wait3A_402] : memref<2x128x128xf32, #tpu.memory_space<vmem>> -> memref<1x128x128xf32, #tpu.memory_space<vmem>>
      %dma_wait3A_404 = tpu.memref_squeeze %dma_wait3A_403 : memref<1x128x128xf32, #tpu.memory_space<vmem>> -> memref<128x128xf32, #tpu.memory_space<vmem>>
      %dma_wait3A_405 = arith.constant 0 : i32
      %dma_wait3A_406 = tpu.memref_slice %arg6[%dma_wait3A_398, %dma_wait3A_399, %dma_wait3A_400, %dma_wait3A_405] : memref<2x8x2x128xi32, #tpu.memory_space<vmem>> -> memref<1x1x1x128xi32, #tpu.memory_space<vmem>>
      %dma_wait3A_407 = tpu.memref_squeeze %dma_wait3A_406 : memref<1x1x1x128xi32, #tpu.memory_space<vmem>> -> memref<128xi32, #tpu.memory_space<vmem>>
      %dma_wait3A_408 = arith.constant 0 : i32
      %dma_wait3A_409 = arith.constant 0 : i32
      %dma_wait3A_410 = tpu.memref_slice %arg8[%dma_wait3A_408, %dma_wait3A_409] : memref<10008x128xf32, #tpu.memory_space<vmem_shared>> -> memref<10008x128xf32, #tpu.memory_space<vmem_shared>>
      tpu.wait_indirect_dma semaphore(%arg11 : memref<!tpu.dma_semaphore, #tpu.memory_space<semaphore_mem>>) src(%dma_wait3A_404 : memref<128x128xf32, #tpu.memory_space<vmem>>) dst(%dma_wait3A_410 : memref<10008x128xf32, #tpu.memory_space<vmem_shared>>)
      %dma_start3A_411 = arith.constant 0 : i32
      %dma_start3A_412 = arith.constant 6 : i32
      %dma_start3A_413 = arith.constant 0 : i32
      %dma_start3A_414 = arith.constant 0 : i32
      %dma_start3A_415 = arith.constant 0 : i32
      %dma_start3A_416 = arith.constant 0 : i32
      %dma_start3A_417 = tpu.memref_slice %arg7[%dma_start3A_414, %dma_start3A_415, %dma_start3A_416] : memref<2x128x128xf32, #tpu.memory_space<vmem>> -> memref<1x128x128xf32, #tpu.memory_space<vmem>>
      %dma_start3A_418 = tpu.memref_squeeze %dma_start3A_417 : memref<1x128x128xf32, #tpu.memory_space<vmem>> -> memref<128x128xf32, #tpu.memory_space<vmem>>
      %dma_start3A_419 = arith.constant 0 : i32
      %dma_start3A_420 = tpu.memref_slice %arg6[%dma_start3A_411, %dma_start3A_412, %dma_start3A_413, %dma_start3A_419] : memref<2x8x2x128xi32, #tpu.memory_space<vmem>> -> memref<1x1x1x128xi32, #tpu.memory_space<vmem>>
      %dma_start3A_421 = tpu.memref_squeeze %dma_start3A_420 : memref<1x1x1x128xi32, #tpu.memory_space<vmem>> -> memref<128xi32, #tpu.memory_space<vmem>>
      %dma_start3A_422 = arith.constant 0 : i32
      %dma_start3A_423 = arith.constant 0 : i32
      %dma_start3A_424 = tpu.memref_slice %arg2[%dma_start3A_422, %dma_start3A_423] : memref<20000x128xf32, #tpu.memory_space<hbm>> -> memref<20000x128xf32, #tpu.memory_space<hbm>>
      tpu.enqueue_indirect_dma source(%dma_start3A_424 : memref<20000x128xf32, #tpu.memory_space<hbm>>) target(%dma_start3A_418 : memref<128x128xf32, #tpu.memory_space<vmem>>) offsets(%dma_start3A_421 : memref<128xi32, #tpu.memory_space<vmem>>) semaphore(%arg9 : memref<!tpu.dma_semaphore, #tpu.memory_space<semaphore_mem>>)
      %dma_wait3A_425 = arith.constant 0 : i32
      %dma_wait3A_426 = arith.constant 0 : i32
      %dma_wait3A_427 = arith.constant 0 : i32
      %dma_wait3A_428 = arith.constant 1 : i32
      %dma_wait3A_429 = arith.constant 0 : i32
      %dma_wait3A_430 = arith.constant 0 : i32
      %dma_wait3A_431 = tpu.memref_slice %arg7[%dma_wait3A_428, %dma_wait3A_429, %dma_wait3A_430] : memref<2x128x128xf32, #tpu.memory_space<vmem>> -> memref<1x128x128xf32, #tpu.memory_space<vmem>>
      %dma_wait3A_432 = tpu.memref_squeeze %dma_wait3A_431 : memref<1x128x128xf32, #tpu.memory_space<vmem>> -> memref<128x128xf32, #tpu.memory_space<vmem>>
      %dma_wait3A_433 = arith.constant 0 : i32
      %dma_wait3A_434 = tpu.memref_slice %arg6[%dma_wait3A_425, %dma_wait3A_426, %dma_wait3A_427, %dma_wait3A_433] : memref<2x8x2x128xi32, #tpu.memory_space<vmem>> -> memref<1x1x1x128xi32, #tpu.memory_space<vmem>>
      %dma_wait3A_435 = tpu.memref_squeeze %dma_wait3A_434 : memref<1x1x1x128xi32, #tpu.memory_space<vmem>> -> memref<128xi32, #tpu.memory_space<vmem>>
      %dma_wait3A_436 = arith.constant 0 : i32
      %dma_wait3A_437 = arith.constant 0 : i32
      %dma_wait3A_438 = tpu.memref_slice %arg2[%dma_wait3A_436, %dma_wait3A_437] : memref<20000x128xf32, #tpu.memory_space<hbm>> -> memref<20000x128xf32, #tpu.memory_space<hbm>>
      tpu.wait_indirect_dma semaphore(%arg10 : memref<!tpu.dma_semaphore, #tpu.memory_space<semaphore_mem>>) src(%dma_wait3A_438 : memref<20000x128xf32, #tpu.memory_space<hbm>>) dst(%dma_wait3A_432 : memref<128x128xf32, #tpu.memory_space<vmem>>)
      %dma_start3A_439 = arith.constant 1 : i32
      %dma_start3A_440 = arith.constant 0 : i32
      %dma_start3A_441 = arith.constant 5 : i32
      %dma_start3A_442 = arith.constant 1 : i32
      %dma_start3A_443 = arith.constant 0 : i32
      %dma_start3A_444 = arith.constant 0 : i32
      %dma_start3A_445 = tpu.memref_slice %arg7[%dma_start3A_439, %dma_start3A_443, %dma_start3A_444] : memref<2x128x128xf32, #tpu.memory_space<vmem>> -> memref<1x128x128xf32, #tpu.memory_space<vmem>>
      %dma_start3A_446 = tpu.memref_squeeze %dma_start3A_445 : memref<1x128x128xf32, #tpu.memory_space<vmem>> -> memref<128x128xf32, #tpu.memory_space<vmem>>
      %dma_start3A_447 = arith.constant 0 : i32
      %dma_start3A_448 = tpu.memref_slice %arg6[%dma_start3A_440, %dma_start3A_441, %dma_start3A_442, %dma_start3A_447] : memref<2x8x2x128xi32, #tpu.memory_space<vmem>> -> memref<1x1x1x128xi32, #tpu.memory_space<vmem>>
      %dma_start3A_449 = tpu.memref_squeeze %dma_start3A_448 : memref<1x1x1x128xi32, #tpu.memory_space<vmem>> -> memref<128xi32, #tpu.memory_space<vmem>>
      %dma_start3A_450 = arith.constant 0 : i32
      %dma_start3A_451 = arith.constant 0 : i32
      %dma_start3A_452 = tpu.memref_slice %arg8[%dma_start3A_450, %dma_start3A_451] : memref<10008x128xf32, #tpu.memory_space<vmem_shared>> -> memref<10008x128xf32, #tpu.memory_space<vmem_shared>>
      tpu.enqueue_indirect_dma source(%dma_start3A_446 : memref<128x128xf32, #tpu.memory_space<vmem>>) target(%dma_start3A_452 : memref<10008x128xf32, #tpu.memory_space<vmem_shared>>) offsets(%dma_start3A_449 : memref<128xi32, #tpu.memory_space<vmem>>) semaphore(%arg12 : memref<!tpu.dma_semaphore, #tpu.memory_space<semaphore_mem>>) {add = true}
      %dma_wait3A_453 = arith.constant 1 : i32
      %dma_wait3A_454 = arith.constant 0 : i32
      %dma_wait3A_455 = arith.constant 0 : i32
      %dma_wait3A_456 = arith.constant 1 : i32
      %dma_wait3A_457 = arith.constant 0 : i32
      %dma_wait3A_458 = arith.constant 0 : i32
      %dma_wait3A_459 = tpu.memref_slice %arg7[%dma_wait3A_453, %dma_wait3A_457, %dma_wait3A_458] : memref<2x128x128xf32, #tpu.memory_space<vmem>> -> memref<1x128x128xf32, #tpu.memory_space<vmem>>
      %dma_wait3A_460 = tpu.memref_squeeze %dma_wait3A_459 : memref<1x128x128xf32, #tpu.memory_space<vmem>> -> memref<128x128xf32, #tpu.memory_space<vmem>>
      %dma_wait3A_461 = arith.constant 0 : i32
      %dma_wait3A_462 = tpu.memref_slice %arg6[%dma_wait3A_454, %dma_wait3A_455, %dma_wait3A_456, %dma_wait3A_461] : memref<2x8x2x128xi32, #tpu.memory_space<vmem>> -> memref<1x1x1x128xi32, #tpu.memory_space<vmem>>
      %dma_wait3A_463 = tpu.memref_squeeze %dma_wait3A_462 : memref<1x1x1x128xi32, #tpu.memory_space<vmem>> -> memref<128xi32, #tpu.memory_space<vmem>>
      %dma_wait3A_464 = arith.constant 0 : i32
      %dma_wait3A_465 = arith.constant 0 : i32
      %dma_wait3A_466 = tpu.memref_slice %arg8[%dma_wait3A_464, %dma_wait3A_465] : memref<10008x128xf32, #tpu.memory_space<vmem_shared>> -> memref<10008x128xf32, #tpu.memory_space<vmem_shared>>
      tpu.wait_indirect_dma semaphore(%arg12 : memref<!tpu.dma_semaphore, #tpu.memory_space<semaphore_mem>>) src(%dma_wait3A_460 : memref<128x128xf32, #tpu.memory_space<vmem>>) dst(%dma_wait3A_466 : memref<10008x128xf32, #tpu.memory_space<vmem_shared>>)
      %dma_start3A_467 = arith.constant 0 : i32
      %dma_start3A_468 = arith.constant 7 : i32
      %dma_start3A_469 = arith.constant 0 : i32
      %dma_start3A_470 = arith.constant 1 : i32
      %dma_start3A_471 = arith.constant 0 : i32
      %dma_start3A_472 = arith.constant 0 : i32
      %dma_start3A_473 = tpu.memref_slice %arg7[%dma_start3A_470, %dma_start3A_471, %dma_start3A_472] : memref<2x128x128xf32, #tpu.memory_space<vmem>> -> memref<1x128x128xf32, #tpu.memory_space<vmem>>
      %dma_start3A_474 = tpu.memref_squeeze %dma_start3A_473 : memref<1x128x128xf32, #tpu.memory_space<vmem>> -> memref<128x128xf32, #tpu.memory_space<vmem>>
      %dma_start3A_475 = arith.constant 0 : i32
      %dma_start3A_476 = tpu.memref_slice %arg6[%dma_start3A_467, %dma_start3A_468, %dma_start3A_469, %dma_start3A_475] : memref<2x8x2x128xi32, #tpu.memory_space<vmem>> -> memref<1x1x1x128xi32, #tpu.memory_space<vmem>>
      %dma_start3A_477 = tpu.memref_squeeze %dma_start3A_476 : memref<1x1x1x128xi32, #tpu.memory_space<vmem>> -> memref<128xi32, #tpu.memory_space<vmem>>
      %dma_start3A_478 = arith.constant 0 : i32
      %dma_start3A_479 = arith.constant 0 : i32
      %dma_start3A_480 = tpu.memref_slice %arg2[%dma_start3A_478, %dma_start3A_479] : memref<20000x128xf32, #tpu.memory_space<hbm>> -> memref<20000x128xf32, #tpu.memory_space<hbm>>
      tpu.enqueue_indirect_dma source(%dma_start3A_480 : memref<20000x128xf32, #tpu.memory_space<hbm>>) target(%dma_start3A_474 : memref<128x128xf32, #tpu.memory_space<vmem>>) offsets(%dma_start3A_477 : memref<128xi32, #tpu.memory_space<vmem>>) semaphore(%arg10 : memref<!tpu.dma_semaphore, #tpu.memory_space<semaphore_mem>>)
      %dma_wait3A_481 = arith.constant 0 : i32
      %dma_wait3A_482 = arith.constant 0 : i32
      %dma_wait3A_483 = arith.constant 0 : i32
      %dma_wait3A_484 = arith.constant 0 : i32
      %dma_wait3A_485 = arith.constant 0 : i32
      %dma_wait3A_486 = arith.constant 0 : i32
      %dma_wait3A_487 = tpu.memref_slice %arg7[%dma_wait3A_484, %dma_wait3A_485, %dma_wait3A_486] : memref<2x128x128xf32, #tpu.memory_space<vmem>> -> memref<1x128x128xf32, #tpu.memory_space<vmem>>
      %dma_wait3A_488 = tpu.memref_squeeze %dma_wait3A_487 : memref<1x128x128xf32, #tpu.memory_space<vmem>> -> memref<128x128xf32, #tpu.memory_space<vmem>>
      %dma_wait3A_489 = arith.constant 0 : i32
      %dma_wait3A_490 = tpu.memref_slice %arg6[%dma_wait3A_481, %dma_wait3A_482, %dma_wait3A_483, %dma_wait3A_489] : memref<2x8x2x128xi32, #tpu.memory_space<vmem>> -> memref<1x1x1x128xi32, #tpu.memory_space<vmem>>
      %dma_wait3A_491 = tpu.memref_squeeze %dma_wait3A_490 : memref<1x1x1x128xi32, #tpu.memory_space<vmem>> -> memref<128xi32, #tpu.memory_space<vmem>>
      %dma_wait3A_492 = arith.constant 0 : i32
      %dma_wait3A_493 = arith.constant 0 : i32
      %dma_wait3A_494 = tpu.memref_slice %arg2[%dma_wait3A_492, %dma_wait3A_493] : memref<20000x128xf32, #tpu.memory_space<hbm>> -> memref<20000x128xf32, #tpu.memory_space<hbm>>
      tpu.wait_indirect_dma semaphore(%arg9 : memref<!tpu.dma_semaphore, #tpu.memory_space<semaphore_mem>>) src(%dma_wait3A_494 : memref<20000x128xf32, #tpu.memory_space<hbm>>) dst(%dma_wait3A_488 : memref<128x128xf32, #tpu.memory_space<vmem>>)
      %dma_start3A_495 = arith.constant 0 : i32
      %dma_start3A_496 = arith.constant 0 : i32
      %dma_start3A_497 = arith.constant 6 : i32
      %dma_start3A_498 = arith.constant 1 : i32
      %dma_start3A_499 = arith.constant 0 : i32
      %dma_start3A_500 = arith.constant 0 : i32
      %dma_start3A_501 = tpu.memref_slice %arg7[%dma_start3A_495, %dma_start3A_499, %dma_start3A_500] : memref<2x128x128xf32, #tpu.memory_space<vmem>> -> memref<1x128x128xf32, #tpu.memory_space<vmem>>
      %dma_start3A_502 = tpu.memref_squeeze %dma_start3A_501 : memref<1x128x128xf32, #tpu.memory_space<vmem>> -> memref<128x128xf32, #tpu.memory_space<vmem>>
      %dma_start3A_503 = arith.constant 0 : i32
      %dma_start3A_504 = tpu.memref_slice %arg6[%dma_start3A_496, %dma_start3A_497, %dma_start3A_498, %dma_start3A_503] : memref<2x8x2x128xi32, #tpu.memory_space<vmem>> -> memref<1x1x1x128xi32, #tpu.memory_space<vmem>>
      %dma_start3A_505 = tpu.memref_squeeze %dma_start3A_504 : memref<1x1x1x128xi32, #tpu.memory_space<vmem>> -> memref<128xi32, #tpu.memory_space<vmem>>
      %dma_start3A_506 = arith.constant 0 : i32
      %dma_start3A_507 = arith.constant 0 : i32
      %dma_start3A_508 = tpu.memref_slice %arg8[%dma_start3A_506, %dma_start3A_507] : memref<10008x128xf32, #tpu.memory_space<vmem_shared>> -> memref<10008x128xf32, #tpu.memory_space<vmem_shared>>
      tpu.enqueue_indirect_dma source(%dma_start3A_502 : memref<128x128xf32, #tpu.memory_space<vmem>>) target(%dma_start3A_508 : memref<10008x128xf32, #tpu.memory_space<vmem_shared>>) offsets(%dma_start3A_505 : memref<128xi32, #tpu.memory_space<vmem>>) semaphore(%arg11 : memref<!tpu.dma_semaphore, #tpu.memory_space<semaphore_mem>>) {add = true}
      %dma_wait3A_509 = arith.constant 0 : i32
      %dma_wait3A_510 = arith.constant 0 : i32
      %dma_wait3A_511 = arith.constant 0 : i32
      %dma_wait3A_512 = arith.constant 1 : i32
      %dma_wait3A_513 = arith.constant 0 : i32
      %dma_wait3A_514 = arith.constant 0 : i32
      %dma_wait3A_515 = tpu.memref_slice %arg7[%dma_wait3A_509, %dma_wait3A_513, %dma_wait3A_514] : memref<2x128x128xf32, #tpu.memory_space<vmem>> -> memref<1x128x128xf32, #tpu.memory_space<vmem>>
      %dma_wait3A_516 = tpu.memref_squeeze %dma_wait3A_515 : memref<1x128x128xf32, #tpu.memory_space<vmem>> -> memref<128x128xf32, #tpu.memory_space<vmem>>
      %dma_wait3A_517 = arith.constant 0 : i32
      %dma_wait3A_518 = tpu.memref_slice %arg6[%dma_wait3A_510, %dma_wait3A_511, %dma_wait3A_512, %dma_wait3A_517] : memref<2x8x2x128xi32, #tpu.memory_space<vmem>> -> memref<1x1x1x128xi32, #tpu.memory_space<vmem>>
      %dma_wait3A_519 = tpu.memref_squeeze %dma_wait3A_518 : memref<1x1x1x128xi32, #tpu.memory_space<vmem>> -> memref<128xi32, #tpu.memory_space<vmem>>
      %dma_wait3A_520 = arith.constant 0 : i32
      %dma_wait3A_521 = arith.constant 0 : i32
      %dma_wait3A_522 = tpu.memref_slice %arg8[%dma_wait3A_520, %dma_wait3A_521] : memref<10008x128xf32, #tpu.memory_space<vmem_shared>> -> memref<10008x128xf32, #tpu.memory_space<vmem_shared>>
      tpu.wait_indirect_dma semaphore(%arg11 : memref<!tpu.dma_semaphore, #tpu.memory_space<semaphore_mem>>) src(%dma_wait3A_516 : memref<128x128xf32, #tpu.memory_space<vmem>>) dst(%dma_wait3A_522 : memref<10008x128xf32, #tpu.memory_space<vmem_shared>>)
      %dma_wait3A_523 = arith.constant 0 : i32
      %dma_wait3A_524 = arith.constant 1 : i32
      %dma_wait3A_525 = arith.constant 0 : i32
      %dma_wait3A_526 = arith.constant 0 : i32
      %dma_wait3A_527 = arith.constant 0 : i32
      %dma_wait3A_528 = tpu.memref_slice %arg6[%dma_wait3A_524, %dma_wait3A_525, %dma_wait3A_526, %dma_wait3A_527] : memref<2x8x2x128xi32, #tpu.memory_space<vmem>> -> memref<1x8x2x128xi32, #tpu.memory_space<vmem>>
      %dma_wait3A_529 = tpu.memref_squeeze %dma_wait3A_528 : memref<1x8x2x128xi32, #tpu.memory_space<vmem>> -> memref<8x2x128xi32, #tpu.memory_space<vmem>>
      %dma_wait3A_530 = arith.constant 0 : i32
      %dma_wait3A_531 = arith.constant 0 : i32
      %dma_wait3A_532 = arith.constant 0 : i32
      %dma_wait3A_533 = tpu.memref_slice %arg3[%arg0, %arg1, %dma_wait3A_523, %dma_wait3A_530, %dma_wait3A_531, %dma_wait3A_532] : memref<2x16x11x8x2x128xi32, #tpu.memory_space<hbm>> -> memref<1x1x1x8x2x128xi32, #tpu.memory_space<hbm>>
      %dma_wait3A_534 = tpu.memref_squeeze %dma_wait3A_533 : memref<1x1x1x8x2x128xi32, #tpu.memory_space<hbm>> -> memref<8x2x128xi32, #tpu.memory_space<hbm>>
      %dma_wait3A_535 = arith.constant 0 : i32
      %dma_wait3A_536 = arith.constant 0 : i32
      %dma_wait3A_537 = arith.constant 0 : i32
      %dma_wait3A_538 = tpu.memref_slice %arg6[%dma_wait3A_524, %dma_wait3A_535, %dma_wait3A_536, %dma_wait3A_537] : memref<2x8x2x128xi32, #tpu.memory_space<vmem>> -> memref<1x8x2x128xi32, #tpu.memory_space<vmem>>
      %dma_wait3A_539 = tpu.memref_squeeze %dma_wait3A_538 : memref<1x8x2x128xi32, #tpu.memory_space<vmem>> -> memref<8x2x128xi32, #tpu.memory_space<vmem>>
      %dma_wait3A_540 = arith.constant 0 : i32
      %dma_wait3A_541 = arith.constant 0 : i32
      %dma_wait3A_542 = arith.constant 0 : i32
      %dma_wait3A_543 = tpu.memref_slice %arg3[%arg0, %arg1, %dma_wait3A_523, %dma_wait3A_540, %dma_wait3A_541, %dma_wait3A_542] : memref<2x16x11x8x2x128xi32, #tpu.memory_space<hbm>> -> memref<1x1x1x8x2x128xi32, #tpu.memory_space<hbm>>
      %dma_wait3A_544 = tpu.memref_squeeze %dma_wait3A_543 : memref<1x1x1x8x2x128xi32, #tpu.memory_space<hbm>> -> memref<8x2x128xi32, #tpu.memory_space<hbm>>
      tpu.wait_dma2 semaphore(%arg14 : memref<!tpu.dma_semaphore, #tpu.memory_space<semaphore_mem>>) src(%dma_wait3A_544 : memref<8x2x128xi32, #tpu.memory_space<hbm>>) dst(%dma_wait3A_539 : memref<8x2x128xi32, #tpu.memory_space<vmem>>)
      %dma_start3A_545 = arith.constant 1 : i32
      %dma_start3A_546 = arith.constant 0 : i32
      %dma_start3A_547 = arith.constant 0 : i32
      %dma_start3A_548 = arith.constant 0 : i32
      %dma_start3A_549 = arith.constant 0 : i32
      %dma_start3A_550 = arith.constant 0 : i32
      %dma_start3A_551 = tpu.memref_slice %arg7[%dma_start3A_548, %dma_start3A_549, %dma_start3A_550] : memref<2x128x128xf32, #tpu.memory_space<vmem>> -> memref<1x128x128xf32, #tpu.memory_space<vmem>>
      %dma_start3A_552 = tpu.memref_squeeze %dma_start3A_551 : memref<1x128x128xf32, #tpu.memory_space<vmem>> -> memref<128x128xf32, #tpu.memory_space<vmem>>
      %dma_start3A_553 = arith.constant 0 : i32
      %dma_start3A_554 = tpu.memref_slice %arg6[%dma_start3A_545, %dma_start3A_546, %dma_start3A_547, %dma_start3A_553] : memref<2x8x2x128xi32, #tpu.memory_space<vmem>> -> memref<1x1x1x128xi32, #tpu.memory_space<vmem>>
      %dma_start3A_555 = tpu.memref_squeeze %dma_start3A_554 : memref<1x1x1x128xi32, #tpu.memory_space<vmem>> -> memref<128xi32, #tpu.memory_space<vmem>>
      %dma_start3A_556 = arith.constant 0 : i32
      %dma_start3A_557 = arith.constant 0 : i32
      %dma_start3A_558 = tpu.memref_slice %arg2[%dma_start3A_556, %dma_start3A_557] : memref<20000x128xf32, #tpu.memory_space<hbm>> -> memref<20000x128xf32, #tpu.memory_space<hbm>>
      tpu.enqueue_indirect_dma source(%dma_start3A_558 : memref<20000x128xf32, #tpu.memory_space<hbm>>) target(%dma_start3A_552 : memref<128x128xf32, #tpu.memory_space<vmem>>) offsets(%dma_start3A_555 : memref<128xi32, #tpu.memory_space<vmem>>) semaphore(%arg9 : memref<!tpu.dma_semaphore, #tpu.memory_space<semaphore_mem>>)
      %dma_wait3A_559 = arith.constant 0 : i32
      %dma_wait3A_560 = arith.constant 0 : i32
      %dma_wait3A_561 = arith.constant 0 : i32
      %dma_wait3A_562 = arith.constant 1 : i32
      %dma_wait3A_563 = arith.constant 0 : i32
      %dma_wait3A_564 = arith.constant 0 : i32
      %dma_wait3A_565 = tpu.memref_slice %arg7[%dma_wait3A_562, %dma_wait3A_563, %dma_wait3A_564] : memref<2x128x128xf32, #tpu.memory_space<vmem>> -> memref<1x128x128xf32, #tpu.memory_space<vmem>>
      %dma_wait3A_566 = tpu.memref_squeeze %dma_wait3A_565 : memref<1x128x128xf32, #tpu.memory_space<vmem>> -> memref<128x128xf32, #tpu.memory_space<vmem>>
      %dma_wait3A_567 = arith.constant 0 : i32
      %dma_wait3A_568 = tpu.memref_slice %arg6[%dma_wait3A_559, %dma_wait3A_560, %dma_wait3A_561, %dma_wait3A_567] : memref<2x8x2x128xi32, #tpu.memory_space<vmem>> -> memref<1x1x1x128xi32, #tpu.memory_space<vmem>>
      %dma_wait3A_569 = tpu.memref_squeeze %dma_wait3A_568 : memref<1x1x1x128xi32, #tpu.memory_space<vmem>> -> memref<128xi32, #tpu.memory_space<vmem>>
      %dma_wait3A_570 = arith.constant 0 : i32
      %dma_wait3A_571 = arith.constant 0 : i32
      %dma_wait3A_572 = tpu.memref_slice %arg2[%dma_wait3A_570, %dma_wait3A_571] : memref<20000x128xf32, #tpu.memory_space<hbm>> -> memref<20000x128xf32, #tpu.memory_space<hbm>>
      tpu.wait_indirect_dma semaphore(%arg10 : memref<!tpu.dma_semaphore, #tpu.memory_space<semaphore_mem>>) src(%dma_wait3A_572 : memref<20000x128xf32, #tpu.memory_space<hbm>>) dst(%dma_wait3A_566 : memref<128x128xf32, #tpu.memory_space<vmem>>)
      %dma_start3A_573 = arith.constant 1 : i32
      %dma_start3A_574 = arith.constant 0 : i32
      %dma_start3A_575 = arith.constant 7 : i32
      %dma_start3A_576 = arith.constant 1 : i32
      %dma_start3A_577 = arith.constant 0 : i32
      %dma_start3A_578 = arith.constant 0 : i32
      %dma_start3A_579 = tpu.memref_slice %arg7[%dma_start3A_573, %dma_start3A_577, %dma_start3A_578] : memref<2x128x128xf32, #tpu.memory_space<vmem>> -> memref<1x128x128xf32, #tpu.memory_space<vmem>>
      %dma_start3A_580 = tpu.memref_squeeze %dma_start3A_579 : memref<1x128x128xf32, #tpu.memory_space<vmem>> -> memref<128x128xf32, #tpu.memory_space<vmem>>
      %dma_start3A_581 = arith.constant 0 : i32
      %dma_start3A_582 = tpu.memref_slice %arg6[%dma_start3A_574, %dma_start3A_575, %dma_start3A_576, %dma_start3A_581] : memref<2x8x2x128xi32, #tpu.memory_space<vmem>> -> memref<1x1x1x128xi32, #tpu.memory_space<vmem>>
      %dma_start3A_583 = tpu.memref_squeeze %dma_start3A_582 : memref<1x1x1x128xi32, #tpu.memory_space<vmem>> -> memref<128xi32, #tpu.memory_space<vmem>>
      %dma_start3A_584 = arith.constant 0 : i32
      %dma_start3A_585 = arith.constant 0 : i32
      %dma_start3A_586 = tpu.memref_slice %arg8[%dma_start3A_584, %dma_start3A_585] : memref<10008x128xf32, #tpu.memory_space<vmem_shared>> -> memref<10008x128xf32, #tpu.memory_space<vmem_shared>>
      tpu.enqueue_indirect_dma source(%dma_start3A_580 : memref<128x128xf32, #tpu.memory_space<vmem>>) target(%dma_start3A_586 : memref<10008x128xf32, #tpu.memory_space<vmem_shared>>) offsets(%dma_start3A_583 : memref<128xi32, #tpu.memory_space<vmem>>) semaphore(%arg12 : memref<!tpu.dma_semaphore, #tpu.memory_space<semaphore_mem>>) {add = true}
      %mul3A_587 = arith.constant 2 : i32
      %mul3A_588 = arith.muli %mul3A_587, %scan3A_102 : i32
      %add3A_589 = arith.constant 1 : i32
      %add3A_590 = arith.addi %mul3A_588, %add3A_589 : i32
      %gt3A_591 = arith.constant 0 : i32
      %gt3A_592 = arith.cmpi sgt, %add3A_590, %gt3A_591 : i32
      %convert_element_type3A_593 = arith.extui %gt3A_592 : i1 to i32
      %cond3A_594 = arith.constant 0 : i32
      %cond3A_595 = arith.cmpi ne, %convert_element_type3A_593, %cond3A_594 : i32
      scf.if %cond3A_595 {
        %dma_wait3A_1075 = arith.constant 1 : i32
        %dma_wait3A_1076 = arith.constant 0 : i32
        %dma_wait3A_1077 = arith.constant 0 : i32
        %dma_wait3A_1078 = arith.constant 1 : i32
        %dma_wait3A_1079 = arith.constant 0 : i32
        %dma_wait3A_1080 = arith.constant 0 : i32
        %dma_wait3A_1081 = tpu.memref_slice %arg7[%dma_wait3A_1075, %dma_wait3A_1079, %dma_wait3A_1080] : memref<2x128x128xf32, #tpu.memory_space<vmem>> -> memref<1x128x128xf32, #tpu.memory_space<vmem>>
        %dma_wait3A_1082 = tpu.memref_squeeze %dma_wait3A_1081 : memref<1x128x128xf32, #tpu.memory_space<vmem>> -> memref<128x128xf32, #tpu.memory_space<vmem>>
        %dma_wait3A_1083 = arith.constant 0 : i32
        %dma_wait3A_1084 = tpu.memref_slice %arg6[%dma_wait3A_1076, %dma_wait3A_1077, %dma_wait3A_1078, %dma_wait3A_1083] : memref<2x8x2x128xi32, #tpu.memory_space<vmem>> -> memref<1x1x1x128xi32, #tpu.memory_space<vmem>>
        %dma_wait3A_1085 = tpu.memref_squeeze %dma_wait3A_1084 : memref<1x1x1x128xi32, #tpu.memory_space<vmem>> -> memref<128xi32, #tpu.memory_space<vmem>>
        %dma_wait3A_1086 = arith.constant 0 : i32
        %dma_wait3A_1087 = arith.constant 0 : i32
        %dma_wait3A_1088 = tpu.memref_slice %arg8[%dma_wait3A_1086, %dma_wait3A_1087] : memref<10008x128xf32, #tpu.memory_space<vmem_shared>> -> memref<10008x128xf32, #tpu.memory_space<vmem_shared>>
        tpu.wait_indirect_dma semaphore(%arg12 : memref<!tpu.dma_semaphore, #tpu.memory_space<semaphore_mem>>) src(%dma_wait3A_1082 : memref<128x128xf32, #tpu.memory_space<vmem>>) dst(%dma_wait3A_1088 : memref<10008x128xf32, #tpu.memory_space<vmem_shared>>)
      } else {
      }
      %add3A_596 = arith.constant 1 : i32
      %add3A_597 = arith.addi %add3A_590, %add3A_596 : i32
      %dma_start3A_598 = arith.constant 0 : i32
      %dma_start3A_599 = arith.constant 0 : i32
      %dma_start3A_600 = arith.constant 0 : i32
      %dma_start3A_601 = arith.constant 0 : i32
      %dma_start3A_602 = tpu.memref_slice %arg6[%dma_start3A_598, %dma_start3A_599, %dma_start3A_600, %dma_start3A_601] : memref<2x8x2x128xi32, #tpu.memory_space<vmem>> -> memref<1x8x2x128xi32, #tpu.memory_space<vmem>>
      %dma_start3A_603 = tpu.memref_squeeze %dma_start3A_602 : memref<1x8x2x128xi32, #tpu.memory_space<vmem>> -> memref<8x2x128xi32, #tpu.memory_space<vmem>>
      %dma_start3A_604 = arith.constant 0 : i32
      %dma_start3A_605 = arith.constant 0 : i32
      %dma_start3A_606 = arith.constant 0 : i32
      %dma_start3A_607 = tpu.memref_slice %arg3[%arg0, %arg1, %add3A_597, %dma_start3A_604, %dma_start3A_605, %dma_start3A_606] : memref<2x16x11x8x2x128xi32, #tpu.memory_space<hbm>> -> memref<1x1x1x8x2x128xi32, #tpu.memory_space<hbm>>
      %dma_start3A_608 = tpu.memref_squeeze %dma_start3A_607 : memref<1x1x1x8x2x128xi32, #tpu.memory_space<hbm>> -> memref<8x2x128xi32, #tpu.memory_space<hbm>>
      %dma_start3A_609 = arith.constant 0 : i32
      %dma_start3A_610 = arith.constant 0 : i32
      %dma_start3A_611 = arith.constant 0 : i32
      %dma_start3A_612 = tpu.memref_slice %arg6[%dma_start3A_598, %dma_start3A_609, %dma_start3A_610, %dma_start3A_611] : memref<2x8x2x128xi32, #tpu.memory_space<vmem>> -> memref<1x8x2x128xi32, #tpu.memory_space<vmem>>
      %dma_start3A_613 = tpu.memref_squeeze %dma_start3A_612 : memref<1x8x2x128xi32, #tpu.memory_space<vmem>> -> memref<8x2x128xi32, #tpu.memory_space<vmem>>
      %dma_start3A_614 = arith.constant 0 : i32
      %dma_start3A_615 = arith.constant 0 : i32
      %dma_start3A_616 = arith.constant 0 : i32
      %dma_start3A_617 = tpu.memref_slice %arg3[%arg0, %arg1, %add3A_597, %dma_start3A_614, %dma_start3A_615, %dma_start3A_616] : memref<2x16x11x8x2x128xi32, #tpu.memory_space<hbm>> -> memref<1x1x1x8x2x128xi32, #tpu.memory_space<hbm>>
      %dma_start3A_618 = tpu.memref_squeeze %dma_start3A_617 : memref<1x1x1x8x2x128xi32, #tpu.memory_space<hbm>> -> memref<8x2x128xi32, #tpu.memory_space<hbm>>
      tpu.enqueue_dma source(%dma_start3A_618 : memref<8x2x128xi32, #tpu.memory_space<hbm>>) target(%dma_start3A_613 : memref<8x2x128xi32, #tpu.memory_space<vmem>>) target_semaphore(%arg13 : memref<!tpu.dma_semaphore, #tpu.memory_space<semaphore_mem>>)
      %dma_start3A_619 = arith.constant 1 : i32
      %dma_start3A_620 = arith.constant 1 : i32
      %dma_start3A_621 = arith.constant 0 : i32
      %dma_start3A_622 = arith.constant 1 : i32
      %dma_start3A_623 = arith.constant 0 : i32
      %dma_start3A_624 = arith.constant 0 : i32
      %dma_start3A_625 = tpu.memref_slice %arg7[%dma_start3A_622, %dma_start3A_623, %dma_start3A_624] : memref<2x128x128xf32, #tpu.memory_space<vmem>> -> memref<1x128x128xf32, #tpu.memory_space<vmem>>
      %dma_start3A_626 = tpu.memref_squeeze %dma_start3A_625 : memref<1x128x128xf32, #tpu.memory_space<vmem>> -> memref<128x128xf32, #tpu.memory_space<vmem>>
      %dma_start3A_627 = arith.constant 0 : i32
      %dma_start3A_628 = tpu.memref_slice %arg6[%dma_start3A_619, %dma_start3A_620, %dma_start3A_621, %dma_start3A_627] : memref<2x8x2x128xi32, #tpu.memory_space<vmem>> -> memref<1x1x1x128xi32, #tpu.memory_space<vmem>>
      %dma_start3A_629 = tpu.memref_squeeze %dma_start3A_628 : memref<1x1x1x128xi32, #tpu.memory_space<vmem>> -> memref<128xi32, #tpu.memory_space<vmem>>
      %dma_start3A_630 = arith.constant 0 : i32
      %dma_start3A_631 = arith.constant 0 : i32
      %dma_start3A_632 = tpu.memref_slice %arg2[%dma_start3A_630, %dma_start3A_631] : memref<20000x128xf32, #tpu.memory_space<hbm>> -> memref<20000x128xf32, #tpu.memory_space<hbm>>
      tpu.enqueue_indirect_dma source(%dma_start3A_632 : memref<20000x128xf32, #tpu.memory_space<hbm>>) target(%dma_start3A_626 : memref<128x128xf32, #tpu.memory_space<vmem>>) offsets(%dma_start3A_629 : memref<128xi32, #tpu.memory_space<vmem>>) semaphore(%arg10 : memref<!tpu.dma_semaphore, #tpu.memory_space<semaphore_mem>>)
      %dma_wait3A_633 = arith.constant 0 : i32
      %dma_wait3A_634 = arith.constant 0 : i32
      %dma_wait3A_635 = arith.constant 0 : i32
      %dma_wait3A_636 = arith.constant 0 : i32
      %dma_wait3A_637 = arith.constant 0 : i32
      %dma_wait3A_638 = arith.constant 0 : i32
      %dma_wait3A_639 = tpu.memref_slice %arg7[%dma_wait3A_636, %dma_wait3A_637, %dma_wait3A_638] : memref<2x128x128xf32, #tpu.memory_space<vmem>> -> memref<1x128x128xf32, #tpu.memory_space<vmem>>
      %dma_wait3A_640 = tpu.memref_squeeze %dma_wait3A_639 : memref<1x128x128xf32, #tpu.memory_space<vmem>> -> memref<128x128xf32, #tpu.memory_space<vmem>>
      %dma_wait3A_641 = arith.constant 0 : i32
      %dma_wait3A_642 = tpu.memref_slice %arg6[%dma_wait3A_633, %dma_wait3A_634, %dma_wait3A_635, %dma_wait3A_641] : memref<2x8x2x128xi32, #tpu.memory_space<vmem>> -> memref<1x1x1x128xi32, #tpu.memory_space<vmem>>
      %dma_wait3A_643 = tpu.memref_squeeze %dma_wait3A_642 : memref<1x1x1x128xi32, #tpu.memory_space<vmem>> -> memref<128xi32, #tpu.memory_space<vmem>>
      %dma_wait3A_644 = arith.constant 0 : i32
      %dma_wait3A_645 = arith.constant 0 : i32
      %dma_wait3A_646 = tpu.memref_slice %arg2[%dma_wait3A_644, %dma_wait3A_645] : memref<20000x128xf32, #tpu.memory_space<hbm>> -> memref<20000x128xf32, #tpu.memory_space<hbm>>
      tpu.wait_indirect_dma semaphore(%arg9 : memref<!tpu.dma_semaphore, #tpu.memory_space<semaphore_mem>>) src(%dma_wait3A_646 : memref<20000x128xf32, #tpu.memory_space<hbm>>) dst(%dma_wait3A_640 : memref<128x128xf32, #tpu.memory_space<vmem>>)
      %dma_start3A_647 = arith.constant 0 : i32
      %dma_start3A_648 = arith.constant 1 : i32
      %dma_start3A_649 = arith.constant 0 : i32
      %dma_start3A_650 = arith.constant 1 : i32
      %dma_start3A_651 = arith.constant 0 : i32
      %dma_start3A_652 = arith.constant 0 : i32
      %dma_start3A_653 = tpu.memref_slice %arg7[%dma_start3A_647, %dma_start3A_651, %dma_start3A_652] : memref<2x128x128xf32, #tpu.memory_space<vmem>> -> memref<1x128x128xf32, #tpu.memory_space<vmem>>
      %dma_start3A_654 = tpu.memref_squeeze %dma_start3A_653 : memref<1x128x128xf32, #tpu.memory_space<vmem>> -> memref<128x128xf32, #tpu.memory_space<vmem>>
      %dma_start3A_655 = arith.constant 0 : i32
      %dma_start3A_656 = tpu.memref_slice %arg6[%dma_start3A_648, %dma_start3A_649, %dma_start3A_650, %dma_start3A_655] : memref<2x8x2x128xi32, #tpu.memory_space<vmem>> -> memref<1x1x1x128xi32, #tpu.memory_space<vmem>>
      %dma_start3A_657 = tpu.memref_squeeze %dma_start3A_656 : memref<1x1x1x128xi32, #tpu.memory_space<vmem>> -> memref<128xi32, #tpu.memory_space<vmem>>
      %dma_start3A_658 = arith.constant 0 : i32
      %dma_start3A_659 = arith.constant 0 : i32
      %dma_start3A_660 = tpu.memref_slice %arg8[%dma_start3A_658, %dma_start3A_659] : memref<10008x128xf32, #tpu.memory_space<vmem_shared>> -> memref<10008x128xf32, #tpu.memory_space<vmem_shared>>
      tpu.enqueue_indirect_dma source(%dma_start3A_654 : memref<128x128xf32, #tpu.memory_space<vmem>>) target(%dma_start3A_660 : memref<10008x128xf32, #tpu.memory_space<vmem_shared>>) offsets(%dma_start3A_657 : memref<128xi32, #tpu.memory_space<vmem>>) semaphore(%arg11 : memref<!tpu.dma_semaphore, #tpu.memory_space<semaphore_mem>>) {add = true}
      %dma_wait3A_661 = arith.constant 0 : i32
      %dma_wait3A_662 = arith.constant 0 : i32
      %dma_wait3A_663 = arith.constant 0 : i32
      %dma_wait3A_664 = arith.constant 1 : i32
      %dma_wait3A_665 = arith.constant 0 : i32
      %dma_wait3A_666 = arith.constant 0 : i32
      %dma_wait3A_667 = tpu.memref_slice %arg7[%dma_wait3A_661, %dma_wait3A_665, %dma_wait3A_666] : memref<2x128x128xf32, #tpu.memory_space<vmem>> -> memref<1x128x128xf32, #tpu.memory_space<vmem>>
      %dma_wait3A_668 = tpu.memref_squeeze %dma_wait3A_667 : memref<1x128x128xf32, #tpu.memory_space<vmem>> -> memref<128x128xf32, #tpu.memory_space<vmem>>
      %dma_wait3A_669 = arith.constant 0 : i32
      %dma_wait3A_670 = tpu.memref_slice %arg6[%dma_wait3A_662, %dma_wait3A_663, %dma_wait3A_664, %dma_wait3A_669] : memref<2x8x2x128xi32, #tpu.memory_space<vmem>> -> memref<1x1x1x128xi32, #tpu.memory_space<vmem>>
      %dma_wait3A_671 = tpu.memref_squeeze %dma_wait3A_670 : memref<1x1x1x128xi32, #tpu.memory_space<vmem>> -> memref<128xi32, #tpu.memory_space<vmem>>
      %dma_wait3A_672 = arith.constant 0 : i32
      %dma_wait3A_673 = arith.constant 0 : i32
      %dma_wait3A_674 = tpu.memref_slice %arg8[%dma_wait3A_672, %dma_wait3A_673] : memref<10008x128xf32, #tpu.memory_space<vmem_shared>> -> memref<10008x128xf32, #tpu.memory_space<vmem_shared>>
      tpu.wait_indirect_dma semaphore(%arg11 : memref<!tpu.dma_semaphore, #tpu.memory_space<semaphore_mem>>) src(%dma_wait3A_668 : memref<128x128xf32, #tpu.memory_space<vmem>>) dst(%dma_wait3A_674 : memref<10008x128xf32, #tpu.memory_space<vmem_shared>>)
      %dma_start3A_675 = arith.constant 1 : i32
      %dma_start3A_676 = arith.constant 2 : i32
      %dma_start3A_677 = arith.constant 0 : i32
      %dma_start3A_678 = arith.constant 0 : i32
      %dma_start3A_679 = arith.constant 0 : i32
      %dma_start3A_680 = arith.constant 0 : i32
      %dma_start3A_681 = tpu.memref_slice %arg7[%dma_start3A_678, %dma_start3A_679, %dma_start3A_680] : memref<2x128x128xf32, #tpu.memory_space<vmem>> -> memref<1x128x128xf32, #tpu.memory_space<vmem>>
      %dma_start3A_682 = tpu.memref_squeeze %dma_start3A_681 : memref<1x128x128xf32, #tpu.memory_space<vmem>> -> memref<128x128xf32, #tpu.memory_space<vmem>>
      %dma_start3A_683 = arith.constant 0 : i32
      %dma_start3A_684 = tpu.memref_slice %arg6[%dma_start3A_675, %dma_start3A_676, %dma_start3A_677, %dma_start3A_683] : memref<2x8x2x128xi32, #tpu.memory_space<vmem>> -> memref<1x1x1x128xi32, #tpu.memory_space<vmem>>
      %dma_start3A_685 = tpu.memref_squeeze %dma_start3A_684 : memref<1x1x1x128xi32, #tpu.memory_space<vmem>> -> memref<128xi32, #tpu.memory_space<vmem>>
      %dma_start3A_686 = arith.constant 0 : i32
      %dma_start3A_687 = arith.constant 0 : i32
      %dma_start3A_688 = tpu.memref_slice %arg2[%dma_start3A_686, %dma_start3A_687] : memref<20000x128xf32, #tpu.memory_space<hbm>> -> memref<20000x128xf32, #tpu.memory_space<hbm>>
      tpu.enqueue_indirect_dma source(%dma_start3A_688 : memref<20000x128xf32, #tpu.memory_space<hbm>>) target(%dma_start3A_682 : memref<128x128xf32, #tpu.memory_space<vmem>>) offsets(%dma_start3A_685 : memref<128xi32, #tpu.memory_space<vmem>>) semaphore(%arg9 : memref<!tpu.dma_semaphore, #tpu.memory_space<semaphore_mem>>)
      %dma_wait3A_689 = arith.constant 0 : i32
      %dma_wait3A_690 = arith.constant 0 : i32
      %dma_wait3A_691 = arith.constant 0 : i32
      %dma_wait3A_692 = arith.constant 1 : i32
      %dma_wait3A_693 = arith.constant 0 : i32
      %dma_wait3A_694 = arith.constant 0 : i32
      %dma_wait3A_695 = tpu.memref_slice %arg7[%dma_wait3A_692, %dma_wait3A_693, %dma_wait3A_694] : memref<2x128x128xf32, #tpu.memory_space<vmem>> -> memref<1x128x128xf32, #tpu.memory_space<vmem>>
      %dma_wait3A_696 = tpu.memref_squeeze %dma_wait3A_695 : memref<1x128x128xf32, #tpu.memory_space<vmem>> -> memref<128x128xf32, #tpu.memory_space<vmem>>
      %dma_wait3A_697 = arith.constant 0 : i32
      %dma_wait3A_698 = tpu.memref_slice %arg6[%dma_wait3A_689, %dma_wait3A_690, %dma_wait3A_691, %dma_wait3A_697] : memref<2x8x2x128xi32, #tpu.memory_space<vmem>> -> memref<1x1x1x128xi32, #tpu.memory_space<vmem>>
      %dma_wait3A_699 = tpu.memref_squeeze %dma_wait3A_698 : memref<1x1x1x128xi32, #tpu.memory_space<vmem>> -> memref<128xi32, #tpu.memory_space<vmem>>
      %dma_wait3A_700 = arith.constant 0 : i32
      %dma_wait3A_701 = arith.constant 0 : i32
      %dma_wait3A_702 = tpu.memref_slice %arg2[%dma_wait3A_700, %dma_wait3A_701] : memref<20000x128xf32, #tpu.memory_space<hbm>> -> memref<20000x128xf32, #tpu.memory_space<hbm>>
      tpu.wait_indirect_dma semaphore(%arg10 : memref<!tpu.dma_semaphore, #tpu.memory_space<semaphore_mem>>) src(%dma_wait3A_702 : memref<20000x128xf32, #tpu.memory_space<hbm>>) dst(%dma_wait3A_696 : memref<128x128xf32, #tpu.memory_space<vmem>>)
      %dma_start3A_703 = arith.constant 1 : i32
      %dma_start3A_704 = arith.constant 1 : i32
      %dma_start3A_705 = arith.constant 1 : i32
      %dma_start3A_706 = arith.constant 1 : i32
      %dma_start3A_707 = arith.constant 0 : i32
      %dma_start3A_708 = arith.constant 0 : i32
      %dma_start3A_709 = tpu.memref_slice %arg7[%dma_start3A_703, %dma_start3A_707, %dma_start3A_708] : memref<2x128x128xf32, #tpu.memory_space<vmem>> -> memref<1x128x128xf32, #tpu.memory_space<vmem>>
      %dma_start3A_710 = tpu.memref_squeeze %dma_start3A_709 : memref<1x128x128xf32, #tpu.memory_space<vmem>> -> memref<128x128xf32, #tpu.memory_space<vmem>>
      %dma_start3A_711 = arith.constant 0 : i32
      %dma_start3A_712 = tpu.memref_slice %arg6[%dma_start3A_704, %dma_start3A_705, %dma_start3A_706, %dma_start3A_711] : memref<2x8x2x128xi32, #tpu.memory_space<vmem>> -> memref<1x1x1x128xi32, #tpu.memory_space<vmem>>
      %dma_start3A_713 = tpu.memref_squeeze %dma_start3A_712 : memref<1x1x1x128xi32, #tpu.memory_space<vmem>> -> memref<128xi32, #tpu.memory_space<vmem>>
      %dma_start3A_714 = arith.constant 0 : i32
      %dma_start3A_715 = arith.constant 0 : i32
      %dma_start3A_716 = tpu.memref_slice %arg8[%dma_start3A_714, %dma_start3A_715] : memref<10008x128xf32, #tpu.memory_space<vmem_shared>> -> memref<10008x128xf32, #tpu.memory_space<vmem_shared>>
      tpu.enqueue_indirect_dma source(%dma_start3A_710 : memref<128x128xf32, #tpu.memory_space<vmem>>) target(%dma_start3A_716 : memref<10008x128xf32, #tpu.memory_space<vmem_shared>>) offsets(%dma_start3A_713 : memref<128xi32, #tpu.memory_space<vmem>>) semaphore(%arg12 : memref<!tpu.dma_semaphore, #tpu.memory_space<semaphore_mem>>) {add = true}
      %dma_wait3A_717 = arith.constant 1 : i32
      %dma_wait3A_718 = arith.constant 0 : i32
      %dma_wait3A_719 = arith.constant 0 : i32
      %dma_wait3A_720 = arith.constant 1 : i32
      %dma_wait3A_721 = arith.constant 0 : i32
      %dma_wait3A_722 = arith.constant 0 : i32
      %dma_wait3A_723 = tpu.memref_slice %arg7[%dma_wait3A_717, %dma_wait3A_721, %dma_wait3A_722] : memref<2x128x128xf32, #tpu.memory_space<vmem>> -> memref<1x128x128xf32, #tpu.memory_space<vmem>>
      %dma_wait3A_724 = tpu.memref_squeeze %dma_wait3A_723 : memref<1x128x128xf32, #tpu.memory_space<vmem>> -> memref<128x128xf32, #tpu.memory_space<vmem>>
      %dma_wait3A_725 = arith.constant 0 : i32
      %dma_wait3A_726 = tpu.memref_slice %arg6[%dma_wait3A_718, %dma_wait3A_719, %dma_wait3A_720, %dma_wait3A_725] : memref<2x8x2x128xi32, #tpu.memory_space<vmem>> -> memref<1x1x1x128xi32, #tpu.memory_space<vmem>>
      %dma_wait3A_727 = tpu.memref_squeeze %dma_wait3A_726 : memref<1x1x1x128xi32, #tpu.memory_space<vmem>> -> memref<128xi32, #tpu.memory_space<vmem>>
      %dma_wait3A_728 = arith.constant 0 : i32
      %dma_wait3A_729 = arith.constant 0 : i32
      %dma_wait3A_730 = tpu.memref_slice %arg8[%dma_wait3A_728, %dma_wait3A_729] : memref<10008x128xf32, #tpu.memory_space<vmem_shared>> -> memref<10008x128xf32, #tpu.memory_space<vmem_shared>>
      tpu.wait_indirect_dma semaphore(%arg12 : memref<!tpu.dma_semaphore, #tpu.memory_space<semaphore_mem>>) src(%dma_wait3A_724 : memref<128x128xf32, #tpu.memory_space<vmem>>) dst(%dma_wait3A_730 : memref<10008x128xf32, #tpu.memory_space<vmem_shared>>)
      %dma_start3A_731 = arith.constant 1 : i32
      %dma_start3A_732 = arith.constant 3 : i32
      %dma_start3A_733 = arith.constant 0 : i32
      %dma_start3A_734 = arith.constant 1 : i32
      %dma_start3A_735 = arith.constant 0 : i32
      %dma_start3A_736 = arith.constant 0 : i32
      %dma_start3A_737 = tpu.memref_slice %arg7[%dma_start3A_734, %dma_start3A_735, %dma_start3A_736] : memref<2x128x128xf32, #tpu.memory_space<vmem>> -> memref<1x128x128xf32, #tpu.memory_space<vmem>>
      %dma_start3A_738 = tpu.memref_squeeze %dma_start3A_737 : memref<1x128x128xf32, #tpu.memory_space<vmem>> -> memref<128x128xf32, #tpu.memory_space<vmem>>
      %dma_start3A_739 = arith.constant 0 : i32
      %dma_start3A_740 = tpu.memref_slice %arg6[%dma_start3A_731, %dma_start3A_732, %dma_start3A_733, %dma_start3A_739] : memref<2x8x2x128xi32, #tpu.memory_space<vmem>> -> memref<1x1x1x128xi32, #tpu.memory_space<vmem>>
      %dma_start3A_741 = tpu.memref_squeeze %dma_start3A_740 : memref<1x1x1x128xi32, #tpu.memory_space<vmem>> -> memref<128xi32, #tpu.memory_space<vmem>>
      %dma_start3A_742 = arith.constant 0 : i32
      %dma_start3A_743 = arith.constant 0 : i32
      %dma_start3A_744 = tpu.memref_slice %arg2[%dma_start3A_742, %dma_start3A_743] : memref<20000x128xf32, #tpu.memory_space<hbm>> -> memref<20000x128xf32, #tpu.memory_space<hbm>>
      tpu.enqueue_indirect_dma source(%dma_start3A_744 : memref<20000x128xf32, #tpu.memory_space<hbm>>) target(%dma_start3A_738 : memref<128x128xf32, #tpu.memory_space<vmem>>) offsets(%dma_start3A_741 : memref<128xi32, #tpu.memory_space<vmem>>) semaphore(%arg10 : memref<!tpu.dma_semaphore, #tpu.memory_space<semaphore_mem>>)
      %dma_wait3A_745 = arith.constant 0 : i32
      %dma_wait3A_746 = arith.constant 0 : i32
      %dma_wait3A_747 = arith.constant 0 : i32
      %dma_wait3A_748 = arith.constant 0 : i32
      %dma_wait3A_749 = arith.constant 0 : i32
      %dma_wait3A_750 = arith.constant 0 : i32
      %dma_wait3A_751 = tpu.memref_slice %arg7[%dma_wait3A_748, %dma_wait3A_749, %dma_wait3A_750] : memref<2x128x128xf32, #tpu.memory_space<vmem>> -> memref<1x128x128xf32, #tpu.memory_space<vmem>>
      %dma_wait3A_752 = tpu.memref_squeeze %dma_wait3A_751 : memref<1x128x128xf32, #tpu.memory_space<vmem>> -> memref<128x128xf32, #tpu.memory_space<vmem>>
      %dma_wait3A_753 = arith.constant 0 : i32
      %dma_wait3A_754 = tpu.memref_slice %arg6[%dma_wait3A_745, %dma_wait3A_746, %dma_wait3A_747, %dma_wait3A_753] : memref<2x8x2x128xi32, #tpu.memory_space<vmem>> -> memref<1x1x1x128xi32, #tpu.memory_space<vmem>>
      %dma_wait3A_755 = tpu.memref_squeeze %dma_wait3A_754 : memref<1x1x1x128xi32, #tpu.memory_space<vmem>> -> memref<128xi32, #tpu.memory_space<vmem>>
      %dma_wait3A_756 = arith.constant 0 : i32
      %dma_wait3A_757 = arith.constant 0 : i32
      %dma_wait3A_758 = tpu.memref_slice %arg2[%dma_wait3A_756, %dma_wait3A_757] : memref<20000x128xf32, #tpu.memory_space<hbm>> -> memref<20000x128xf32, #tpu.memory_space<hbm>>
      tpu.wait_indirect_dma semaphore(%arg9 : memref<!tpu.dma_semaphore, #tpu.memory_space<semaphore_mem>>) src(%dma_wait3A_758 : memref<20000x128xf32, #tpu.memory_space<hbm>>) dst(%dma_wait3A_752 : memref<128x128xf32, #tpu.memory_space<vmem>>)
      %dma_start3A_759 = arith.constant 0 : i32
      %dma_start3A_760 = arith.constant 1 : i32
      %dma_start3A_761 = arith.constant 2 : i32
      %dma_start3A_762 = arith.constant 1 : i32
      %dma_start3A_763 = arith.constant 0 : i32
      %dma_start3A_764 = arith.constant 0 : i32
      %dma_start3A_765 = tpu.memref_slice %arg7[%dma_start3A_759, %dma_start3A_763, %dma_start3A_764] : memref<2x128x128xf32, #tpu.memory_space<vmem>> -> memref<1x128x128xf32, #tpu.memory_space<vmem>>
      %dma_start3A_766 = tpu.memref_squeeze %dma_start3A_765 : memref<1x128x128xf32, #tpu.memory_space<vmem>> -> memref<128x128xf32, #tpu.memory_space<vmem>>
      %dma_start3A_767 = arith.constant 0 : i32
      %dma_start3A_768 = tpu.memref_slice %arg6[%dma_start3A_760, %dma_start3A_761, %dma_start3A_762, %dma_start3A_767] : memref<2x8x2x128xi32, #tpu.memory_space<vmem>> -> memref<1x1x1x128xi32, #tpu.memory_space<vmem>>
      %dma_start3A_769 = tpu.memref_squeeze %dma_start3A_768 : memref<1x1x1x128xi32, #tpu.memory_space<vmem>> -> memref<128xi32, #tpu.memory_space<vmem>>
      %dma_start3A_770 = arith.constant 0 : i32
      %dma_start3A_771 = arith.constant 0 : i32
      %dma_start3A_772 = tpu.memref_slice %arg8[%dma_start3A_770, %dma_start3A_771] : memref<10008x128xf32, #tpu.memory_space<vmem_shared>> -> memref<10008x128xf32, #tpu.memory_space<vmem_shared>>
      tpu.enqueue_indirect_dma source(%dma_start3A_766 : memref<128x128xf32, #tpu.memory_space<vmem>>) target(%dma_start3A_772 : memref<10008x128xf32, #tpu.memory_space<vmem_shared>>) offsets(%dma_start3A_769 : memref<128xi32, #tpu.memory_space<vmem>>) semaphore(%arg11 : memref<!tpu.dma_semaphore, #tpu.memory_space<semaphore_mem>>) {add = true}
      %dma_wait3A_773 = arith.constant 0 : i32
      %dma_wait3A_774 = arith.constant 0 : i32
      %dma_wait3A_775 = arith.constant 0 : i32
      %dma_wait3A_776 = arith.constant 1 : i32
      %dma_wait3A_777 = arith.constant 0 : i32
      %dma_wait3A_778 = arith.constant 0 : i32
      %dma_wait3A_779 = tpu.memref_slice %arg7[%dma_wait3A_773, %dma_wait3A_777, %dma_wait3A_778] : memref<2x128x128xf32, #tpu.memory_space<vmem>> -> memref<1x128x128xf32, #tpu.memory_space<vmem>>
      %dma_wait3A_780 = tpu.memref_squeeze %dma_wait3A_779 : memref<1x128x128xf32, #tpu.memory_space<vmem>> -> memref<128x128xf32, #tpu.memory_space<vmem>>
      %dma_wait3A_781 = arith.constant 0 : i32
      %dma_wait3A_782 = tpu.memref_slice %arg6[%dma_wait3A_774, %dma_wait3A_775, %dma_wait3A_776, %dma_wait3A_781] : memref<2x8x2x128xi32, #tpu.memory_space<vmem>> -> memref<1x1x1x128xi32, #tpu.memory_space<vmem>>
      %dma_wait3A_783 = tpu.memref_squeeze %dma_wait3A_782 : memref<1x1x1x128xi32, #tpu.memory_space<vmem>> -> memref<128xi32, #tpu.memory_space<vmem>>
      %dma_wait3A_784 = arith.constant 0 : i32
      %dma_wait3A_785 = arith.constant 0 : i32
      %dma_wait3A_786 = tpu.memref_slice %arg8[%dma_wait3A_784, %dma_wait3A_785] : memref<10008x128xf32, #tpu.memory_space<vmem_shared>> -> memref<10008x128xf32, #tpu.memory_space<vmem_shared>>
      tpu.wait_indirect_dma semaphore(%arg11 : memref<!tpu.dma_semaphore, #tpu.memory_space<semaphore_mem>>) src(%dma_wait3A_780 : memref<128x128xf32, #tpu.memory_space<vmem>>) dst(%dma_wait3A_786 : memref<10008x128xf32, #tpu.memory_space<vmem_shared>>)
      %dma_start3A_787 = arith.constant 1 : i32
      %dma_start3A_788 = arith.constant 4 : i32
      %dma_start3A_789 = arith.constant 0 : i32
      %dma_start3A_790 = arith.constant 0 : i32
      %dma_start3A_791 = arith.constant 0 : i32
      %dma_start3A_792 = arith.constant 0 : i32
      %dma_start3A_793 = tpu.memref_slice %arg7[%dma_start3A_790, %dma_start3A_791, %dma_start3A_792] : memref<2x128x128xf32, #tpu.memory_space<vmem>> -> memref<1x128x128xf32, #tpu.memory_space<vmem>>
      %dma_start3A_794 = tpu.memref_squeeze %dma_start3A_793 : memref<1x128x128xf32, #tpu.memory_space<vmem>> -> memref<128x128xf32, #tpu.memory_space<vmem>>
      %dma_start3A_795 = arith.constant 0 : i32
      %dma_start3A_796 = tpu.memref_slice %arg6[%dma_start3A_787, %dma_start3A_788, %dma_start3A_789, %dma_start3A_795] : memref<2x8x2x128xi32, #tpu.memory_space<vmem>> -> memref<1x1x1x128xi32, #tpu.memory_space<vmem>>
      %dma_start3A_797 = tpu.memref_squeeze %dma_start3A_796 : memref<1x1x1x128xi32, #tpu.memory_space<vmem>> -> memref<128xi32, #tpu.memory_space<vmem>>
      %dma_start3A_798 = arith.constant 0 : i32
      %dma_start3A_799 = arith.constant 0 : i32
      %dma_start3A_800 = tpu.memref_slice %arg2[%dma_start3A_798, %dma_start3A_799] : memref<20000x128xf32, #tpu.memory_space<hbm>> -> memref<20000x128xf32, #tpu.memory_space<hbm>>
      tpu.enqueue_indirect_dma source(%dma_start3A_800 : memref<20000x128xf32, #tpu.memory_space<hbm>>) target(%dma_start3A_794 : memref<128x128xf32, #tpu.memory_space<vmem>>) offsets(%dma_start3A_797 : memref<128xi32, #tpu.memory_space<vmem>>) semaphore(%arg9 : memref<!tpu.dma_semaphore, #tpu.memory_space<semaphore_mem>>)
      %dma_wait3A_801 = arith.constant 0 : i32
      %dma_wait3A_802 = arith.constant 0 : i32
      %dma_wait3A_803 = arith.constant 0 : i32
      %dma_wait3A_804 = arith.constant 1 : i32
      %dma_wait3A_805 = arith.constant 0 : i32
      %dma_wait3A_806 = arith.constant 0 : i32
      %dma_wait3A_807 = tpu.memref_slice %arg7[%dma_wait3A_804, %dma_wait3A_805, %dma_wait3A_806] : memref<2x128x128xf32, #tpu.memory_space<vmem>> -> memref<1x128x128xf32, #tpu.memory_space<vmem>>
      %dma_wait3A_808 = tpu.memref_squeeze %dma_wait3A_807 : memref<1x128x128xf32, #tpu.memory_space<vmem>> -> memref<128x128xf32, #tpu.memory_space<vmem>>
      %dma_wait3A_809 = arith.constant 0 : i32
      %dma_wait3A_810 = tpu.memref_slice %arg6[%dma_wait3A_801, %dma_wait3A_802, %dma_wait3A_803, %dma_wait3A_809] : memref<2x8x2x128xi32, #tpu.memory_space<vmem>> -> memref<1x1x1x128xi32, #tpu.memory_space<vmem>>
      %dma_wait3A_811 = tpu.memref_squeeze %dma_wait3A_810 : memref<1x1x1x128xi32, #tpu.memory_space<vmem>> -> memref<128xi32, #tpu.memory_space<vmem>>
      %dma_wait3A_812 = arith.constant 0 : i32
      %dma_wait3A_813 = arith.constant 0 : i32
      %dma_wait3A_814 = tpu.memref_slice %arg2[%dma_wait3A_812, %dma_wait3A_813] : memref<20000x128xf32, #tpu.memory_space<hbm>> -> memref<20000x128xf32, #tpu.memory_space<hbm>>
      tpu.wait_indirect_dma semaphore(%arg10 : memref<!tpu.dma_semaphore, #tpu.memory_space<semaphore_mem>>) src(%dma_wait3A_814 : memref<20000x128xf32, #tpu.memory_space<hbm>>) dst(%dma_wait3A_808 : memref<128x128xf32, #tpu.memory_space<vmem>>)
      %dma_start3A_815 = arith.constant 1 : i32
      %dma_start3A_816 = arith.constant 1 : i32
      %dma_start3A_817 = arith.constant 3 : i32
      %dma_start3A_818 = arith.constant 1 : i32
      %dma_start3A_819 = arith.constant 0 : i32
      %dma_start3A_820 = arith.constant 0 : i32
      %dma_start3A_821 = tpu.memref_slice %arg7[%dma_start3A_815, %dma_start3A_819, %dma_start3A_820] : memref<2x128x128xf32, #tpu.memory_space<vmem>> -> memref<1x128x128xf32, #tpu.memory_space<vmem>>
      %dma_start3A_822 = tpu.memref_squeeze %dma_start3A_821 : memref<1x128x128xf32, #tpu.memory_space<vmem>> -> memref<128x128xf32, #tpu.memory_space<vmem>>
      %dma_start3A_823 = arith.constant 0 : i32
      %dma_start3A_824 = tpu.memref_slice %arg6[%dma_start3A_816, %dma_start3A_817, %dma_start3A_818, %dma_start3A_823] : memref<2x8x2x128xi32, #tpu.memory_space<vmem>> -> memref<1x1x1x128xi32, #tpu.memory_space<vmem>>
      %dma_start3A_825 = tpu.memref_squeeze %dma_start3A_824 : memref<1x1x1x128xi32, #tpu.memory_space<vmem>> -> memref<128xi32, #tpu.memory_space<vmem>>
      %dma_start3A_826 = arith.constant 0 : i32
      %dma_start3A_827 = arith.constant 0 : i32
      %dma_start3A_828 = tpu.memref_slice %arg8[%dma_start3A_826, %dma_start3A_827] : memref<10008x128xf32, #tpu.memory_space<vmem_shared>> -> memref<10008x128xf32, #tpu.memory_space<vmem_shared>>
      tpu.enqueue_indirect_dma source(%dma_start3A_822 : memref<128x128xf32, #tpu.memory_space<vmem>>) target(%dma_start3A_828 : memref<10008x128xf32, #tpu.memory_space<vmem_shared>>) offsets(%dma_start3A_825 : memref<128xi32, #tpu.memory_space<vmem>>) semaphore(%arg12 : memref<!tpu.dma_semaphore, #tpu.memory_space<semaphore_mem>>) {add = true}
      %dma_wait3A_829 = arith.constant 1 : i32
      %dma_wait3A_830 = arith.constant 0 : i32
      %dma_wait3A_831 = arith.constant 0 : i32
      %dma_wait3A_832 = arith.constant 1 : i32
      %dma_wait3A_833 = arith.constant 0 : i32
      %dma_wait3A_834 = arith.constant 0 : i32
      %dma_wait3A_835 = tpu.memref_slice %arg7[%dma_wait3A_829, %dma_wait3A_833, %dma_wait3A_834] : memref<2x128x128xf32, #tpu.memory_space<vmem>> -> memref<1x128x128xf32, #tpu.memory_space<vmem>>
      %dma_wait3A_836 = tpu.memref_squeeze %dma_wait3A_835 : memref<1x128x128xf32, #tpu.memory_space<vmem>> -> memref<128x128xf32, #tpu.memory_space<vmem>>
      %dma_wait3A_837 = arith.constant 0 : i32
      %dma_wait3A_838 = tpu.memref_slice %arg6[%dma_wait3A_830, %dma_wait3A_831, %dma_wait3A_832, %dma_wait3A_837] : memref<2x8x2x128xi32, #tpu.memory_space<vmem>> -> memref<1x1x1x128xi32, #tpu.memory_space<vmem>>
      %dma_wait3A_839 = tpu.memref_squeeze %dma_wait3A_838 : memref<1x1x1x128xi32, #tpu.memory_space<vmem>> -> memref<128xi32, #tpu.memory_space<vmem>>
      %dma_wait3A_840 = arith.constant 0 : i32
      %dma_wait3A_841 = arith.constant 0 : i32
      %dma_wait3A_842 = tpu.memref_slice %arg8[%dma_wait3A_840, %dma_wait3A_841] : memref<10008x128xf32, #tpu.memory_space<vmem_shared>> -> memref<10008x128xf32, #tpu.memory_space<vmem_shared>>
      tpu.wait_indirect_dma semaphore(%arg12 : memref<!tpu.dma_semaphore, #tpu.memory_space<semaphore_mem>>) src(%dma_wait3A_836 : memref<128x128xf32, #tpu.memory_space<vmem>>) dst(%dma_wait3A_842 : memref<10008x128xf32, #tpu.memory_space<vmem_shared>>)
      %dma_start3A_843 = arith.constant 1 : i32
      %dma_start3A_844 = arith.constant 5 : i32
      %dma_start3A_845 = arith.constant 0 : i32
      %dma_start3A_846 = arith.constant 1 : i32
      %dma_start3A_847 = arith.constant 0 : i32
      %dma_start3A_848 = arith.constant 0 : i32
      %dma_start3A_849 = tpu.memref_slice %arg7[%dma_start3A_846, %dma_start3A_847, %dma_start3A_848] : memref<2x128x128xf32, #tpu.memory_space<vmem>> -> memref<1x128x128xf32, #tpu.memory_space<vmem>>
      %dma_start3A_850 = tpu.memref_squeeze %dma_start3A_849 : memref<1x128x128xf32, #tpu.memory_space<vmem>> -> memref<128x128xf32, #tpu.memory_space<vmem>>
      %dma_start3A_851 = arith.constant 0 : i32
      %dma_start3A_852 = tpu.memref_slice %arg6[%dma_start3A_843, %dma_start3A_844, %dma_start3A_845, %dma_start3A_851] : memref<2x8x2x128xi32, #tpu.memory_space<vmem>> -> memref<1x1x1x128xi32, #tpu.memory_space<vmem>>
      %dma_start3A_853 = tpu.memref_squeeze %dma_start3A_852 : memref<1x1x1x128xi32, #tpu.memory_space<vmem>> -> memref<128xi32, #tpu.memory_space<vmem>>
      %dma_start3A_854 = arith.constant 0 : i32
      %dma_start3A_855 = arith.constant 0 : i32
      %dma_start3A_856 = tpu.memref_slice %arg2[%dma_start3A_854, %dma_start3A_855] : memref<20000x128xf32, #tpu.memory_space<hbm>> -> memref<20000x128xf32, #tpu.memory_space<hbm>>
      tpu.enqueue_indirect_dma source(%dma_start3A_856 : memref<20000x128xf32, #tpu.memory_space<hbm>>) target(%dma_start3A_850 : memref<128x128xf32, #tpu.memory_space<vmem>>) offsets(%dma_start3A_853 : memref<128xi32, #tpu.memory_space<vmem>>) semaphore(%arg10 : memref<!tpu.dma_semaphore, #tpu.memory_space<semaphore_mem>>)
      %dma_wait3A_857 = arith.constant 0 : i32
      %dma_wait3A_858 = arith.constant 0 : i32
      %dma_wait3A_859 = arith.constant 0 : i32
      %dma_wait3A_860 = arith.constant 0 : i32
      %dma_wait3A_861 = arith.constant 0 : i32
      %dma_wait3A_862 = arith.constant 0 : i32
      %dma_wait3A_863 = tpu.memref_slice %arg7[%dma_wait3A_860, %dma_wait3A_861, %dma_wait3A_862] : memref<2x128x128xf32, #tpu.memory_space<vmem>> -> memref<1x128x128xf32, #tpu.memory_space<vmem>>
      %dma_wait3A_864 = tpu.memref_squeeze %dma_wait3A_863 : memref<1x128x128xf32, #tpu.memory_space<vmem>> -> memref<128x128xf32, #tpu.memory_space<vmem>>
      %dma_wait3A_865 = arith.constant 0 : i32
      %dma_wait3A_866 = tpu.memref_slice %arg6[%dma_wait3A_857, %dma_wait3A_858, %dma_wait3A_859, %dma_wait3A_865] : memref<2x8x2x128xi32, #tpu.memory_space<vmem>> -> memref<1x1x1x128xi32, #tpu.memory_space<vmem>>
      %dma_wait3A_867 = tpu.memref_squeeze %dma_wait3A_866 : memref<1x1x1x128xi32, #tpu.memory_space<vmem>> -> memref<128xi32, #tpu.memory_space<vmem>>
      %dma_wait3A_868 = arith.constant 0 : i32
      %dma_wait3A_869 = arith.constant 0 : i32
      %dma_wait3A_870 = tpu.memref_slice %arg2[%dma_wait3A_868, %dma_wait3A_869] : memref<20000x128xf32, #tpu.memory_space<hbm>> -> memref<20000x128xf32, #tpu.memory_space<hbm>>
      tpu.wait_indirect_dma semaphore(%arg9 : memref<!tpu.dma_semaphore, #tpu.memory_space<semaphore_mem>>) src(%dma_wait3A_870 : memref<20000x128xf32, #tpu.memory_space<hbm>>) dst(%dma_wait3A_864 : memref<128x128xf32, #tpu.memory_space<vmem>>)
      %dma_start3A_871 = arith.constant 0 : i32
      %dma_start3A_872 = arith.constant 1 : i32
      %dma_start3A_873 = arith.constant 4 : i32
      %dma_start3A_874 = arith.constant 1 : i32
      %dma_start3A_875 = arith.constant 0 : i32
      %dma_start3A_876 = arith.constant 0 : i32
      %dma_start3A_877 = tpu.memref_slice %arg7[%dma_start3A_871, %dma_start3A_875, %dma_start3A_876] : memref<2x128x128xf32, #tpu.memory_space<vmem>> -> memref<1x128x128xf32, #tpu.memory_space<vmem>>
      %dma_start3A_878 = tpu.memref_squeeze %dma_start3A_877 : memref<1x128x128xf32, #tpu.memory_space<vmem>> -> memref<128x128xf32, #tpu.memory_space<vmem>>
      %dma_start3A_879 = arith.constant 0 : i32
      %dma_start3A_880 = tpu.memref_slice %arg6[%dma_start3A_872, %dma_start3A_873, %dma_start3A_874, %dma_start3A_879] : memref<2x8x2x128xi32, #tpu.memory_space<vmem>> -> memref<1x1x1x128xi32, #tpu.memory_space<vmem>>
      %dma_start3A_881 = tpu.memref_squeeze %dma_start3A_880 : memref<1x1x1x128xi32, #tpu.memory_space<vmem>> -> memref<128xi32, #tpu.memory_space<vmem>>
      %dma_start3A_882 = arith.constant 0 : i32
      %dma_start3A_883 = arith.constant 0 : i32
      %dma_start3A_884 = tpu.memref_slice %arg8[%dma_start3A_882, %dma_start3A_883] : memref<10008x128xf32, #tpu.memory_space<vmem_shared>> -> memref<10008x128xf32, #tpu.memory_space<vmem_shared>>
      tpu.enqueue_indirect_dma source(%dma_start3A_878 : memref<128x128xf32, #tpu.memory_space<vmem>>) target(%dma_start3A_884 : memref<10008x128xf32, #tpu.memory_space<vmem_shared>>) offsets(%dma_start3A_881 : memref<128xi32, #tpu.memory_space<vmem>>) semaphore(%arg11 : memref<!tpu.dma_semaphore, #tpu.memory_space<semaphore_mem>>) {add = true}
      %dma_wait3A_885 = arith.constant 0 : i32
      %dma_wait3A_886 = arith.constant 0 : i32
      %dma_wait3A_887 = arith.constant 0 : i32
      %dma_wait3A_888 = arith.constant 1 : i32
      %dma_wait3A_889 = arith.constant 0 : i32
      %dma_wait3A_890 = arith.constant 0 : i32
      %dma_wait3A_891 = tpu.memref_slice %arg7[%dma_wait3A_885, %dma_wait3A_889, %dma_wait3A_890] : memref<2x128x128xf32, #tpu.memory_space<vmem>> -> memref<1x128x128xf32, #tpu.memory_space<vmem>>
      %dma_wait3A_892 = tpu.memref_squeeze %dma_wait3A_891 : memref<1x128x128xf32, #tpu.memory_space<vmem>> -> memref<128x128xf32, #tpu.memory_space<vmem>>
      %dma_wait3A_893 = arith.constant 0 : i32
      %dma_wait3A_894 = tpu.memref_slice %arg6[%dma_wait3A_886, %dma_wait3A_887, %dma_wait3A_888, %dma_wait3A_893] : memref<2x8x2x128xi32, #tpu.memory_space<vmem>> -> memref<1x1x1x128xi32, #tpu.memory_space<vmem>>
      %dma_wait3A_895 = tpu.memref_squeeze %dma_wait3A_894 : memref<1x1x1x128xi32, #tpu.memory_space<vmem>> -> memref<128xi32, #tpu.memory_space<vmem>>
      %dma_wait3A_896 = arith.constant 0 : i32
      %dma_wait3A_897 = arith.constant 0 : i32
      %dma_wait3A_898 = tpu.memref_slice %arg8[%dma_wait3A_896, %dma_wait3A_897] : memref<10008x128xf32, #tpu.memory_space<vmem_shared>> -> memref<10008x128xf32, #tpu.memory_space<vmem_shared>>
      tpu.wait_indirect_dma semaphore(%arg11 : memref<!tpu.dma_semaphore, #tpu.memory_space<semaphore_mem>>) src(%dma_wait3A_892 : memref<128x128xf32, #tpu.memory_space<vmem>>) dst(%dma_wait3A_898 : memref<10008x128xf32, #tpu.memory_space<vmem_shared>>)
      %dma_start3A_899 = arith.constant 1 : i32
      %dma_start3A_900 = arith.constant 6 : i32
      %dma_start3A_901 = arith.constant 0 : i32
      %dma_start3A_902 = arith.constant 0 : i32
      %dma_start3A_903 = arith.constant 0 : i32
      %dma_start3A_904 = arith.constant 0 : i32
      %dma_start3A_905 = tpu.memref_slice %arg7[%dma_start3A_902, %dma_start3A_903, %dma_start3A_904] : memref<2x128x128xf32, #tpu.memory_space<vmem>> -> memref<1x128x128xf32, #tpu.memory_space<vmem>>
      %dma_start3A_906 = tpu.memref_squeeze %dma_start3A_905 : memref<1x128x128xf32, #tpu.memory_space<vmem>> -> memref<128x128xf32, #tpu.memory_space<vmem>>
      %dma_start3A_907 = arith.constant 0 : i32
      %dma_start3A_908 = tpu.memref_slice %arg6[%dma_start3A_899, %dma_start3A_900, %dma_start3A_901, %dma_start3A_907] : memref<2x8x2x128xi32, #tpu.memory_space<vmem>> -> memref<1x1x1x128xi32, #tpu.memory_space<vmem>>
      %dma_start3A_909 = tpu.memref_squeeze %dma_start3A_908 : memref<1x1x1x128xi32, #tpu.memory_space<vmem>> -> memref<128xi32, #tpu.memory_space<vmem>>
      %dma_start3A_910 = arith.constant 0 : i32
      %dma_start3A_911 = arith.constant 0 : i32
      %dma_start3A_912 = tpu.memref_slice %arg2[%dma_start3A_910, %dma_start3A_911] : memref<20000x128xf32, #tpu.memory_space<hbm>> -> memref<20000x128xf32, #tpu.memory_space<hbm>>
      tpu.enqueue_indirect_dma source(%dma_start3A_912 : memref<20000x128xf32, #tpu.memory_space<hbm>>) target(%dma_start3A_906 : memref<128x128xf32, #tpu.memory_space<vmem>>) offsets(%dma_start3A_909 : memref<128xi32, #tpu.memory_space<vmem>>) semaphore(%arg9 : memref<!tpu.dma_semaphore, #tpu.memory_space<semaphore_mem>>)
      %dma_wait3A_913 = arith.constant 0 : i32
      %dma_wait3A_914 = arith.constant 0 : i32
      %dma_wait3A_915 = arith.constant 0 : i32
      %dma_wait3A_916 = arith.constant 1 : i32
      %dma_wait3A_917 = arith.constant 0 : i32
      %dma_wait3A_918 = arith.constant 0 : i32
      %dma_wait3A_919 = tpu.memref_slice %arg7[%dma_wait3A_916, %dma_wait3A_917, %dma_wait3A_918] : memref<2x128x128xf32, #tpu.memory_space<vmem>> -> memref<1x128x128xf32, #tpu.memory_space<vmem>>
      %dma_wait3A_920 = tpu.memref_squeeze %dma_wait3A_919 : memref<1x128x128xf32, #tpu.memory_space<vmem>> -> memref<128x128xf32, #tpu.memory_space<vmem>>
      %dma_wait3A_921 = arith.constant 0 : i32
      %dma_wait3A_922 = tpu.memref_slice %arg6[%dma_wait3A_913, %dma_wait3A_914, %dma_wait3A_915, %dma_wait3A_921] : memref<2x8x2x128xi32, #tpu.memory_space<vmem>> -> memref<1x1x1x128xi32, #tpu.memory_space<vmem>>
      %dma_wait3A_923 = tpu.memref_squeeze %dma_wait3A_922 : memref<1x1x1x128xi32, #tpu.memory_space<vmem>> -> memref<128xi32, #tpu.memory_space<vmem>>
      %dma_wait3A_924 = arith.constant 0 : i32
      %dma_wait3A_925 = arith.constant 0 : i32
      %dma_wait3A_926 = tpu.memref_slice %arg2[%dma_wait3A_924, %dma_wait3A_925] : memref<20000x128xf32, #tpu.memory_space<hbm>> -> memref<20000x128xf32, #tpu.memory_space<hbm>>
      tpu.wait_indirect_dma semaphore(%arg10 : memref<!tpu.dma_semaphore, #tpu.memory_space<semaphore_mem>>) src(%dma_wait3A_926 : memref<20000x128xf32, #tpu.memory_space<hbm>>) dst(%dma_wait3A_920 : memref<128x128xf32, #tpu.memory_space<vmem>>)
      %dma_start3A_927 = arith.constant 1 : i32
      %dma_start3A_928 = arith.constant 1 : i32
      %dma_start3A_929 = arith.constant 5 : i32
      %dma_start3A_930 = arith.constant 1 : i32
      %dma_start3A_931 = arith.constant 0 : i32
      %dma_start3A_932 = arith.constant 0 : i32
      %dma_start3A_933 = tpu.memref_slice %arg7[%dma_start3A_927, %dma_start3A_931, %dma_start3A_932] : memref<2x128x128xf32, #tpu.memory_space<vmem>> -> memref<1x128x128xf32, #tpu.memory_space<vmem>>
      %dma_start3A_934 = tpu.memref_squeeze %dma_start3A_933 : memref<1x128x128xf32, #tpu.memory_space<vmem>> -> memref<128x128xf32, #tpu.memory_space<vmem>>
      %dma_start3A_935 = arith.constant 0 : i32
      %dma_start3A_936 = tpu.memref_slice %arg6[%dma_start3A_928, %dma_start3A_929, %dma_start3A_930, %dma_start3A_935] : memref<2x8x2x128xi32, #tpu.memory_space<vmem>> -> memref<1x1x1x128xi32, #tpu.memory_space<vmem>>
      %dma_start3A_937 = tpu.memref_squeeze %dma_start3A_936 : memref<1x1x1x128xi32, #tpu.memory_space<vmem>> -> memref<128xi32, #tpu.memory_space<vmem>>
      %dma_start3A_938 = arith.constant 0 : i32
      %dma_start3A_939 = arith.constant 0 : i32
      %dma_start3A_940 = tpu.memref_slice %arg8[%dma_start3A_938, %dma_start3A_939] : memref<10008x128xf32, #tpu.memory_space<vmem_shared>> -> memref<10008x128xf32, #tpu.memory_space<vmem_shared>>
      tpu.enqueue_indirect_dma source(%dma_start3A_934 : memref<128x128xf32, #tpu.memory_space<vmem>>) target(%dma_start3A_940 : memref<10008x128xf32, #tpu.memory_space<vmem_shared>>) offsets(%dma_start3A_937 : memref<128xi32, #tpu.memory_space<vmem>>) semaphore(%arg12 : memref<!tpu.dma_semaphore, #tpu.memory_space<semaphore_mem>>) {add = true}
      %dma_wait3A_941 = arith.constant 1 : i32
      %dma_wait3A_942 = arith.constant 0 : i32
      %dma_wait3A_943 = arith.constant 0 : i32
      %dma_wait3A_944 = arith.constant 1 : i32
      %dma_wait3A_945 = arith.constant 0 : i32
      %dma_wait3A_946 = arith.constant 0 : i32
      %dma_wait3A_947 = tpu.memref_slice %arg7[%dma_wait3A_941, %dma_wait3A_945, %dma_wait3A_946] : memref<2x128x128xf32, #tpu.memory_space<vmem>> -> memref<1x128x128xf32, #tpu.memory_space<vmem>>
      %dma_wait3A_948 = tpu.memref_squeeze %dma_wait3A_947 : memref<1x128x128xf32, #tpu.memory_space<vmem>> -> memref<128x128xf32, #tpu.memory_space<vmem>>
      %dma_wait3A_949 = arith.constant 0 : i32
      %dma_wait3A_950 = tpu.memref_slice %arg6[%dma_wait3A_942, %dma_wait3A_943, %dma_wait3A_944, %dma_wait3A_949] : memref<2x8x2x128xi32, #tpu.memory_space<vmem>> -> memref<1x1x1x128xi32, #tpu.memory_space<vmem>>
      %dma_wait3A_951 = tpu.memref_squeeze %dma_wait3A_950 : memref<1x1x1x128xi32, #tpu.memory_space<vmem>> -> memref<128xi32, #tpu.memory_space<vmem>>
      %dma_wait3A_952 = arith.constant 0 : i32
      %dma_wait3A_953 = arith.constant 0 : i32
      %dma_wait3A_954 = tpu.memref_slice %arg8[%dma_wait3A_952, %dma_wait3A_953] : memref<10008x128xf32, #tpu.memory_space<vmem_shared>> -> memref<10008x128xf32, #tpu.memory_space<vmem_shared>>
      tpu.wait_indirect_dma semaphore(%arg12 : memref<!tpu.dma_semaphore, #tpu.memory_space<semaphore_mem>>) src(%dma_wait3A_948 : memref<128x128xf32, #tpu.memory_space<vmem>>) dst(%dma_wait3A_954 : memref<10008x128xf32, #tpu.memory_space<vmem_shared>>)
      %dma_start3A_955 = arith.constant 1 : i32
      %dma_start3A_956 = arith.constant 7 : i32
      %dma_start3A_957 = arith.constant 0 : i32
      %dma_start3A_958 = arith.constant 1 : i32
      %dma_start3A_959 = arith.constant 0 : i32
      %dma_start3A_960 = arith.constant 0 : i32
      %dma_start3A_961 = tpu.memref_slice %arg7[%dma_start3A_958, %dma_start3A_959, %dma_start3A_960] : memref<2x128x128xf32, #tpu.memory_space<vmem>> -> memref<1x128x128xf32, #tpu.memory_space<vmem>>
      %dma_start3A_962 = tpu.memref_squeeze %dma_start3A_961 : memref<1x128x128xf32, #tpu.memory_space<vmem>> -> memref<128x128xf32, #tpu.memory_space<vmem>>
      %dma_start3A_963 = arith.constant 0 : i32
      %dma_start3A_964 = tpu.memref_slice %arg6[%dma_start3A_955, %dma_start3A_956, %dma_start3A_957, %dma_start3A_963] : memref<2x8x2x128xi32, #tpu.memory_space<vmem>> -> memref<1x1x1x128xi32, #tpu.memory_space<vmem>>
      %dma_start3A_965 = tpu.memref_squeeze %dma_start3A_964 : memref<1x1x1x128xi32, #tpu.memory_space<vmem>> -> memref<128xi32, #tpu.memory_space<vmem>>
      %dma_start3A_966 = arith.constant 0 : i32
      %dma_start3A_967 = arith.constant 0 : i32
      %dma_start3A_968 = tpu.memref_slice %arg2[%dma_start3A_966, %dma_start3A_967] : memref<20000x128xf32, #tpu.memory_space<hbm>> -> memref<20000x128xf32, #tpu.memory_space<hbm>>
      tpu.enqueue_indirect_dma source(%dma_start3A_968 : memref<20000x128xf32, #tpu.memory_space<hbm>>) target(%dma_start3A_962 : memref<128x128xf32, #tpu.memory_space<vmem>>) offsets(%dma_start3A_965 : memref<128xi32, #tpu.memory_space<vmem>>) semaphore(%arg10 : memref<!tpu.dma_semaphore, #tpu.memory_space<semaphore_mem>>)
      %dma_wait3A_969 = arith.constant 0 : i32
      %dma_wait3A_970 = arith.constant 0 : i32
      %dma_wait3A_971 = arith.constant 0 : i32
      %dma_wait3A_972 = arith.constant 0 : i32
      %dma_wait3A_973 = arith.constant 0 : i32
      %dma_wait3A_974 = arith.constant 0 : i32
      %dma_wait3A_975 = tpu.memref_slice %arg7[%dma_wait3A_972, %dma_wait3A_973, %dma_wait3A_974] : memref<2x128x128xf32, #tpu.memory_space<vmem>> -> memref<1x128x128xf32, #tpu.memory_space<vmem>>
      %dma_wait3A_976 = tpu.memref_squeeze %dma_wait3A_975 : memref<1x128x128xf32, #tpu.memory_space<vmem>> -> memref<128x128xf32, #tpu.memory_space<vmem>>
      %dma_wait3A_977 = arith.constant 0 : i32
      %dma_wait3A_978 = tpu.memref_slice %arg6[%dma_wait3A_969, %dma_wait3A_970, %dma_wait3A_971, %dma_wait3A_977] : memref<2x8x2x128xi32, #tpu.memory_space<vmem>> -> memref<1x1x1x128xi32, #tpu.memory_space<vmem>>
      %dma_wait3A_979 = tpu.memref_squeeze %dma_wait3A_978 : memref<1x1x1x128xi32, #tpu.memory_space<vmem>> -> memref<128xi32, #tpu.memory_space<vmem>>
      %dma_wait3A_980 = arith.constant 0 : i32
      %dma_wait3A_981 = arith.constant 0 : i32
      %dma_wait3A_982 = tpu.memref_slice %arg2[%dma_wait3A_980, %dma_wait3A_981] : memref<20000x128xf32, #tpu.memory_space<hbm>> -> memref<20000x128xf32, #tpu.memory_space<hbm>>
      tpu.wait_indirect_dma semaphore(%arg9 : memref<!tpu.dma_semaphore, #tpu.memory_space<semaphore_mem>>) src(%dma_wait3A_982 : memref<20000x128xf32, #tpu.memory_space<hbm>>) dst(%dma_wait3A_976 : memref<128x128xf32, #tpu.memory_space<vmem>>)
      %dma_start3A_983 = arith.constant 0 : i32
      %dma_start3A_984 = arith.constant 1 : i32
      %dma_start3A_985 = arith.constant 6 : i32
      %dma_start3A_986 = arith.constant 1 : i32
      %dma_start3A_987 = arith.constant 0 : i32
      %dma_start3A_988 = arith.constant 0 : i32
      %dma_start3A_989 = tpu.memref_slice %arg7[%dma_start3A_983, %dma_start3A_987, %dma_start3A_988] : memref<2x128x128xf32, #tpu.memory_space<vmem>> -> memref<1x128x128xf32, #tpu.memory_space<vmem>>
      %dma_start3A_990 = tpu.memref_squeeze %dma_start3A_989 : memref<1x128x128xf32, #tpu.memory_space<vmem>> -> memref<128x128xf32, #tpu.memory_space<vmem>>
      %dma_start3A_991 = arith.constant 0 : i32
      %dma_start3A_992 = tpu.memref_slice %arg6[%dma_start3A_984, %dma_start3A_985, %dma_start3A_986, %dma_start3A_991] : memref<2x8x2x128xi32, #tpu.memory_space<vmem>> -> memref<1x1x1x128xi32, #tpu.memory_space<vmem>>
      %dma_start3A_993 = tpu.memref_squeeze %dma_start3A_992 : memref<1x1x1x128xi32, #tpu.memory_space<vmem>> -> memref<128xi32, #tpu.memory_space<vmem>>
      %dma_start3A_994 = arith.constant 0 : i32
      %dma_start3A_995 = arith.constant 0 : i32
      %dma_start3A_996 = tpu.memref_slice %arg8[%dma_start3A_994, %dma_start3A_995] : memref<10008x128xf32, #tpu.memory_space<vmem_shared>> -> memref<10008x128xf32, #tpu.memory_space<vmem_shared>>
      tpu.enqueue_indirect_dma source(%dma_start3A_990 : memref<128x128xf32, #tpu.memory_space<vmem>>) target(%dma_start3A_996 : memref<10008x128xf32, #tpu.memory_space<vmem_shared>>) offsets(%dma_start3A_993 : memref<128xi32, #tpu.memory_space<vmem>>) semaphore(%arg11 : memref<!tpu.dma_semaphore, #tpu.memory_space<semaphore_mem>>) {add = true}
      %dma_wait3A_997 = arith.constant 0 : i32
      %dma_wait3A_998 = arith.constant 0 : i32
      %dma_wait3A_999 = arith.constant 0 : i32
      %dma_wait3A_1000 = arith.constant 1 : i32
      %dma_wait3A_1001 = arith.constant 0 : i32
      %dma_wait3A_1002 = arith.constant 0 : i32
      %dma_wait3A_1003 = tpu.memref_slice %arg7[%dma_wait3A_997, %dma_wait3A_1001, %dma_wait3A_1002] : memref<2x128x128xf32, #tpu.memory_space<vmem>> -> memref<1x128x128xf32, #tpu.memory_space<vmem>>
      %dma_wait3A_1004 = tpu.memref_squeeze %dma_wait3A_1003 : memref<1x128x128xf32, #tpu.memory_space<vmem>> -> memref<128x128xf32, #tpu.memory_space<vmem>>
      %dma_wait3A_1005 = arith.constant 0 : i32
      %dma_wait3A_1006 = tpu.memref_slice %arg6[%dma_wait3A_998, %dma_wait3A_999, %dma_wait3A_1000, %dma_wait3A_1005] : memref<2x8x2x128xi32, #tpu.memory_space<vmem>> -> memref<1x1x1x128xi32, #tpu.memory_space<vmem>>
      %dma_wait3A_1007 = tpu.memref_squeeze %dma_wait3A_1006 : memref<1x1x1x128xi32, #tpu.memory_space<vmem>> -> memref<128xi32, #tpu.memory_space<vmem>>
      %dma_wait3A_1008 = arith.constant 0 : i32
      %dma_wait3A_1009 = arith.constant 0 : i32
      %dma_wait3A_1010 = tpu.memref_slice %arg8[%dma_wait3A_1008, %dma_wait3A_1009] : memref<10008x128xf32, #tpu.memory_space<vmem_shared>> -> memref<10008x128xf32, #tpu.memory_space<vmem_shared>>
      tpu.wait_indirect_dma semaphore(%arg11 : memref<!tpu.dma_semaphore, #tpu.memory_space<semaphore_mem>>) src(%dma_wait3A_1004 : memref<128x128xf32, #tpu.memory_space<vmem>>) dst(%dma_wait3A_1010 : memref<10008x128xf32, #tpu.memory_space<vmem_shared>>)
      %dma_wait3A_1011 = arith.constant 0 : i32
      %dma_wait3A_1012 = arith.constant 0 : i32
      %dma_wait3A_1013 = arith.constant 0 : i32
      %dma_wait3A_1014 = arith.constant 0 : i32
      %dma_wait3A_1015 = arith.constant 0 : i32
      %dma_wait3A_1016 = tpu.memref_slice %arg6[%dma_wait3A_1012, %dma_wait3A_1013, %dma_wait3A_1014, %dma_wait3A_1015] : memref<2x8x2x128xi32, #tpu.memory_space<vmem>> -> memref<1x8x2x128xi32, #tpu.memory_space<vmem>>
      %dma_wait3A_1017 = tpu.memref_squeeze %dma_wait3A_1016 : memref<1x8x2x128xi32, #tpu.memory_space<vmem>> -> memref<8x2x128xi32, #tpu.memory_space<vmem>>
      %dma_wait3A_1018 = arith.constant 0 : i32
      %dma_wait3A_1019 = arith.constant 0 : i32
      %dma_wait3A_1020 = arith.constant 0 : i32
      %dma_wait3A_1021 = tpu.memref_slice %arg3[%arg0, %arg1, %dma_wait3A_1011, %dma_wait3A_1018, %dma_wait3A_1019, %dma_wait3A_1020] : memref<2x16x11x8x2x128xi32, #tpu.memory_space<hbm>> -> memref<1x1x1x8x2x128xi32, #tpu.memory_space<hbm>>
      %dma_wait3A_1022 = tpu.memref_squeeze %dma_wait3A_1021 : memref<1x1x1x8x2x128xi32, #tpu.memory_space<hbm>> -> memref<8x2x128xi32, #tpu.memory_space<hbm>>
      %dma_wait3A_1023 = arith.constant 0 : i32
      %dma_wait3A_1024 = arith.constant 0 : i32
      %dma_wait3A_1025 = arith.constant 0 : i32
      %dma_wait3A_1026 = tpu.memref_slice %arg6[%dma_wait3A_1012, %dma_wait3A_1023, %dma_wait3A_1024, %dma_wait3A_1025] : memref<2x8x2x128xi32, #tpu.memory_space<vmem>> -> memref<1x8x2x128xi32, #tpu.memory_space<vmem>>
      %dma_wait3A_1027 = tpu.memref_squeeze %dma_wait3A_1026 : memref<1x8x2x128xi32, #tpu.memory_space<vmem>> -> memref<8x2x128xi32, #tpu.memory_space<vmem>>
      %dma_wait3A_1028 = arith.constant 0 : i32
      %dma_wait3A_1029 = arith.constant 0 : i32
      %dma_wait3A_1030 = arith.constant 0 : i32
      %dma_wait3A_1031 = tpu.memref_slice %arg3[%arg0, %arg1, %dma_wait3A_1011, %dma_wait3A_1028, %dma_wait3A_1029, %dma_wait3A_1030] : memref<2x16x11x8x2x128xi32, #tpu.memory_space<hbm>> -> memref<1x1x1x8x2x128xi32, #tpu.memory_space<hbm>>
      %dma_wait3A_1032 = tpu.memref_squeeze %dma_wait3A_1031 : memref<1x1x1x8x2x128xi32, #tpu.memory_space<hbm>> -> memref<8x2x128xi32, #tpu.memory_space<hbm>>
      tpu.wait_dma2 semaphore(%arg13 : memref<!tpu.dma_semaphore, #tpu.memory_space<semaphore_mem>>) src(%dma_wait3A_1032 : memref<8x2x128xi32, #tpu.memory_space<hbm>>) dst(%dma_wait3A_1027 : memref<8x2x128xi32, #tpu.memory_space<vmem>>)
      %dma_start3A_1033 = arith.constant 0 : i32
      %dma_start3A_1034 = arith.constant 0 : i32
      %dma_start3A_1035 = arith.constant 0 : i32
      %dma_start3A_1036 = arith.constant 0 : i32
      %dma_start3A_1037 = arith.constant 0 : i32
      %dma_start3A_1038 = arith.constant 0 : i32
      %dma_start3A_1039 = tpu.memref_slice %arg7[%dma_start3A_1036, %dma_start3A_1037, %dma_start3A_1038] : memref<2x128x128xf32, #tpu.memory_space<vmem>> -> memref<1x128x128xf32, #tpu.memory_space<vmem>>
      %dma_start3A_1040 = tpu.memref_squeeze %dma_start3A_1039 : memref<1x128x128xf32, #tpu.memory_space<vmem>> -> memref<128x128xf32, #tpu.memory_space<vmem>>
      %dma_start3A_1041 = arith.constant 0 : i32
      %dma_start3A_1042 = tpu.memref_slice %arg6[%dma_start3A_1033, %dma_start3A_1034, %dma_start3A_1035, %dma_start3A_1041] : memref<2x8x2x128xi32, #tpu.memory_space<vmem>> -> memref<1x1x1x128xi32, #tpu.memory_space<vmem>>
      %dma_start3A_1043 = tpu.memref_squeeze %dma_start3A_1042 : memref<1x1x1x128xi32, #tpu.memory_space<vmem>> -> memref<128xi32, #tpu.memory_space<vmem>>
      %dma_start3A_1044 = arith.constant 0 : i32
      %dma_start3A_1045 = arith.constant 0 : i32
      %dma_start3A_1046 = tpu.memref_slice %arg2[%dma_start3A_1044, %dma_start3A_1045] : memref<20000x128xf32, #tpu.memory_space<hbm>> -> memref<20000x128xf32, #tpu.memory_space<hbm>>
      tpu.enqueue_indirect_dma source(%dma_start3A_1046 : memref<20000x128xf32, #tpu.memory_space<hbm>>) target(%dma_start3A_1040 : memref<128x128xf32, #tpu.memory_space<vmem>>) offsets(%dma_start3A_1043 : memref<128xi32, #tpu.memory_space<vmem>>) semaphore(%arg9 : memref<!tpu.dma_semaphore, #tpu.memory_space<semaphore_mem>>)
      %dma_wait3A_1047 = arith.constant 0 : i32
      %dma_wait3A_1048 = arith.constant 0 : i32
      %dma_wait3A_1049 = arith.constant 0 : i32
      %dma_wait3A_1050 = arith.constant 1 : i32
      %dma_wait3A_1051 = arith.constant 0 : i32
      %dma_wait3A_1052 = arith.constant 0 : i32
      %dma_wait3A_1053 = tpu.memref_slice %arg7[%dma_wait3A_1050, %dma_wait3A_1051, %dma_wait3A_1052] : memref<2x128x128xf32, #tpu.memory_space<vmem>> -> memref<1x128x128xf32, #tpu.memory_space<vmem>>
      %dma_wait3A_1054 = tpu.memref_squeeze %dma_wait3A_1053 : memref<1x128x128xf32, #tpu.memory_space<vmem>> -> memref<128x128xf32, #tpu.memory_space<vmem>>
      %dma_wait3A_1055 = arith.constant 0 : i32
      %dma_wait3A_1056 = tpu.memref_slice %arg6[%dma_wait3A_1047, %dma_wait3A_1048, %dma_wait3A_1049, %dma_wait3A_1055] : memref<2x8x2x128xi32, #tpu.memory_space<vmem>> -> memref<1x1x1x128xi32, #tpu.memory_space<vmem>>
      %dma_wait3A_1057 = tpu.memref_squeeze %dma_wait3A_1056 : memref<1x1x1x128xi32, #tpu.memory_space<vmem>> -> memref<128xi32, #tpu.memory_space<vmem>>
      %dma_wait3A_1058 = arith.constant 0 : i32
      %dma_wait3A_1059 = arith.constant 0 : i32
      %dma_wait3A_1060 = tpu.memref_slice %arg2[%dma_wait3A_1058, %dma_wait3A_1059] : memref<20000x128xf32, #tpu.memory_space<hbm>> -> memref<20000x128xf32, #tpu.memory_space<hbm>>
      tpu.wait_indirect_dma semaphore(%arg10 : memref<!tpu.dma_semaphore, #tpu.memory_space<semaphore_mem>>) src(%dma_wait3A_1060 : memref<20000x128xf32, #tpu.memory_space<hbm>>) dst(%dma_wait3A_1054 : memref<128x128xf32, #tpu.memory_space<vmem>>)
      %dma_start3A_1061 = arith.constant 1 : i32
      %dma_start3A_1062 = arith.constant 1 : i32
      %dma_start3A_1063 = arith.constant 7 : i32
      %dma_start3A_1064 = arith.constant 1 : i32
      %dma_start3A_1065 = arith.constant 0 : i32
      %dma_start3A_1066 = arith.constant 0 : i32
      %dma_start3A_1067 = tpu.memref_slice %arg7[%dma_start3A_1061, %dma_start3A_1065, %dma_start3A_1066] : memref<2x128x128xf32, #tpu.memory_space<vmem>> -> memref<1x128x128xf32, #tpu.memory_space<vmem>>
      %dma_start3A_1068 = tpu.memref_squeeze %dma_start3A_1067 : memref<1x128x128xf32, #tpu.memory_space<vmem>> -> memref<128x128xf32, #tpu.memory_space<vmem>>
      %dma_start3A_1069 = arith.constant 0 : i32
      %dma_start3A_1070 = tpu.memref_slice %arg6[%dma_start3A_1062, %dma_start3A_1063, %dma_start3A_1064, %dma_start3A_1069] : memref<2x8x2x128xi32, #tpu.memory_space<vmem>> -> memref<1x1x1x128xi32, #tpu.memory_space<vmem>>
      %dma_start3A_1071 = tpu.memref_squeeze %dma_start3A_1070 : memref<1x1x1x128xi32, #tpu.memory_space<vmem>> -> memref<128xi32, #tpu.memory_space<vmem>>
      %dma_start3A_1072 = arith.constant 0 : i32
      %dma_start3A_1073 = arith.constant 0 : i32
      %dma_start3A_1074 = tpu.memref_slice %arg8[%dma_start3A_1072, %dma_start3A_1073] : memref<10008x128xf32, #tpu.memory_space<vmem_shared>> -> memref<10008x128xf32, #tpu.memory_space<vmem_shared>>
      tpu.enqueue_indirect_dma source(%dma_start3A_1068 : memref<128x128xf32, #tpu.memory_space<vmem>>) target(%dma_start3A_1074 : memref<10008x128xf32, #tpu.memory_space<vmem_shared>>) offsets(%dma_start3A_1071 : memref<128xi32, #tpu.memory_space<vmem>>) semaphore(%arg12 : memref<!tpu.dma_semaphore, #tpu.memory_space<semaphore_mem>>) {add = true}
    }
    %scan3A_63 = arith.constant 5 : i32
    %dma_wait3A_64 = arith.constant 1 : i32
    %dma_wait3A_65 = arith.constant 0 : i32
    %dma_wait3A_66 = arith.constant 0 : i32
    %dma_wait3A_67 = arith.constant 1 : i32
    %dma_wait3A_68 = arith.constant 0 : i32
    %dma_wait3A_69 = arith.constant 0 : i32
    %dma_wait3A_70 = tpu.memref_slice %arg7[%dma_wait3A_64, %dma_wait3A_68, %dma_wait3A_69] : memref<2x128x128xf32, #tpu.memory_space<vmem>> -> memref<1x128x128xf32, #tpu.memory_space<vmem>>
    %dma_wait3A_71 = tpu.memref_squeeze %dma_wait3A_70 : memref<1x128x128xf32, #tpu.memory_space<vmem>> -> memref<128x128xf32, #tpu.memory_space<vmem>>
    %dma_wait3A_72 = arith.constant 0 : i32
    %dma_wait3A_73 = tpu.memref_slice %arg6[%dma_wait3A_65, %dma_wait3A_66, %dma_wait3A_67, %dma_wait3A_72] : memref<2x8x2x128xi32, #tpu.memory_space<vmem>> -> memref<1x1x1x128xi32, #tpu.memory_space<vmem>>
    %dma_wait3A_74 = tpu.memref_squeeze %dma_wait3A_73 : memref<1x1x1x128xi32, #tpu.memory_space<vmem>> -> memref<128xi32, #tpu.memory_space<vmem>>
    %dma_wait3A_75 = arith.constant 0 : i32
    %dma_wait3A_76 = arith.constant 0 : i32
    %dma_wait3A_77 = tpu.memref_slice %arg8[%dma_wait3A_75, %dma_wait3A_76] : memref<10008x128xf32, #tpu.memory_space<vmem_shared>> -> memref<10008x128xf32, #tpu.memory_space<vmem_shared>>
    tpu.wait_indirect_dma semaphore(%arg12 : memref<!tpu.dma_semaphore, #tpu.memory_space<semaphore_mem>>) src(%dma_wait3A_71 : memref<128x128xf32, #tpu.memory_space<vmem>>) dst(%dma_wait3A_77 : memref<10008x128xf32, #tpu.memory_space<vmem_shared>>)
    %dma_wait3A_78 = arith.constant 0 : i32
    %dma_wait3A_79 = arith.constant 0 : i32
    %dma_wait3A_80 = arith.constant 0 : i32
    %dma_wait3A_81 = arith.constant 0 : i32
    %dma_wait3A_82 = arith.constant 0 : i32
    %dma_wait3A_83 = arith.constant 0 : i32
    %dma_wait3A_84 = tpu.memref_slice %arg7[%dma_wait3A_81, %dma_wait3A_82, %dma_wait3A_83] : memref<2x128x128xf32, #tpu.memory_space<vmem>> -> memref<1x128x128xf32, #tpu.memory_space<vmem>>
    %dma_wait3A_85 = tpu.memref_squeeze %dma_wait3A_84 : memref<1x128x128xf32, #tpu.memory_space<vmem>> -> memref<128x128xf32, #tpu.memory_space<vmem>>
    %dma_wait3A_86 = arith.constant 0 : i32
    %dma_wait3A_87 = tpu.memref_slice %arg6[%dma_wait3A_78, %dma_wait3A_79, %dma_wait3A_80, %dma_wait3A_86] : memref<2x8x2x128xi32, #tpu.memory_space<vmem>> -> memref<1x1x1x128xi32, #tpu.memory_space<vmem>>
    %dma_wait3A_88 = tpu.memref_squeeze %dma_wait3A_87 : memref<1x1x1x128xi32, #tpu.memory_space<vmem>> -> memref<128xi32, #tpu.memory_space<vmem>>
    %dma_wait3A_89 = arith.constant 0 : i32
    %dma_wait3A_90 = arith.constant 0 : i32
    %dma_wait3A_91 = tpu.memref_slice %arg2[%dma_wait3A_89, %dma_wait3A_90] : memref<20000x128xf32, #tpu.memory_space<hbm>> -> memref<20000x128xf32, #tpu.memory_space<hbm>>
    tpu.wait_indirect_dma semaphore(%arg9 : memref<!tpu.dma_semaphore, #tpu.memory_space<semaphore_mem>>) src(%dma_wait3A_91 : memref<20000x128xf32, #tpu.memory_space<hbm>>) dst(%dma_wait3A_85 : memref<128x128xf32, #tpu.memory_space<vmem>>)
    %barrier3A_92 = arith.constant 0 : index
    tpu.barrier barrier_id(%barrier3A_92)
    %mul3A_93 = arith.constant 624 : i32
    %mul3A_94 = arith.muli %arg1, %mul3A_93 : i32
    %mul3A_95 = arith.constant 624 : i32
    %mul3A_96 = arith.muli %arg1, %mul3A_95 : i32
    "tpu.region"() ({
      %run_scoped3A = tpu.sem_alloc : memref<!tpu.dma_semaphore, #tpu.memory_space<semaphore_mem>>
      %dma_start3A_102 = arith.constant 0 : i32
      %dma_start3A_103 = tpu.memref_slice %arg5[%arg0, %mul3A_96, %dma_start3A_102] : memref<2x10000x128xf32, #tpu.memory_space<hbm>> -> memref<1x624x128xf32, #tpu.memory_space<hbm>>
      %dma_start3A_104 = tpu.memref_squeeze %dma_start3A_103 : memref<1x624x128xf32, #tpu.memory_space<hbm>> -> memref<624x128xf32, #tpu.memory_space<hbm>>
      %dma_start3A_105 = arith.constant 0 : i32
      %dma_start3A_106 = tpu.memref_slice %arg8[%mul3A_94, %dma_start3A_105] : memref<10008x128xf32, #tpu.memory_space<vmem_shared>> -> memref<624x128xf32, #tpu.memory_space<vmem_shared>>
      tpu.enqueue_dma source(%dma_start3A_106 : memref<624x128xf32, #tpu.memory_space<vmem_shared>>) target(%dma_start3A_104 : memref<624x128xf32, #tpu.memory_space<hbm>>) target_semaphore(%run_scoped3A : memref<!tpu.dma_semaphore, #tpu.memory_space<semaphore_mem>>)
      %dma_wait3A_107 = arith.constant 0 : i32
      %dma_wait3A_108 = tpu.memref_slice %arg5[%arg0, %mul3A_96, %dma_wait3A_107] : memref<2x10000x128xf32, #tpu.memory_space<hbm>> -> memref<1x624x128xf32, #tpu.memory_space<hbm>>
      %dma_wait3A_109 = tpu.memref_squeeze %dma_wait3A_108 : memref<1x624x128xf32, #tpu.memory_space<hbm>> -> memref<624x128xf32, #tpu.memory_space<hbm>>
      %dma_wait3A_110 = arith.constant 0 : i32
      %dma_wait3A_111 = tpu.memref_slice %arg8[%mul3A_94, %dma_wait3A_110] : memref<10008x128xf32, #tpu.memory_space<vmem_shared>> -> memref<624x128xf32, #tpu.memory_space<vmem_shared>>
      tpu.wait_dma2 semaphore(%run_scoped3A : memref<!tpu.dma_semaphore, #tpu.memory_space<semaphore_mem>>) src(%dma_wait3A_111 : memref<624x128xf32, #tpu.memory_space<vmem_shared>>) dst(%dma_wait3A_109 : memref<624x128xf32, #tpu.memory_space<hbm>>)
      tpu.yield
    }) : () -> ()
    %eq3A_97 = arith.constant 15 : i32
    %eq3A_98 = arith.cmpi eq, %arg1, %eq3A_97 : i32
    %convert_element_type3A_99 = arith.extui %eq3A_98 : i1 to i32
    %cond3A_100 = arith.constant 0 : i32
    %cond3A_101 = arith.cmpi ne, %convert_element_type3A_99, %cond3A_100 : i32
    scf.if %cond3A_101 {
      "tpu.region"() ({
        %run_scoped3A = tpu.sem_alloc : memref<!tpu.dma_semaphore, #tpu.memory_space<semaphore_mem>>
        %dma_start3A_102 = arith.constant 9984 : i32
        %dma_start3A_103 = arith.constant 0 : i32
        %dma_start3A_104 = tpu.memref_slice %arg5[%arg0, %dma_start3A_102, %dma_start3A_103] : memref<2x10000x128xf32, #tpu.memory_space<hbm>> -> memref<1x16x128xf32, #tpu.memory_space<hbm>>
        %dma_start3A_105 = tpu.memref_squeeze %dma_start3A_104 : memref<1x16x128xf32, #tpu.memory_space<hbm>> -> memref<16x128xf32, #tpu.memory_space<hbm>>
        %dma_start3A_106 = arith.constant 9984 : i32
        %dma_start3A_107 = arith.constant 0 : i32
        %dma_start3A_108 = tpu.memref_slice %arg8[%dma_start3A_106, %dma_start3A_107] : memref<10008x128xf32, #tpu.memory_space<vmem_shared>> -> memref<16x128xf32, #tpu.memory_space<vmem_shared>>
        tpu.enqueue_dma source(%dma_start3A_108 : memref<16x128xf32, #tpu.memory_space<vmem_shared>>) target(%dma_start3A_105 : memref<16x128xf32, #tpu.memory_space<hbm>>) target_semaphore(%run_scoped3A : memref<!tpu.dma_semaphore, #tpu.memory_space<semaphore_mem>>)
        %dma_wait3A_109 = arith.constant 9984 : i32
        %dma_wait3A_110 = arith.constant 0 : i32
        %dma_wait3A_111 = tpu.memref_slice %arg5[%arg0, %dma_wait3A_109, %dma_wait3A_110] : memref<2x10000x128xf32, #tpu.memory_space<hbm>> -> memref<1x16x128xf32, #tpu.memory_space<hbm>>
        %dma_wait3A_112 = tpu.memref_squeeze %dma_wait3A_111 : memref<1x16x128xf32, #tpu.memory_space<hbm>> -> memref<16x128xf32, #tpu.memory_space<hbm>>
        %dma_wait3A_113 = arith.constant 9984 : i32
        %dma_wait3A_114 = arith.constant 0 : i32
        %dma_wait3A_115 = tpu.memref_slice %arg8[%dma_wait3A_113, %dma_wait3A_114] : memref<10008x128xf32, #tpu.memory_space<vmem_shared>> -> memref<16x128xf32, #tpu.memory_space<vmem_shared>>
        tpu.wait_dma2 semaphore(%run_scoped3A : memref<!tpu.dma_semaphore, #tpu.memory_space<semaphore_mem>>) src(%dma_wait3A_115 : memref<16x128xf32, #tpu.memory_space<vmem_shared>>) dst(%dma_wait3A_112 : memref<16x128xf32, #tpu.memory_space<hbm>>)
        tpu.yield
      }) : () -> ()
    } else {
    }
    return
  }
}

module attributes {stable_mosaic.version = 14 : i64} {
  func.func @_phase1_body(%arg0: i32, %arg1: memref<1x1xf32, #tpu.memory_space<vmem>>, %arg2: memref<400x256xf32, #tpu.memory_space<vmem>>, %arg3: memref<400x128xf32, #tpu.memory_space<vmem>>, %arg4: memref<400x128xf32, #tpu.memory_space<vmem>>, %arg5: memref<256x1024xf32, #tpu.memory_space<vmem>>, %arg6: memref<1x1024xf32, #tpu.memory_space<vmem>>, %arg7: memref<400x1024xf32, #tpu.memory_space<vmem>>, %arg8: memref<1x1024xf32, #tpu.memory_space<vmem>>, %arg9: memref<1x1024xf32, #tpu.memory_space<vmem>>) attributes {dimension_semantics = [#tpu.dimension_semantics<arbitrary>], iteration_bounds = array<i64: 25>, scalar_prefetch = 0 : i64, scratch_operands = 0 : i64, tpu.core_type = #tpu.core_type<tc>, window_params = [{pipeline_mode = #tpu.pipeline_mode<synchronous>, transform_indices = @transform_0, window_bounds = array<i64: 1, 1>}, {transform_indices = @transform_1, window_bounds = array<i64: 400, 256>}, {transform_indices = @transform_2, window_bounds = array<i64: 400, 128>}, {transform_indices = @transform_3, window_bounds = array<i64: 400, 128>}, {pipeline_mode = #tpu.pipeline_mode<synchronous>, transform_indices = @transform_4, window_bounds = array<i64: 256, 1024>}, {pipeline_mode = #tpu.pipeline_mode<synchronous>, transform_indices = @transform_5, window_bounds = array<i64: 1, 1024>}, {transform_indices = @transform_6, window_bounds = array<i64: 400, 1024>}, {pipeline_mode = #tpu.pipeline_mode<synchronous>, transform_indices = @transform_7, window_bounds = array<i64: 1, 1024>}, {pipeline_mode = #tpu.pipeline_mode<synchronous>, transform_indices = @transform_8, window_bounds = array<i64: 1, 1024>}]} {
    %get3A = arith.constant 0 : index
    %get3A_0 = arith.constant 0 : index
    %get3A_1 = vector.load %arg1[%get3A, %get3A_0] : memref<1x1xf32, #tpu.memory_space<vmem>>, vector<1x1xf32>
    %get3A_2 = vector.extract %get3A_1[0, 0] : f32 from vector<1x1xf32>
    %add3A = arith.constant 1.000000e+00 : f32
    %add3A_3 = arith.addf %add3A, %get3A_2 : f32
    %get3A_4 = arith.constant 0 : index
    %get3A_5 = arith.constant 0 : index
    %get3A_6 = vector.load %arg2[%get3A_4, %get3A_5] : memref<400x256xf32, #tpu.memory_space<vmem>>, vector<400x128xf32>
    %mul3A = vector.broadcast %add3A_3 : f32 to vector<400x128xf32>
    %mul3A_7 = arith.mulf %mul3A, %get3A_6 : vector<400x128xf32>
    %get3A_8 = arith.constant 0 : index
    %get3A_9 = arith.constant 0 : index
    %get3A_10 = vector.load %arg3[%get3A_8, %get3A_9] : memref<400x128xf32, #tpu.memory_space<vmem>>, vector<400x128xf32>
    %add3A_11 = arith.addf %mul3A_7, %get3A_10 : vector<400x128xf32>
    %get3A_12 = arith.constant 0 : index
    %get3A_13 = arith.constant 128 : index
    %get3A_14 = vector.load %arg2[%get3A_12, %get3A_13] : memref<400x256xf32, #tpu.memory_space<vmem>>, vector<400x128xf32>
    %mul3A_15 = vector.broadcast %add3A_3 : f32 to vector<400x128xf32>
    %mul3A_16 = arith.mulf %mul3A_15, %get3A_14 : vector<400x128xf32>
    %get3A_17 = arith.constant 0 : index
    %get3A_18 = arith.constant 0 : index
    %get3A_19 = vector.load %arg4[%get3A_17, %get3A_18] : memref<400x128xf32, #tpu.memory_space<vmem>>, vector<400x128xf32>
    %add3A_20 = arith.addf %mul3A_16, %get3A_19 : vector<400x128xf32>
    %get3A_21 = arith.constant 0 : index
    %get3A_22 = arith.constant 0 : index
    %get3A_23 = vector.load %arg5[%get3A_21, %get3A_22] : memref<256x1024xf32, #tpu.memory_space<vmem>>, vector<128x1024xf32>
    %dot_general3A = arith.constant dense<0.000000e+00> : vector<400x1024xf32>
    %dot_general3A_24 = tpu.matmul %add3A_11, %get3A_23, %dot_general3A {dimension_numbers = #tpu.dot_dimension_numbers<[1], [0], [0], [1], [0, 0, 1, 1], [], []>, transpose_lhs_hint = false} : vector<400x128xf32>, vector<128x1024xf32>, vector<400x1024xf32> -> vector<400x1024xf32>
    %get3A_25 = arith.constant 128 : index
    %get3A_26 = arith.constant 0 : index
    %get3A_27 = vector.load %arg5[%get3A_25, %get3A_26] : memref<256x1024xf32, #tpu.memory_space<vmem>>, vector<128x1024xf32>
    %dot_general3A_28 = arith.constant dense<0.000000e+00> : vector<400x1024xf32>
    %dot_general3A_29 = tpu.matmul %add3A_20, %get3A_27, %dot_general3A_28 {dimension_numbers = #tpu.dot_dimension_numbers<[1], [0], [0], [1], [0, 0, 1, 1], [], []>, transpose_lhs_hint = false} : vector<400x128xf32>, vector<128x1024xf32>, vector<400x1024xf32> -> vector<400x1024xf32>
    %add3A_30 = arith.addf %dot_general3A_24, %dot_general3A_29 : vector<400x1024xf32>
    %get3A_31 = arith.constant 0 : index
    %get3A_32 = arith.constant 0 : index
    %get3A_33 = vector.load %arg6[%get3A_31, %get3A_32] : memref<1x1024xf32, #tpu.memory_space<vmem>>, vector<1x1024xf32>
    %add3A_34 = vector.broadcast %get3A_33 : vector<1x1024xf32> to vector<400x1024xf32>
    %add3A_35 = arith.addf %add3A_30, %add3A_34 : vector<400x1024xf32>
    %swap3A = arith.constant 0 : index
    %swap3A_36 = arith.constant 0 : index
    %swap3A_37 = vector.load %arg7[%swap3A, %swap3A_36] : memref<400x1024xf32, #tpu.memory_space<vmem>>, vector<400x1024xf32>
    tpu.vector_store %arg7[%swap3A, %swap3A_36], %add3A_35 {strides = array<i32>} : memref<400x1024xf32, #tpu.memory_space<vmem>>, vector<400x1024xf32>,
    %reduce_sum3A = arith.constant dense<0.000000e+00> : vector<1024xf32>
    %reduce_sum3A_38 = vector.multi_reduction <add>, %add3A_35, %reduce_sum3A [0] : vector<400x1024xf32> to vector<1024xf32>
    %broadcast_in_dim3A = vector.shape_cast %reduce_sum3A_38 : vector<1024xf32> to vector<1x1024xf32>
    %mul3A_39 = arith.mulf %add3A_35, %add3A_35 : vector<400x1024xf32>
    %reduce_sum3A_40 = arith.constant dense<0.000000e+00> : vector<1024xf32>
    %reduce_sum3A_41 = vector.multi_reduction <add>, %mul3A_39, %reduce_sum3A_40 [0] : vector<400x1024xf32> to vector<1024xf32>
    %broadcast_in_dim3A_42 = vector.shape_cast %reduce_sum3A_41 : vector<1024xf32> to vector<1x1024xf32>
    %eq3A = arith.constant 0 : i32
    %eq3A_43 = arith.cmpi eq, %arg0, %eq3A : i32
    %convert_element_type3A = arith.extui %eq3A_43 : i1 to i32
    %cond3A = arith.constant 0 : i32
    %cond3A_44 = arith.cmpi ne, %convert_element_type3A, %cond3A : i32
    scf.if %cond3A_44 {
      %swap3A_49 = arith.constant 0 : index
      %swap3A_50 = arith.constant 0 : index
      %swap3A_51 = vector.load %arg8[%swap3A_49, %swap3A_50] : memref<1x1024xf32, #tpu.memory_space<vmem>>, vector<1x1024xf32>
      tpu.vector_store %arg8[%swap3A_49, %swap3A_50], %broadcast_in_dim3A {strides = array<i32>} : memref<1x1024xf32, #tpu.memory_space<vmem>>, vector<1x1024xf32>,
      %swap3A_52 = arith.constant 0 : index
      %swap3A_53 = arith.constant 0 : index
      %swap3A_54 = vector.load %arg9[%swap3A_52, %swap3A_53] : memref<1x1024xf32, #tpu.memory_space<vmem>>, vector<1x1024xf32>
      tpu.vector_store %arg9[%swap3A_52, %swap3A_53], %broadcast_in_dim3A_42 {strides = array<i32>} : memref<1x1024xf32, #tpu.memory_space<vmem>>, vector<1x1024xf32>,
    } else {
    }
    %ne3A = arith.constant 0 : i32
    %ne3A_45 = arith.cmpi ne, %arg0, %ne3A : i32
    %convert_element_type3A_46 = arith.extui %ne3A_45 : i1 to i32
    %cond3A_47 = arith.constant 0 : i32
    %cond3A_48 = arith.cmpi ne, %convert_element_type3A_46, %cond3A_47 : i32
    scf.if %cond3A_48 {
      %get3A_49 = arith.constant 0 : index
      %get3A_50 = arith.constant 0 : index
      %get3A_51 = vector.load %arg8[%get3A_49, %get3A_50] : memref<1x1024xf32, #tpu.memory_space<vmem>>, vector<1x1024xf32>
      %add3A_52 = arith.addf %get3A_51, %broadcast_in_dim3A : vector<1x1024xf32>
      %swap3A_53 = arith.constant 0 : index
      %swap3A_54 = arith.constant 0 : index
      %swap3A_55 = vector.load %arg8[%swap3A_53, %swap3A_54] : memref<1x1024xf32, #tpu.memory_space<vmem>>, vector<1x1024xf32>
      tpu.vector_store %arg8[%swap3A_53, %swap3A_54], %add3A_52 {strides = array<i32>} : memref<1x1024xf32, #tpu.memory_space<vmem>>, vector<1x1024xf32>,
      %get3A_56 = arith.constant 0 : index
      %get3A_57 = arith.constant 0 : index
      %get3A_58 = vector.load %arg9[%get3A_56, %get3A_57] : memref<1x1024xf32, #tpu.memory_space<vmem>>, vector<1x1024xf32>
      %add3A_59 = arith.addf %get3A_58, %broadcast_in_dim3A_42 : vector<1x1024xf32>
      %swap3A_60 = arith.constant 0 : index
      %swap3A_61 = arith.constant 0 : index
      %swap3A_62 = vector.load %arg9[%swap3A_60, %swap3A_61] : memref<1x1024xf32, #tpu.memory_space<vmem>>, vector<1x1024xf32>
      tpu.vector_store %arg9[%swap3A_60, %swap3A_61], %add3A_59 {strides = array<i32>} : memref<1x1024xf32, #tpu.memory_space<vmem>>, vector<1x1024xf32>,
    } else {
    }
    return
  }
  func.func @transform_0(%arg0: i32) -> (i32, i32) {
    %c0_i32 = arith.constant 0 : i32
    %c0_i32_0 = arith.constant 0 : i32
    %c0_i32_1 = arith.constant 0 : i32
    return %c0_i32, %c0_i32_0 : i32, i32
  }
  func.func @transform_1(%arg0: i32) -> (i32, i32) {
    %c0_i32 = arith.constant 0 : i32
    %c0_i32_0 = arith.constant 0 : i32
    return %arg0, %c0_i32 : i32, i32
  }
  func.func @transform_2(%arg0: i32) -> (i32, i32) {
    %c0_i32 = arith.constant 0 : i32
    %c0_i32_0 = arith.constant 0 : i32
    return %arg0, %c0_i32 : i32, i32
  }
  func.func @transform_3(%arg0: i32) -> (i32, i32) {
    %c0_i32 = arith.constant 0 : i32
    %c0_i32_0 = arith.constant 0 : i32
    return %arg0, %c0_i32 : i32, i32
  }
  func.func @transform_4(%arg0: i32) -> (i32, i32) {
    %c0_i32 = arith.constant 0 : i32
    %c0_i32_0 = arith.constant 0 : i32
    %c0_i32_1 = arith.constant 0 : i32
    return %c0_i32, %c0_i32_0 : i32, i32
  }
  func.func @transform_5(%arg0: i32) -> (i32, i32) {
    %c0_i32 = arith.constant 0 : i32
    %c0_i32_0 = arith.constant 0 : i32
    %c0_i32_1 = arith.constant 0 : i32
    return %c0_i32, %c0_i32_0 : i32, i32
  }
  func.func @transform_6(%arg0: i32) -> (i32, i32) {
    %c0_i32 = arith.constant 0 : i32
    %c0_i32_0 = arith.constant 0 : i32
    return %arg0, %c0_i32 : i32, i32
  }
  func.func @transform_7(%arg0: i32) -> (i32, i32) {
    %c0_i32 = arith.constant 0 : i32
    %c0_i32_0 = arith.constant 0 : i32
    %c0_i32_1 = arith.constant 0 : i32
    return %c0_i32, %c0_i32_0 : i32, i32
  }
  func.func @transform_8(%arg0: i32) -> (i32, i32) {
    %c0_i32 = arith.constant 0 : i32
    %c0_i32_0 = arith.constant 0 : i32
    %c0_i32_1 = arith.constant 0 : i32
    return %c0_i32, %c0_i32_0 : i32, i32
  }
}

module attributes {stable_mosaic.version = 14 : i64} {
  func.func @_phase2_body(%arg0: i32, %arg1: memref<400x1024xf32, #tpu.memory_space<vmem>>, %arg2: memref<1x1024xf32, #tpu.memory_space<vmem>>, %arg3: memref<1x1024xf32, #tpu.memory_space<vmem>>, %arg4: memref<1x1024xf32, #tpu.memory_space<vmem>>, %arg5: memref<1x1024xf32, #tpu.memory_space<vmem>>, %arg6: memref<1024x256xf32, #tpu.memory_space<vmem>>, %arg7: memref<1x256xf32, #tpu.memory_space<vmem>>, %arg8: memref<400x256xf32, #tpu.memory_space<vmem>>, %arg9: memref<1x256xf32, #tpu.memory_space<vmem>>, %arg10: memref<1x256xf32, #tpu.memory_space<vmem>>) attributes {dimension_semantics = [#tpu.dimension_semantics<arbitrary>], iteration_bounds = array<i64: 25>, scalar_prefetch = 0 : i64, scratch_operands = 0 : i64, tpu.core_type = #tpu.core_type<tc>, window_params = [{transform_indices = @transform_0, window_bounds = array<i64: 400, 1024>}, {pipeline_mode = #tpu.pipeline_mode<synchronous>, transform_indices = @transform_1, window_bounds = array<i64: 1, 1024>}, {pipeline_mode = #tpu.pipeline_mode<synchronous>, transform_indices = @transform_2, window_bounds = array<i64: 1, 1024>}, {pipeline_mode = #tpu.pipeline_mode<synchronous>, transform_indices = @transform_3, window_bounds = array<i64: 1, 1024>}, {pipeline_mode = #tpu.pipeline_mode<synchronous>, transform_indices = @transform_4, window_bounds = array<i64: 1, 1024>}, {pipeline_mode = #tpu.pipeline_mode<synchronous>, transform_indices = @transform_5, window_bounds = array<i64: 1024, 256>}, {pipeline_mode = #tpu.pipeline_mode<synchronous>, transform_indices = @transform_6, window_bounds = array<i64: 1, 256>}, {transform_indices = @transform_7, window_bounds = array<i64: 400, 256>}, {pipeline_mode = #tpu.pipeline_mode<synchronous>, transform_indices = @transform_8, window_bounds = array<i64: 1, 256>}, {pipeline_mode = #tpu.pipeline_mode<synchronous>, transform_indices = @transform_9, window_bounds = array<i64: 1, 256>}]} {
    %get3A = arith.constant 0 : index
    %get3A_0 = arith.constant 0 : index
    %get3A_1 = vector.load %arg2[%get3A, %get3A_0] : memref<1x1024xf32, #tpu.memory_space<vmem>>, vector<1x1024xf32>
    %div3A = arith.constant 1.000000e+04 : f32
    %div3A_2 = vector.broadcast %div3A : f32 to vector<1x1024xf32>
    %div3A_3 = arith.divf %get3A_1, %div3A_2 : vector<1x1024xf32>
    %get3A_4 = arith.constant 0 : index
    %get3A_5 = arith.constant 0 : index
    %get3A_6 = vector.load %arg3[%get3A_4, %get3A_5] : memref<1x1024xf32, #tpu.memory_space<vmem>>, vector<1x1024xf32>
    %div3A_7 = arith.constant 1.000000e+04 : f32
    %div3A_8 = vector.broadcast %div3A_7 : f32 to vector<1x1024xf32>
    %div3A_9 = arith.divf %get3A_6, %div3A_8 : vector<1x1024xf32>
    %mul3A = arith.mulf %div3A_3, %div3A_3 : vector<1x1024xf32>
    %sub3A = arith.subf %div3A_9, %mul3A : vector<1x1024xf32>
    %add3A = arith.constant 9.99999974E-6 : f32
    %add3A_10 = vector.broadcast %add3A : f32 to vector<1x1024xf32>
    %add3A_11 = arith.addf %sub3A, %add3A_10 : vector<1x1024xf32>
    %rsqrt3A = math.rsqrt %add3A_11 : vector<1x1024xf32>
    %get3A_12 = arith.constant 0 : index
    %get3A_13 = arith.constant 0 : index
    %get3A_14 = vector.load %arg1[%get3A_12, %get3A_13] : memref<400x1024xf32, #tpu.memory_space<vmem>>, vector<400x1024xf32>
    %sub3A_15 = vector.broadcast %div3A_3 : vector<1x1024xf32> to vector<400x1024xf32>
    %sub3A_16 = arith.subf %get3A_14, %sub3A_15 : vector<400x1024xf32>
    %get3A_17 = arith.constant 0 : index
    %get3A_18 = arith.constant 0 : index
    %get3A_19 = vector.load %arg4[%get3A_17, %get3A_18] : memref<1x1024xf32, #tpu.memory_space<vmem>>, vector<1x1024xf32>
    %mul3A_20 = arith.mulf %rsqrt3A, %get3A_19 : vector<1x1024xf32>
    %mul3A_21 = vector.broadcast %mul3A_20 : vector<1x1024xf32> to vector<400x1024xf32>
    %mul3A_22 = arith.mulf %sub3A_16, %mul3A_21 : vector<400x1024xf32>
    %get3A_23 = arith.constant 0 : index
    %get3A_24 = arith.constant 0 : index
    %get3A_25 = vector.load %arg5[%get3A_23, %get3A_24] : memref<1x1024xf32, #tpu.memory_space<vmem>>, vector<1x1024xf32>
    %add3A_26 = vector.broadcast %get3A_25 : vector<1x1024xf32> to vector<400x1024xf32>
    %add3A_27 = arith.addf %mul3A_22, %add3A_26 : vector<400x1024xf32>
    %max3A = arith.constant 0.000000e+00 : f32
    %max3A_28 = vector.broadcast %max3A : f32 to vector<400x1024xf32>
    %max3A_29 = arith.maximumf %add3A_27, %max3A_28 : vector<400x1024xf32>
    %get3A_30 = arith.constant 0 : index
    %get3A_31 = arith.constant 0 : index
    %get3A_32 = vector.load %arg6[%get3A_30, %get3A_31] : memref<1024x256xf32, #tpu.memory_space<vmem>>, vector<1024x256xf32>
    %dot_general3A = arith.constant dense<0.000000e+00> : vector<400x256xf32>
    %dot_general3A_33 = tpu.matmul %max3A_29, %get3A_32, %dot_general3A {dimension_numbers = #tpu.dot_dimension_numbers<[1], [0], [0], [1], [0, 0, 1, 1], [], []>, transpose_lhs_hint = false} : vector<400x1024xf32>, vector<1024x256xf32>, vector<400x256xf32> -> vector<400x256xf32>
    %get3A_34 = arith.constant 0 : index
    %get3A_35 = arith.constant 0 : index
    %get3A_36 = vector.load %arg7[%get3A_34, %get3A_35] : memref<1x256xf32, #tpu.memory_space<vmem>>, vector<1x256xf32>
    %add3A_37 = vector.broadcast %get3A_36 : vector<1x256xf32> to vector<400x256xf32>
    %add3A_38 = arith.addf %dot_general3A_33, %add3A_37 : vector<400x256xf32>
    %swap3A = arith.constant 0 : index
    %swap3A_39 = arith.constant 0 : index
    %swap3A_40 = vector.load %arg8[%swap3A, %swap3A_39] : memref<400x256xf32, #tpu.memory_space<vmem>>, vector<400x256xf32>
    tpu.vector_store %arg8[%swap3A, %swap3A_39], %add3A_38 {strides = array<i32>} : memref<400x256xf32, #tpu.memory_space<vmem>>, vector<400x256xf32>,
    %reduce_sum3A = arith.constant dense<0.000000e+00> : vector<256xf32>
    %reduce_sum3A_41 = vector.multi_reduction <add>, %add3A_38, %reduce_sum3A [0] : vector<400x256xf32> to vector<256xf32>
    %broadcast_in_dim3A = vector.shape_cast %reduce_sum3A_41 : vector<256xf32> to vector<1x256xf32>
    %mul3A_42 = arith.mulf %add3A_38, %add3A_38 : vector<400x256xf32>
    %reduce_sum3A_43 = arith.constant dense<0.000000e+00> : vector<256xf32>
    %reduce_sum3A_44 = vector.multi_reduction <add>, %mul3A_42, %reduce_sum3A_43 [0] : vector<400x256xf32> to vector<256xf32>
    %broadcast_in_dim3A_45 = vector.shape_cast %reduce_sum3A_44 : vector<256xf32> to vector<1x256xf32>
    %eq3A = arith.constant 0 : i32
    %eq3A_46 = arith.cmpi eq, %arg0, %eq3A : i32
    %convert_element_type3A = arith.extui %eq3A_46 : i1 to i32
    %cond3A = arith.constant 0 : i32
    %cond3A_47 = arith.cmpi ne, %convert_element_type3A, %cond3A : i32
    scf.if %cond3A_47 {
      %swap3A_52 = arith.constant 0 : index
      %swap3A_53 = arith.constant 0 : index
      %swap3A_54 = vector.load %arg9[%swap3A_52, %swap3A_53] : memref<1x256xf32, #tpu.memory_space<vmem>>, vector<1x256xf32>
      tpu.vector_store %arg9[%swap3A_52, %swap3A_53], %broadcast_in_dim3A {strides = array<i32>} : memref<1x256xf32, #tpu.memory_space<vmem>>, vector<1x256xf32>,
      %swap3A_55 = arith.constant 0 : index
      %swap3A_56 = arith.constant 0 : index
      %swap3A_57 = vector.load %arg10[%swap3A_55, %swap3A_56] : memref<1x256xf32, #tpu.memory_space<vmem>>, vector<1x256xf32>
      tpu.vector_store %arg10[%swap3A_55, %swap3A_56], %broadcast_in_dim3A_45 {strides = array<i32>} : memref<1x256xf32, #tpu.memory_space<vmem>>, vector<1x256xf32>,
    } else {
    }
    %ne3A = arith.constant 0 : i32
    %ne3A_48 = arith.cmpi ne, %arg0, %ne3A : i32
    %convert_element_type3A_49 = arith.extui %ne3A_48 : i1 to i32
    %cond3A_50 = arith.constant 0 : i32
    %cond3A_51 = arith.cmpi ne, %convert_element_type3A_49, %cond3A_50 : i32
    scf.if %cond3A_51 {
      %get3A_52 = arith.constant 0 : index
      %get3A_53 = arith.constant 0 : index
      %get3A_54 = vector.load %arg9[%get3A_52, %get3A_53] : memref<1x256xf32, #tpu.memory_space<vmem>>, vector<1x256xf32>
      %add3A_55 = arith.addf %get3A_54, %broadcast_in_dim3A : vector<1x256xf32>
      %swap3A_56 = arith.constant 0 : index
      %swap3A_57 = arith.constant 0 : index
      %swap3A_58 = vector.load %arg9[%swap3A_56, %swap3A_57] : memref<1x256xf32, #tpu.memory_space<vmem>>, vector<1x256xf32>
      tpu.vector_store %arg9[%swap3A_56, %swap3A_57], %add3A_55 {strides = array<i32>} : memref<1x256xf32, #tpu.memory_space<vmem>>, vector<1x256xf32>,
      %get3A_59 = arith.constant 0 : index
      %get3A_60 = arith.constant 0 : index
      %get3A_61 = vector.load %arg10[%get3A_59, %get3A_60] : memref<1x256xf32, #tpu.memory_space<vmem>>, vector<1x256xf32>
      %add3A_62 = arith.addf %get3A_61, %broadcast_in_dim3A_45 : vector<1x256xf32>
      %swap3A_63 = arith.constant 0 : index
      %swap3A_64 = arith.constant 0 : index
      %swap3A_65 = vector.load %arg10[%swap3A_63, %swap3A_64] : memref<1x256xf32, #tpu.memory_space<vmem>>, vector<1x256xf32>
      tpu.vector_store %arg10[%swap3A_63, %swap3A_64], %add3A_62 {strides = array<i32>} : memref<1x256xf32, #tpu.memory_space<vmem>>, vector<1x256xf32>,
    } else {
    }
    return
  }
  func.func @transform_0(%arg0: i32) -> (i32, i32) {
    %c0_i32 = arith.constant 0 : i32
    %c0_i32_0 = arith.constant 0 : i32
    return %arg0, %c0_i32 : i32, i32
  }
  func.func @transform_1(%arg0: i32) -> (i32, i32) {
    %c0_i32 = arith.constant 0 : i32
    %c0_i32_0 = arith.constant 0 : i32
    %c0_i32_1 = arith.constant 0 : i32
    return %c0_i32, %c0_i32_0 : i32, i32
  }
  func.func @transform_2(%arg0: i32) -> (i32, i32) {
    %c0_i32 = arith.constant 0 : i32
    %c0_i32_0 = arith.constant 0 : i32
    %c0_i32_1 = arith.constant 0 : i32
    return %c0_i32, %c0_i32_0 : i32, i32
  }
  func.func @transform_3(%arg0: i32) -> (i32, i32) {
    %c0_i32 = arith.constant 0 : i32
    %c0_i32_0 = arith.constant 0 : i32
    %c0_i32_1 = arith.constant 0 : i32
    return %c0_i32, %c0_i32_0 : i32, i32
  }
  func.func @transform_4(%arg0: i32) -> (i32, i32) {
    %c0_i32 = arith.constant 0 : i32
    %c0_i32_0 = arith.constant 0 : i32
    %c0_i32_1 = arith.constant 0 : i32
    return %c0_i32, %c0_i32_0 : i32, i32
  }
  func.func @transform_5(%arg0: i32) -> (i32, i32) {
    %c0_i32 = arith.constant 0 : i32
    %c0_i32_0 = arith.constant 0 : i32
    %c0_i32_1 = arith.constant 0 : i32
    return %c0_i32, %c0_i32_0 : i32, i32
  }
  func.func @transform_6(%arg0: i32) -> (i32, i32) {
    %c0_i32 = arith.constant 0 : i32
    %c0_i32_0 = arith.constant 0 : i32
    %c0_i32_1 = arith.constant 0 : i32
    return %c0_i32, %c0_i32_0 : i32, i32
  }
  func.func @transform_7(%arg0: i32) -> (i32, i32) {
    %c0_i32 = arith.constant 0 : i32
    %c0_i32_0 = arith.constant 0 : i32
    return %arg0, %c0_i32 : i32, i32
  }
  func.func @transform_8(%arg0: i32) -> (i32, i32) {
    %c0_i32 = arith.constant 0 : i32
    %c0_i32_0 = arith.constant 0 : i32
    %c0_i32_1 = arith.constant 0 : i32
    return %c0_i32, %c0_i32_0 : i32, i32
  }
  func.func @transform_9(%arg0: i32) -> (i32, i32) {
    %c0_i32 = arith.constant 0 : i32
    %c0_i32_0 = arith.constant 0 : i32
    %c0_i32_1 = arith.constant 0 : i32
    return %c0_i32, %c0_i32_0 : i32, i32
  }
}

module attributes {stable_mosaic.version = 14 : i64} {
  func.func @_phase3_body(%arg0: i32, %arg1: memref<400x256xf32, #tpu.memory_space<vmem>>, %arg2: memref<1x256xf32, #tpu.memory_space<vmem>>, %arg3: memref<1x256xf32, #tpu.memory_space<vmem>>, %arg4: memref<1x256xf32, #tpu.memory_space<vmem>>, %arg5: memref<1x256xf32, #tpu.memory_space<vmem>>, %arg6: memref<400x256xf32, #tpu.memory_space<vmem>>) attributes {dimension_semantics = [#tpu.dimension_semantics<arbitrary>], iteration_bounds = array<i64: 25>, scalar_prefetch = 0 : i64, scratch_operands = 0 : i64, tpu.core_type = #tpu.core_type<tc>, window_params = [{transform_indices = @transform_0, window_bounds = array<i64: 400, 256>}, {pipeline_mode = #tpu.pipeline_mode<synchronous>, transform_indices = @transform_1, window_bounds = array<i64: 1, 256>}, {pipeline_mode = #tpu.pipeline_mode<synchronous>, transform_indices = @transform_2, window_bounds = array<i64: 1, 256>}, {pipeline_mode = #tpu.pipeline_mode<synchronous>, transform_indices = @transform_3, window_bounds = array<i64: 1, 256>}, {pipeline_mode = #tpu.pipeline_mode<synchronous>, transform_indices = @transform_4, window_bounds = array<i64: 1, 256>}, {transform_indices = @transform_5, window_bounds = array<i64: 400, 256>}]} {
    %get3A = arith.constant 0 : index
    %get3A_0 = arith.constant 0 : index
    %get3A_1 = vector.load %arg2[%get3A, %get3A_0] : memref<1x256xf32, #tpu.memory_space<vmem>>, vector<1x256xf32>
    %div3A = arith.constant 1.000000e+04 : f32
    %div3A_2 = vector.broadcast %div3A : f32 to vector<1x256xf32>
    %div3A_3 = arith.divf %get3A_1, %div3A_2 : vector<1x256xf32>
    %get3A_4 = arith.constant 0 : index
    %get3A_5 = arith.constant 0 : index
    %get3A_6 = vector.load %arg3[%get3A_4, %get3A_5] : memref<1x256xf32, #tpu.memory_space<vmem>>, vector<1x256xf32>
    %div3A_7 = arith.constant 1.000000e+04 : f32
    %div3A_8 = vector.broadcast %div3A_7 : f32 to vector<1x256xf32>
    %div3A_9 = arith.divf %get3A_6, %div3A_8 : vector<1x256xf32>
    %mul3A = arith.mulf %div3A_3, %div3A_3 : vector<1x256xf32>
    %sub3A = arith.subf %div3A_9, %mul3A : vector<1x256xf32>
    %add3A = arith.constant 9.99999974E-6 : f32
    %add3A_10 = vector.broadcast %add3A : f32 to vector<1x256xf32>
    %add3A_11 = arith.addf %sub3A, %add3A_10 : vector<1x256xf32>
    %rsqrt3A = math.rsqrt %add3A_11 : vector<1x256xf32>
    %get3A_12 = arith.constant 0 : index
    %get3A_13 = arith.constant 0 : index
    %get3A_14 = vector.load %arg1[%get3A_12, %get3A_13] : memref<400x256xf32, #tpu.memory_space<vmem>>, vector<400x256xf32>
    %sub3A_15 = vector.broadcast %div3A_3 : vector<1x256xf32> to vector<400x256xf32>
    %sub3A_16 = arith.subf %get3A_14, %sub3A_15 : vector<400x256xf32>
    %get3A_17 = arith.constant 0 : index
    %get3A_18 = arith.constant 0 : index
    %get3A_19 = vector.load %arg4[%get3A_17, %get3A_18] : memref<1x256xf32, #tpu.memory_space<vmem>>, vector<1x256xf32>
    %mul3A_20 = arith.mulf %rsqrt3A, %get3A_19 : vector<1x256xf32>
    %mul3A_21 = vector.broadcast %mul3A_20 : vector<1x256xf32> to vector<400x256xf32>
    %mul3A_22 = arith.mulf %sub3A_16, %mul3A_21 : vector<400x256xf32>
    %get3A_23 = arith.constant 0 : index
    %get3A_24 = arith.constant 0 : index
    %get3A_25 = vector.load %arg5[%get3A_23, %get3A_24] : memref<1x256xf32, #tpu.memory_space<vmem>>, vector<1x256xf32>
    %add3A_26 = vector.broadcast %get3A_25 : vector<1x256xf32> to vector<400x256xf32>
    %add3A_27 = arith.addf %mul3A_22, %add3A_26 : vector<400x256xf32>
    %swap3A = arith.constant 0 : index
    %swap3A_28 = arith.constant 0 : index
    %swap3A_29 = vector.load %arg6[%swap3A, %swap3A_28] : memref<400x256xf32, #tpu.memory_space<vmem>>, vector<400x256xf32>
    tpu.vector_store %arg6[%swap3A, %swap3A_28], %add3A_27 {strides = array<i32>} : memref<400x256xf32, #tpu.memory_space<vmem>>, vector<400x256xf32>,
    return
  }
  func.func @transform_0(%arg0: i32) -> (i32, i32) {
    %c0_i32 = arith.constant 0 : i32
    %c0_i32_0 = arith.constant 0 : i32
    return %arg0, %c0_i32 : i32, i32
  }
  func.func @transform_1(%arg0: i32) -> (i32, i32) {
    %c0_i32 = arith.constant 0 : i32
    %c0_i32_0 = arith.constant 0 : i32
    %c0_i32_1 = arith.constant 0 : i32
    return %c0_i32, %c0_i32_0 : i32, i32
  }
  func.func @transform_2(%arg0: i32) -> (i32, i32) {
    %c0_i32 = arith.constant 0 : i32
    %c0_i32_0 = arith.constant 0 : i32
    %c0_i32_1 = arith.constant 0 : i32
    return %c0_i32, %c0_i32_0 : i32, i32
  }
  func.func @transform_3(%arg0: i32) -> (i32, i32) {
    %c0_i32 = arith.constant 0 : i32
    %c0_i32_0 = arith.constant 0 : i32
    %c0_i32_1 = arith.constant 0 : i32
    return %c0_i32, %c0_i32_0 : i32, i32
  }
  func.func @transform_4(%arg0: i32) -> (i32, i32) {
    %c0_i32 = arith.constant 0 : i32
    %c0_i32_0 = arith.constant 0 : i32
    %c0_i32_1 = arith.constant 0 : i32
    return %c0_i32, %c0_i32_0 : i32, i32
  }
  func.func @transform_5(%arg0: i32) -> (i32, i32) {
    %c0_i32 = arith.constant 0 : i32
    %c0_i32_0 = arith.constant 0 : i32
    return %arg0, %c0_i32 : i32, i32
  }
}

</mosaic_0001>

<sc_bundles>
// kernel: kernel.6.cloned.1.call-start
scs
__scs_entry_jumppad:
0x0: {  	(pc) =	sbr.rel $0x88, $3  }
0x1: {  	(tag) =	ssettag $0x0;
	lr =	simm.s32 $0x1  }
0x2: {  	[smem:$0x3F96] =	sst lr;
	_ =	strace $0xD0000000  }
0x3: {  	_ = 	snop  }
0x4: {  	_ = 	snop  }
0x5: {  	_ = 	snop  }
0x6: {  	_ = 	snop  }
0x7: {  	_ = 	snop  }
__scs_overlays_trampoline_lowered:
0x8: {  	[smem:$0x3FA5] =	sst s0  }
0x9: {  	[smem:$0x3FA6] =	sst s1  }
0xa: {  	[smem:$0x3FA7] =	sst s2  }
0xb: {  	[smem:$0x3FA8] =	sst s3  }
0xc: {  	[smem:$0x3FA9] =	sst s4  }
0xd: {  	[smem:$0x3FAA] =	sst s5  }
0xe: {  	[smem:$0x3FAB] =	sst s6  }
0xf: {  	[smem:$0x3FAC] =	sst s7  }
0x10: {  	[smem:$0x3FAD] =	sst s8  }
0x11: {  	[smem:$0x3FAE] =	sst s9;
	s0 =	simm.s32 @!p0 $0x0  }
0x12: {  	s1 =	sld [smem:$0x3F94];
	s0 =	simm.s32 @p0 $0x1  }
0x13: {  	[smem:$0x3FAF] =	sst s0;
	s0 =	simm.s32 @!p1 $0x0  }
0x14: {  	s2 =	sld [smem:$0x3F93];
	s0 =	simm.s32 @p1 $0x1  }
0x15: {  	[smem:$0x3FB0] =	sst s0;
	s0 =	simm.s32 @!p2 $0x0  }
0x16: {  	s3 =	sld [smem:$0x3FDB];
	s0 =	simm.s32 @p2 $0x1  }
0x17: {  	s4 =	simm.s32 $0x1BF5;
	[smem:$0x3FB2] =	sst s0  }
0x18: {  	s0 =	sld [smem:$0x3F95];
	_ =	swait.ge [sflag:s4], $0x0  }
0x19: {  	s7 =	sld [smem:$0x3F96]  }
0x1a: {  	s8 =	sadd.s32 $0xFFFFE003, lr  }
0x1b: {  	s9 =	sadd.s32 $0xFFFFFEF7, lr;
	s5 =	simm.s32 $0xFFFFFFFF;
	p2 =	slt.u32 s8, $0xFFFFF086  }
0x1c: {  	p1 =	slt.u32 s9, $0xF7A;
	s5 =	simm.s32 @!p2 $0x0  }
0x1d: {  	s5 =	simm.s32 @p1 $0x1;
	p0 =	seq.s32 s7, s2  }
0x1e: {  	s7 =	smul.u32 @!p0 $0xF7A, s2;
	p2 =	seq.s32 @!p0 s5, $0x0  }
0x1f: {  	s9 =	smul.u32 $0xF7A, s1;
	s8 =	simm.s32 @!p0 $0x1BF5;
	p2 =	por !p2, p0  }
0x20: {  	[sflag:s8] =	ssyncset.s32 @!p0 $0xFFFFF086;
	s6 =	sadd.s32 @!p0 s3, s7;
	s7 =	simm.s32 @!p0 $0x108  }
0x21: {  	s3 =	sadd.s32 s3, s9;
	s6 =	sadd.s32 @!p0 $0x88, s6;
	s7 =	simm.s32 @p2 $0x1082  }
0x22: {  	[simem:s7], [sflag:s8] =	dma.local @!p0 [hbm:s6], $0xF7A  }
0x23: {  	s9 =	sor.u32 $0xD0000000, s2;
	s6 =	simm.s32 $0x108;
	_ =	swait.ge @!p0 [sflag:s8], $0x0  }
0x24: {  	s3 =	sadd.s32 $0x88, s3;
	s6 =	simm.s32 @!p1 $0x1082;
	[sflag:s4] =	ssyncset.s32 $0xFFFFF086  }
0x25: {  	[simem:s6], [sflag:s4] =	dma.local [hbm:s3], $0xF7A  }
0x26: {  	[smem:$0x3F96] =	sst s1;
	(tag) =	ssettag s2;
	_ =	strace s9  }
0x27: {  	s1 =	sld [smem:$0x3FA6]  }
0x28: {  	s2 =	sld [smem:$0x3FA7]  }
0x29: {  	s4 =	sld [smem:$0x3FA9]  }
0x2a: {  	p0 =	seq.s32 s5, $0x0;
	s5 =	sld [smem:$0x3FAA]  }
0x2b: {  	s6 =	sld [smem:$0x3FAB]  }
0x2c: {  	s7 =	sld [smem:$0x3FAC]  }
0x2d: {  	s3 =	simm.s32 $0x108;
	s8 =	sld [smem:$0x3FAD]  }
0x2e: {  	s3 =	simm.s32 @!p0 $0x1082;
	s9 =	sld [smem:$0x3FAE]  }
0x2f: {  	lr =	sadd.s32 s0, s3;
	s0 =	sld [smem:$0x3FA5]  }
0x30: {  	s3 =	sld [smem:$0x3FA8]  }
0x31: {  	[smem:$0x3FB1] =	sst s10  }
0x32: {  	s10 =	sld [smem:$0x3FAF];
	_ =	sdelay $0x3  }
0x33: {  	p0 =	seq.s32 s10, $0x1;
	s10 =	sld [smem:$0x3FB1];
	_ =	sdelay $0x3  }
0x34: {  	[smem:$0x3FB1] =	sst s10  }
0x35: {  	s10 =	sld [smem:$0x3FB0];
	_ =	sdelay $0x3  }
0x36: {  	p1 =	seq.s32 s10, $0x1;
	s10 =	sld [smem:$0x3FB1];
	_ =	sdelay $0x3  }
0x37: {  	[smem:$0x3FB1] =	sst s10  }
0x38: {  	s10 =	sld [smem:$0x3FB2]  }
0x39: {  	_ = 	snop;
	(pc) =	sbr.ind lr, $3  }
0x3a: {  	_ = 	snop  }
0x3b: {  	_ = 	snop  }
0x3c: {  	p2 =	seq.s32 s10, $0x1;
	s10 =	sld [smem:$0x3FB1]  }
0x3d: {  	_ =	shalt  }
0x3e: {  	_ =	shalt  }
0x3f: {  	_ =	shalt  }
0x40: {  	_ =	shalt  }
0x41: {  	_ =	shalt  }
0x42: {  	_ =	shalt  }
0x43: {  	_ =	shalt  }
0x44: {  	_ =	shalt  }
0x45: {  	_ =	shalt  }
0x46: {  	_ =	shalt  }
0x47: {  	_ =	shalt  }
0x48: {  	_ =	shalt  }
0x49: {  	_ =	shalt  }
0x4a: {  	_ =	shalt  }
0x4b: {  	_ =	shalt  }
0x4c: {  	_ =	shalt  }
0x4d: {  	_ =	shalt  }
0x4e: {  	_ =	shalt  }
0x4f: {  	_ =	shalt  }
0x50: {  	_ =	shalt  }
0x51: {  	_ =	shalt  }
0x52: {  	_ =	shalt  }
0x53: {  	_ =	shalt  }
0x54: {  	_ =	shalt  }
0x55: {  	_ =	shalt  }
0x56: {  	_ =	shalt  }
0x57: {  	_ =	shalt  }
0x58: {  	_ =	shalt  }
0x59: {  	_ =	shalt  }
0x5a: {  	_ =	shalt  }
0x5b: {  	_ =	shalt  }
0x5c: {  	_ =	shalt  }
0x5d: {  	_ =	shalt  }
0x5e: {  	_ =	shalt  }
0x5f: {  	_ =	shalt  }
0x60: {  	_ =	shalt  }
0x61: {  	_ =	shalt  }
0x62: {  	_ =	shalt  }
0x63: {  	_ =	shalt  }
0x64: {  	_ =	shalt  }
0x65: {  	_ =	shalt  }
0x66: {  	_ =	shalt  }
0x67: {  	_ =	shalt  }
0x68: {  	_ =	shalt  }
0x69: {  	_ =	shalt  }
0x6a: {  	_ =	shalt  }
0x6b: {  	_ =	shalt  }
0x6c: {  	_ =	shalt  }
0x6d: {  	_ =	shalt  }
0x6e: {  	_ =	shalt  }
0x6f: {  	_ =	shalt  }
0x70: {  	_ =	shalt  }
0x71: {  	_ =	shalt  }
0x72: {  	_ =	shalt  }
0x73: {  	_ =	shalt  }
0x74: {  	_ =	shalt  }
0x75: {  	_ =	shalt  }
0x76: {  	_ =	shalt  }
0x77: {  	_ =	shalt  }
0x78: {  	_ =	shalt  }
0x79: {  	_ =	shalt  }
0x7a: {  	_ =	shalt  }
0x7b: {  	_ =	shalt  }
0x7c: {  	_ =	shalt  }
0x7d: {  	_ =	shalt  }
0x7e: {  	_ =	shalt  }
0x7f: {  	_ =	shalt  }
0x80: {  	_ =	shalt  }
0x81: {  	_ =	shalt  }
0x82: {  	_ =	shalt  }
0x83: {  	_ =	shalt  }
0x84: {  	_ =	shalt  }
0x85: {  	_ =	shalt  }
0x86: {  	_ =	shalt  }
0x87: {  	_ =	shalt  }
.Lfunc_end0:
.L_simem_size_0:
called_computation_lowered:
.L_overlay_start_0:
0x88: {  	s2 =	sld [smem:$0x3FD9]  }
0x89: {  	s3 =	sld [smem:$0x3FFE];
	_ =	sdelay $0x1  }
0x8a: {  	s1 =	srdreg.scid  }
0x8b: {  	s0 =	sand.u32 $0x1, s1  }
0x8c: {  	s17 =	sshll.u32 s0, $0xA;
	s2 =	sadd.s32 s3, s2  }
0x8d: {  	s2 =	sadd.s32 s2, s17  }
0x8e: {  	[smem:$0x3FBD] =	sst s2  }
0x8f: {  	_ = 	snop  }
0x90: {  	s2 =	sld [smem:$0x3FD0];
	(tm) =	ssettm $0x1  }
0x91: {  	s18 =	sld [smem:$0x3FFB];
	_ =	sdelay $0x3  }
0x92: {  	_ =	strace s18  }
0x93: {  	s3 =	sld [smem:$0x3FFC];
	_ =	sdelay $0x3  }
0x94: {  	_ =	strace s3  }
0x95: {  	s3 =	sld [smem:$0x3FFD];
	_ =	sdelay $0x3  }
0x96: {  	_ =	strace s3  }
0x97: {  	_ =	strace $0x8FFFFFFF  }
0x98: {  	s19 =	sld [smem:$0x3FDB];
	_ =	sdelay $0x1  }
0x99: {  	s4 =	simm.s32 $_scs_section_size  }
0x9a: {  	s5 =	simm.s32 $_size__tile_overlayer_lowered;
	s6 =	simm.s32 $_tile_overlayer_lowered  }
0x9b: {  	s22 =	simm.s32 $0x1BFF;
	s21 =	sshll.u32 s6, $0x1;
	s3 =	sadd.s32 s4, s19  }
0x9c: {  	s7 =	simm.s32 $0x0;
	s20 =	sshll.u32 s5, $0x1;
	s5 =	sadd.s32 s21, s3  }
0x9d: {  	[timem:s7], [sflag:s22] =	dma.local [hbm:s5], s20  }
0x9e: {  	_ =	swait.ge [sflag:s22], s20  }
0x9f: {  	s4 =	ssub.s32 $0x0, s20;
	[sflag:s22] =	ssyncset.done $0x0  }
0xa0: {  	[sflag:s22] =	ssyncadd.s32 s4;
	_ =	sdelay $0x1  }
0xa1: {  	s23 =	simm.s32 $0x1B8B  }
0xa2: {  	_ =	swait.ge [sflag:s23], $0x1  }
0xa3: {  	[sflag:s23] =	ssyncset.done $0x0  }
0xa4: {  	s25 =	simm.s32 $0x1B8E;
	s24 =	sld [smem:$0x3FFE];
	[sflag:s23] =	ssyncadd.s32 $0xFFFFFFFF  }
0xa5: {  	s26 =	simm.s32 $execute0_lowered;
	[smem:$0x3FD2] =	sst s25  }
0xa6: {  	s5 =	sshll.u32 s26, $0x1;
	_ =	strace $0x80000046;
	[dreg:$0x1] =	wrdreg $0xFFFFFFFF  }
0xa7: {  	s28 =	simm.s32 $_size_execute0_lowered;
	s3 =	sadd.s32 s3, s5;
	[dreg:$0x0] =	wrdreg $0x0  }
0xa8: {  	s5 =	sshll.u32 s28, $0x1;
	[dreg:$0x2] =	wrdreg s3  }
0xa9: {  	[dreg:$0x3] =	wrdreg s5  }
0xaa: {  	[dreg:$0x4] =	wrdreg $0xC0  }
0xab: {  	_ =	task [dreg:s7], $0x5FFFF  }
0xac: {  	[dreg:$0x1] =	wrdreg $0xFFFFFFFF  }
0xad: {  	[dreg:$0x0] =	wrdreg $0x60  }
0xae: {  	[dreg:$0x2] =	wrdreg s2  }
0xaf: {  	[dreg:$0x3] =	wrdreg s24  }
0xb0: {  	[dreg:$0x4] =	wrdreg $0x90000  }
0xb1: {  	[dreg:$0x5] =	wrdreg $0x9  }
0xb2: {  	_ =	task.clear_ibuf [dreg:s7], $0x6FFFF;
	_ =	strace $0x90000046  }
0xb3: {  	s29 =	simm.s32 $0x9;
	_ =	strace $0x80000048  }
0xb4: {  	_ =	swait.ge [sflag:s29], $0x1  }
0xb5: {  	[sflag:s29] =	ssyncadd.s32 $0xFFFFFFFF  }
0xb6: {  	_ =	strace $0x90000048  }
0xb7: {  	_ =	sfence  }
0xb8: {  	s30 =	sld [smem:$0x0];
	_ =	sdelay $0x2  }
0xb9: {  	s31 =	sshll.u32 s1, $0xD;
	s1 =	sshrl.u32 s1, $0x2  }
0xba: {  	s3 =	sand.u32 $0x4000, s31;
	s1 =	sadd.s32 s1, s30  }
0xbb: {  	s0 =	sor.u32 s3, s0;
	s1 =	sshll.u32 s1, $0x11  }
0xbc: {  	s0 =	sor.u32 s1, s0  }
0xbd: {  	s0 =	sadd.s32 $0x8F2B, s0  }
0xbe: {  	[sflag:s0] =	ssyncadd.remote.s32 $0x1  }
0xbf: {  	_ =	sfence.sel $0xFFFF  }
0xc0: {  	[dreg:$0x0] =	wrdreg $0xFFFFFFFF;
	(pc) =	sbr.abs _section_cstart, $3  }
0xc1: {  	[dreg:$0x1] =	wrdreg $0xFFFFFFFF  }
0xc2: {  	_ =	task.clear_ibuf [dreg:s7], $0x2FFFF;
	_ =	strace $0x9FFFFFFF  }
0xc3: {  	(tm) =	ssettm $0x7FFFFFFF  }
tec
execute0_lowered:
.L_overlay_start_1:
0x0: {  	(tag) =	ssettag $0x1  }
0x1: {  	s1 =	rddreg [dreg:$0x0]  }
0x2: {  	s0 =	rddreg [dreg:$0x1]  }
0x3: {  	s2 =	rddreg [dreg:$0x2];
	s4 =	simm.s32 $0x0  }
0x4: {  	s3 =	srdreg.scid;
	s14 =	stileid.u32;
	s21 =	simm.s32 $0x100  }
0x5: {  	s22 =	simm.s32 $0x200;
	s23 =	simm.s32 $0x180;
	s24 =	simm.s32 $0x300  }
0x6: {  	s25 =	simm.s32 $0x280;
	s26 =	simm.s32 $0x400;
	s15 =	simm.s32 $0x500  }
0x7: {  	s16 =	simm.s32 $0x480;
	[smem:$0x7FF] =	sst s4;
	s9 =	sadd.s32 $0x17600, s0  }
0x8: {  	s17 =	simm.s32 $0x600;
	_ =	strace $0x80000047;
	[dreg:$0x18] =	wrdreg s9  }
0x9: {  	s28 =	simm.s32 $0xC00;
	s29 =	simm.s32 $0xB80;
	[dreg:$0x5] =	wrdreg s21  }
0xa: {  	s30 =	simm.s32 $0xD00;
	s31 =	simm.s32 $0xC80;
	[dreg:$0x6] =	wrdreg s22  }
0xb: {  	s3 =	sand.u32 $0x1, s3;
	s6 =	smul.u32 $0x4E000, s14;
	[dreg:$0x7] =	wrdreg s23  }
0xc: {  	s5 =	sadd.s32 $0x1600, s0;
	s10 =	smul.u32 $0x5800, s14;
	[dreg:$0x8] =	wrdreg s24  }
0xd: {  	s0 =	sadd.s32 $0x19E00, s0;
	s19 =	sshll.u32 s14, $0x6;
	[dreg:$0x9] =	wrdreg s25  }
0xe: {  	s12 =	smul.u32 $0x13800, s14;
	s13 =	sadd.s32 $0x138000, s2;
	[dreg:$0xa] =	wrdreg s26  }
0xf: {  	p0 =	sne.s32 s14, $0xF;
	s8 =	smul.u32 $0x58000, s3;
	[dreg:$0xc] =	wrdreg s15  }
0x10: {  	s7 =	ssub.s32 $0x2, s3;
	s3 =	smul.u32 $0x138800, s3;
	[dreg:$0xd] =	wrdreg s16  }
0x11: {  	s15 =	simm.s32 $0x7;
	[dreg:$0xe] =	wrdreg s17;
	s13 =	sshrl.u32 @!p0 s13, $0x3  }
0x12: {  	s16 =	simm.s32 $0x5;
	s17 =	simm.s32 $0x80;
	s21 =	simm.s32 $0x780  }
0x13: {  	s22 =	simm.s32 $0x900;
	s23 =	simm.s32 $0x880;
	[dreg:$0x12] =	wrdreg s21  }
0x14: {  	s24 =	simm.s32 $0xA00;
	s25 =	simm.s32 $0x980;
	[dreg:$0x13] =	wrdreg s22  }
0x15: {  	s26 =	simm.s32 $0xB00;
	s18 =	sshrl.u32 s7, $0x1;
	[dreg:$0x14] =	wrdreg s23  }
0x16: {  	s6 =	sshrl.u32 s6, $0x2;
	s21 =	simm.s32 $0x1;
	[dreg:$0x15] =	wrdreg s24  }
0x17: {  	s22 =	simm.s32 $0x3;
	[dreg:$0x16] =	wrdreg s25;
	s23 =	simm.s32 $0x2  }
0x18: {  	s24 =	simm.s32 $0x4;
	[dreg:$0x17] =	wrdreg s26;
	s25 =	simm.s32 $0x6  }
0x19: {  	s26 =	simm.s32 $0xA80;
	[smem:$0x7FD] =	sst s13;
	s9 =	ssub.s32 s7, s18  }
0x1a: {  	s6 =	sadd.s32 s6, s2;
	s8 =	sadd.s32 s10, s8;
	s7 =	sor.u32 $0x1C07, s19  }
0x1b: {  	s20 =	sadd.s32 s12, s3;
	s3 =	sshrl.u32 s3, $0x3;
	s18 =	simm.s32 $0x580  }
0x1c: {  	s19 =	simm.s32 $0x700;
	s10 =	sadd.s32 $0x800, s8;
	[dreg:$0xf] =	wrdreg s18  }
0x1d: {  	s11 =	sshrl.u32 s8, $0x3;
	s12 =	sadd.s32 $0x1000, s8;
	[dreg:$0x10] =	wrdreg s19  }
0x1e: {  	s14 =	sshrl.u32 s6, $0x3;
	s18 =	simm.s32 $0x1000;
	[dreg:$0x19] =	wrdreg s7  }
0x1f: {  	s19 =	simm.s32 $0x800;
	s8 =	simm.s32 $0xF00;
	[dreg:$0x1e] =	wrdreg s12  }
0x20: {  	s10 =	sshrl.u32 s10, $0x3;
	s11 =	sadd.s32 s5, s11;
	[dreg:$0x1f] =	wrdreg s14  }
0x21: {  	[dreg:$0x1a] =	wrdreg s11;
	s10 =	sadd.s32 s10, s5;
	s11 =	sshrl.u32 s20, $0x3  }
0x22: {  	s20 =	simm.s32 $0x680;
	[dreg:$0x4] =	wrdreg s10;
	s11 =	sadd.s32 s0, s11  }
0x23: {  	s0 =	sadd.s32 s0, s3;
	s10 =	smax.u32 s9, $0x1;
	[dreg:$0x11] =	wrdreg s20  }
0x24: {  	s20 =	simm.s32 $0x5000;
	s3 =	simm.s32 $0xD80;
	[dreg:$0x1b] =	wrdreg s11  }
0x25: {  	s9 =	simm.s32 $0xE80;
	s0 =	sadd.s32 $0x27000, s0;
	[dreg:$0x1d] =	wrdreg s10  }
0x26: {  	s11 =	simm.s32 $0x380;
	s10 =	simm.s32 $0xF80;
	[dreg:$0x1c] =	wrdreg s0  }
0x27: {  	[dreg:$0xb] =	wrdreg s11;
	s0 =	simm.s32 $0xE00;
	s11 =	simm.s32 $0x0  }
.LBB2_1:
0x28: {  	s6 =	rddreg [dreg:$0x18]  }
0x29: {  	[spmem:s14], [sflag:s7] =	dma.local [hbm:s6], $0x2700  }
0x2a: {  	_ =	swait.ge [sflag:s15], $0x2700  }
0x2b: {  	[sflag:s15] =	ssyncset.done $0x0  }
0x2c: {  	[sflag:s15] =	ssyncadd.s32 $0xFFFFD900  }
0x2d: {  	[spmem:s13], [sflag:s7] =	dma.local @!p0 [hbm:s6], $0x180  }
0x2e: {  	s6 =	simm.s32 @!p0 $0x7  }
0x2f: {  	_ =	swait.ge @!p0 [sflag:s6], $0x180  }
0x30: {  	[sflag:s6] =	ssyncset.done @!p0 $0x0  }
0x31: {  	[sflag:s6] =	ssyncadd.s32 @!p0 $0xFFFFFE80  }
0x32: {  	[bflag:$0x0] =	sbarrier.arrive $0xFFFF  }
0x33: {  	s13 =	rddreg [dreg:$0x1a]  }
0x34: {  	[tilespmem:s4], [sflag:$0x5] =	stream.linear.gather [hbm4b:s13+s4], $0x800, $0x38;
	[tilespmem:$0x1C8C0] =	vst v63  }
0x35: {  	_ =	swait.ge [sflag:s16], $0x800  }
0x36: {  	p1 =	por $0x1, $0x1;
	[sflag:s16] =	ssyncset.done $0x0  }
0x37: {  	s6 =	simm.s32 @!p1 $0x4;
	[sflag:s16] =	ssyncadd.s32 $0xFFFFF800  }
0x38: {  	[tilespmem:s18], [sflag:$0x1] =	stream.indirect.gather [hbm4b:s1+s17], $0x80, s4, s17, $0xb8;
	[tilespmem:$0x1C8C0] =	vst v63  }
0x39: {  	_ =	swait.ge @!p1 [sflag:s6], $0x4000  }
0x3a: {  	s12 =	rddreg [dreg:$0x4];
	[sflag:s6] =	ssyncset.done @!p1 $0x0  }
0x3b: {  	[sflag:s6] =	ssyncadd.s32 @!p1 $0xFFFFC000;
	s14 =	sadd.s32 $0x0, s12  }
0x3c: {  	[tilespmem:s19], [sflag:$0x6] =	stream.linear.gather [hbm4b:s14+s4], $0x800, $0x38;
	[tilespmem:$0x1C8C0] =	vst v63  }
0x3d: {  	s15 =	rddreg [dreg:$0x5]  }
0x3e: {  	[tilespmem:s20], [sflag:$0x2] =	stream.indirect.gather [hbm4b:s1+s17], $0x80, s15, s17, $0xb8;
	[tilespmem:$0x1C8C0] =	vst v63  }
0x3f: {  	_ =	swait.ge [sflag:s21], $0x4000  }
0x40: {  	[sflag:s21] =	ssyncset.done $0x0  }
0x41: {  	[sflag:s21] =	ssyncadd.s32 $0xFFFFC000  }
0x42: {  	[spmem:s2] =	stream.indirect.scatter.add.f32 [tilespmem:s18], [sflag:$0x3], $0x80, s17, s17, $0xb8;
	[tilespmem:$0x1C8C0] =	vst v63  }
0x43: {  	_ =	swait.ge [sflag:s22], $0x4000  }
0x44: {  	[sflag:s22] =	ssyncset.done $0x0  }
0x45: {  	s7 =	rddreg [dreg:$0x6];
	[sflag:s22] =	ssyncadd.s32 $0xFFFFC000  }
0x46: {  	[tilespmem:s18], [sflag:$0x1] =	stream.indirect.gather [hbm4b:s1+s17], $0x80, s7, s17, $0xb8;
	[tilespmem:$0x1C8C0] =	vst v63  }
0x47: {  	_ =	swait.ge [sflag:s23], $0x4000  }
0x48: {  	[sflag:s23] =	ssyncset.done $0x0  }
0x49: {  	s12 =	rddreg [dreg:$0x7];
	[sflag:s23] =	ssyncadd.s32 $0xFFFFC000  }
0x4a: {  	[spmem:s2] =	stream.indirect.scatter.add.f32 [tilespmem:s20], [sflag:$0x4], $0x80, s12, s17, $0xb8;
	[tilespmem:$0x1C8C0] =	vst v63  }
0x4b: {  	_ =	swait.ge [sflag:s24], $0x4000  }
0x4c: {  	[sflag:s24] =	ssyncset.done $0x0  }
0x4d: {  	s13 =	rddreg [dreg:$0x8];
	[sflag:s24] =	ssyncadd.s32 $0xFFFFC000  }
0x4e: {  	[tilespmem:s20], [sflag:$0x2] =	stream.indirect.gather [hbm4b:s1+s17], $0x80, s13, s17, $0xb8;
	[tilespmem:$0x1C8C0] =	vst v63  }
0x4f: {  	_ =	swait.ge [sflag:s21], $0x4000  }
0x50: {  	[sflag:s21] =	ssyncset.done $0x0  }
0x51: {  	s14 =	rddreg [dreg:$0x9];
	[sflag:s21] =	ssyncadd.s32 $0xFFFFC000  }
0x52: {  	[spmem:s2] =	stream.indirect.scatter.add.f32 [tilespmem:s18], [sflag:$0x3], $0x80, s14, s17, $0xb8;
	[tilespmem:$0x1C8C0] =	vst v63  }
0x53: {  	_ =	swait.ge [sflag:s22], $0x4000  }
0x54: {  	[sflag:s22] =	ssyncset.done $0x0  }
0x55: {  	s15 =	rddreg [dreg:$0xa];
	[sflag:s22] =	ssyncadd.s32 $0xFFFFC000  }
0x56: {  	[tilespmem:s18], [sflag:$0x1] =	stream.indirect.gather [hbm4b:s1+s17], $0x80, s15, s17, $0xb8;
	[tilespmem:$0x1C8C0] =	vst v63  }
0x57: {  	_ =	swait.ge [sflag:s23], $0x4000  }
0x58: {  	[sflag:s23] =	ssyncset.done $0x0  }
0x59: {  	s7 =	rddreg [dreg:$0xb];
	[sflag:s23] =	ssyncadd.s32 $0xFFFFC000  }
0x5a: {  	[spmem:s2] =	stream.indirect.scatter.add.f32 [tilespmem:s20], [sflag:$0x4], $0x80, s7, s17, $0xb8;
	[tilespmem:$0x1C8C0] =	vst v63  }
0x5b: {  	_ =	swait.ge [sflag:s24], $0x4000  }
0x5c: {  	[sflag:s24] =	ssyncset.done $0x0  }
0x5d: {  	s12 =	rddreg [dreg:$0xc];
	[sflag:s24] =	ssyncadd.s32 $0xFFFFC000  }
0x5e: {  	[tilespmem:s20], [sflag:$0x2] =	stream.indirect.gather [hbm4b:s1+s17], $0x80, s12, s17, $0xb8;
	[tilespmem:$0x1C8C0] =	vst v63  }
0x5f: {  	_ =	swait.ge [sflag:s21], $0x4000  }
0x60: {  	[sflag:s21] =	ssyncset.done $0x0  }
0x61: {  	s13 =	rddreg [dreg:$0xd];
	[sflag:s21] =	ssyncadd.s32 $0xFFFFC000  }
0x62: {  	[spmem:s2] =	stream.indirect.scatter.add.f32 [tilespmem:s18], [sflag:$0x3], $0x80, s13, s17, $0xb8;
	[tilespmem:$0x1C8C0] =	vst v63  }
0x63: {  	_ =	swait.ge [sflag:s22], $0x4000  }
0x64: {  	[sflag:s22] =	ssyncset.done $0x0  }
0x65: {  	s14 =	rddreg [dreg:$0xe];
	[sflag:s22] =	ssyncadd.s32 $0xFFFFC000  }
0x66: {  	[tilespmem:s18], [sflag:$0x1] =	stream.indirect.gather [hbm4b:s1+s17], $0x80, s14, s17, $0xb8;
	[tilespmem:$0x1C8C0] =	vst v63  }
0x67: {  	_ =	swait.ge [sflag:s23], $0x4000  }
0x68: {  	[sflag:s23] =	ssyncset.done $0x0  }
0x69: {  	s15 =	rddreg [dreg:$0xf];
	[sflag:s23] =	ssyncadd.s32 $0xFFFFC000  }
0x6a: {  	[spmem:s2] =	stream.indirect.scatter.add.f32 [tilespmem:s20], [sflag:$0x4], $0x80, s15, s17, $0xb8;
	[tilespmem:$0x1C8C0] =	vst v63  }
0x6b: {  	_ =	swait.ge [sflag:s24], $0x4000  }
0x6c: {  	[sflag:s24] =	ssyncset.done $0x0  }
0x6d: {  	s7 =	rddreg [dreg:$0x10];
	[sflag:s24] =	ssyncadd.s32 $0xFFFFC000  }
0x6e: {  	[tilespmem:s20], [sflag:$0x2] =	stream.indirect.gather [hbm4b:s1+s17], $0x80, s7, s17, $0xb8;
	[tilespmem:$0x1C8C0] =	vst v63  }
0x6f: {  	_ =	swait.ge [sflag:s21], $0x4000  }
0x70: {  	[sflag:s21] =	ssyncset.done $0x0  }
0x71: {  	s12 =	rddreg [dreg:$0x11];
	[sflag:s21] =	ssyncadd.s32 $0xFFFFC000  }
0x72: {  	[spmem:s2] =	stream.indirect.scatter.add.f32 [tilespmem:s18], [sflag:$0x3], $0x80, s12, s17, $0xb8;
	[tilespmem:$0x1C8C0] =	vst v63  }
0x73: {  	_ =	swait.ge [sflag:s22], $0x4000  }
0x74: {  	[sflag:s22] =	ssyncset.done $0x0  }
0x75: {  	[sflag:s22] =	ssyncadd.s32 $0xFFFFC000  }
0x76: {  	_ =	swait.ge [sflag:s25], $0x800  }
0x77: {  	[sflag:s25] =	ssyncset.done $0x0  }
0x78: {  	[sflag:s25] =	ssyncadd.s32 $0xFFFFF800  }
0x79: {  	[tilespmem:s18], [sflag:$0x1] =	stream.indirect.gather [hbm4b:s1+s17], $0x80, s19, s17, $0xb8;
	[tilespmem:$0x1C8C0] =	vst v63  }
0x7a: {  	_ =	swait.ge [sflag:s23], $0x4000  }
0x7b: {  	[sflag:s23] =	ssyncset.done $0x0  }
0x7c: {  	s13 =	rddreg [dreg:$0x12];
	[sflag:s23] =	ssyncadd.s32 $0xFFFFC000  }
0x7d: {  	[spmem:s2] =	stream.indirect.scatter.add.f32 [tilespmem:s20], [sflag:$0x4], $0x80, s13, s17, $0xb8;
	[tilespmem:$0x1C8C0] =	vst v63  }
0x7e: {  	_ =	swait.ge [sflag:s24], $0x4000  }
0x7f: {  	s7 =	rddreg [dreg:$0x1e]  }
0x80: {  	[sflag:s24] =	ssyncset.done $0x0;
	s14 =	sshrl.u32 s7, $0x3  }
0x81: {  	[sflag:s24] =	ssyncadd.s32 $0xFFFFC000;
	s6 =	sadd.s32 s5, s14  }
0x82: {  	[tilespmem:s4], [sflag:$0x5] =	stream.linear.gather [hbm4b:s6+s4], $0x800, $0x38;
	[tilespmem:$0x1C8C0] =	vst v63  }
0x83: {  	s15 =	rddreg [dreg:$0x13]  }
0x84: {  	[tilespmem:s20], [sflag:$0x2] =	stream.indirect.gather [hbm4b:s1+s17], $0x80, s15, s17, $0xb8;
	[tilespmem:$0x1C8C0] =	vst v63  }
0x85: {  	_ =	swait.ge [sflag:s21], $0x4000  }
0x86: {  	[sflag:s21] =	ssyncset.done $0x0  }
0x87: {  	s12 =	rddreg [dreg:$0x14];
	[sflag:s21] =	ssyncadd.s32 $0xFFFFC000  }
0x88: {  	[spmem:s2] =	stream.indirect.scatter.add.f32 [tilespmem:s18], [sflag:$0x3], $0x80, s12, s17, $0xb8;
	[tilespmem:$0x1C8C0] =	vst v63  }
0x89: {  	_ =	swait.ge [sflag:s22], $0x4000  }
0x8a: {  	[sflag:s22] =	ssyncset.done $0x0  }
0x8b: {  	s13 =	rddreg [dreg:$0x15];
	[sflag:s22] =	ssyncadd.s32 $0xFFFFC000  }
0x8c: {  	[tilespmem:s18], [sflag:$0x1] =	stream.indirect.gather [hbm4b:s1+s17], $0x80, s13, s17, $0xb8;
	[tilespmem:$0x1C8C0] =	vst v63  }
0x8d: {  	_ =	swait.ge [sflag:s23], $0x4000  }
0x8e: {  	[sflag:s23] =	ssyncset.done $0x0  }
0x8f: {  	s14 =	rddreg [dreg:$0x16];
	[sflag:s23] =	ssyncadd.s32 $0xFFFFC000  }
0x90: {  	[spmem:s2] =	stream.indirect.scatter.add.f32 [tilespmem:s20], [sflag:$0x4], $0x80, s14, s17, $0xb8;
	[tilespmem:$0x1C8C0] =	vst v63  }
0x91: {  	_ =	swait.ge [sflag:s24], $0x4000  }
0x92: {  	[sflag:s24] =	ssyncset.done $0x0  }
0x93: {  	s15 =	rddreg [dreg:$0x17];
	[sflag:s24] =	ssyncadd.s32 $0xFFFFC000  }
0x94: {  	[tilespmem:s20], [sflag:$0x2] =	stream.indirect.gather [hbm4b:s1+s17], $0x80, s15, s17, $0xb8;
	[tilespmem:$0x1C8C0] =	vst v63  }
0x95: {  	_ =	swait.ge [sflag:s21], $0x4000  }
0x96: {  	[sflag:s21] =	ssyncset.done $0x0  }
0x97: {  	[sflag:s21] =	ssyncadd.s32 $0xFFFFC000  }
0x98: {  	[spmem:s2] =	stream.indirect.scatter.add.f32 [tilespmem:s18], [sflag:$0x3], $0x80, s26, s17, $0xb8;
	[tilespmem:$0x1C8C0] =	vst v63  }
0x99: {  	_ =	swait.ge [sflag:s22], $0x4000  }
0x9a: {  	[sflag:s22] =	ssyncset.done $0x0  }
0x9b: {  	[sflag:s22] =	ssyncadd.s32 $0xFFFFC000  }
0x9c: {  	[tilespmem:s18], [sflag:$0x1] =	stream.indirect.gather [hbm4b:s1+s17], $0x80, s28, s17, $0xb8;
	[tilespmem:$0x1C8C0] =	vst v63  }
0x9d: {  	_ =	swait.ge [sflag:s23], $0x4000  }
0x9e: {  	[sflag:s23] =	ssyncset.done $0x0  }
0x9f: {  	[sflag:s23] =	ssyncadd.s32 $0xFFFFC000  }
0xa0: {  	[spmem:s2] =	stream.indirect.scatter.add.f32 [tilespmem:s20], [sflag:$0x4], $0x80, s29, s17, $0xb8;
	[tilespmem:$0x1C8C0] =	vst v63  }
0xa1: {  	_ =	swait.ge [sflag:s24], $0x4000  }
0xa2: {  	[sflag:s24] =	ssyncset.done $0x0  }
0xa3: {  	[sflag:s24] =	ssyncadd.s32 $0xFFFFC000  }
0xa4: {  	[tilespmem:s20], [sflag:$0x2] =	stream.indirect.gather [hbm4b:s1+s17], $0x80, s30, s17, $0xb8;
	[tilespmem:$0x1C8C0] =	vst v63  }
0xa5: {  	_ =	swait.ge [sflag:s21], $0x4000  }
0xa6: {  	[sflag:s21] =	ssyncset.done $0x0  }
0xa7: {  	[sflag:s21] =	ssyncadd.s32 $0xFFFFC000  }
0xa8: {  	[spmem:s2] =	stream.indirect.scatter.add.f32 [tilespmem:s18], [sflag:$0x3], $0x80, s31, s17, $0xb8;
	[tilespmem:$0x1C8C0] =	vst v63  }
0xa9: {  	_ =	swait.ge [sflag:s22], $0x4000  }
0xaa: {  	[sflag:s22] =	ssyncset.done $0x0  }
0xab: {  	[sflag:s22] =	ssyncadd.s32 $0xFFFFC000  }
0xac: {  	[tilespmem:s18], [sflag:$0x1] =	stream.indirect.gather [hbm4b:s1+s17], $0x80, s0, s17, $0xb8;
	[tilespmem:$0x1C8C0] =	vst v63  }
0xad: {  	_ =	swait.ge [sflag:s23], $0x4000  }
0xae: {  	[sflag:s23] =	ssyncset.done $0x0  }
0xaf: {  	[sflag:s23] =	ssyncadd.s32 $0xFFFFC000  }
0xb0: {  	[spmem:s2] =	stream.indirect.scatter.add.f32 [tilespmem:s20], [sflag:$0x4], $0x80, s3, s17, $0xb8;
	[tilespmem:$0x1C8C0] =	vst v63  }
0xb1: {  	_ =	swait.ge [sflag:s24], $0x4000  }
0xb2: {  	[sflag:s24] =	ssyncset.done $0x0  }
0xb3: {  	[sflag:s24] =	ssyncadd.s32 $0xFFFFC000  }
0xb4: {  	[tilespmem:s20], [sflag:$0x2] =	stream.indirect.gather [hbm4b:s1+s17], $0x80, s8, s17, $0xb8;
	[tilespmem:$0x1C8C0] =	vst v63  }
0xb5: {  	_ =	swait.ge [sflag:s21], $0x4000  }
0xb6: {  	[sflag:s21] =	ssyncset.done $0x0  }
0xb7: {  	[sflag:s21] =	ssyncadd.s32 $0xFFFFC000  }
0xb8: {  	[spmem:s2] =	stream.indirect.scatter.add.f32 [tilespmem:s18], [sflag:$0x3], $0x80, s9, s17, $0xb8;
	[tilespmem:$0x1C8C0] =	vst v63  }
0xb9: {  	_ =	swait.ge [sflag:s22], $0x4000  }
0xba: {  	[sflag:s22] =	ssyncset.done $0x0  }
0xbb: {  	[sflag:s22] =	ssyncadd.s32 $0xFFFFC000  }
0xbc: {  	_ =	swait.ge [sflag:s16], $0x800  }
0xbd: {  	[sflag:s16] =	ssyncset.done $0x0  }
0xbe: {  	[sflag:s16] =	ssyncadd.s32 $0xFFFFF800  }
0xbf: {  	[tilespmem:s18], [sflag:$0x1] =	stream.indirect.gather [hbm4b:s1+s17], $0x80, s4, s17, $0xb8;
	[tilespmem:$0x1C8C0] =	vst v63  }
0xc0: {  	p2 =	por $0x0, $0x0;
	s6 =	sadd.s32 $0x1000, s7;
	_ =	swait.ge [sflag:s23], $0x4000  }
0xc1: {  	s12 =	simm.s32 $0x200;
	s13 =	simm.s32 $0x400;
	[sflag:s23] =	ssyncset.done $0x0  }
.LBB2_2:
0xc2: {  	s15 =	simm.s32 @!p2 $0x4;
	[sflag:s23] =	ssyncadd.s32 $0xFFFFC000  }
0xc3: {  	[spmem:s2] =	stream.indirect.scatter.add.f32 [tilespmem:s20], [sflag:$0x4], $0x80, s10, s17, $0xb8;
	[tilespmem:$0x1C8C0] =	vst v63  }
0xc4: {  	_ =	swait.ge @!p2 [sflag:s15], $0x4000  }
0xc5: {  	[sflag:s15] =	ssyncset.done @!p2 $0x0;
	s7 =	rddreg [dreg:$0x4]  }
0xc6: {  	[sflag:s15] =	ssyncadd.s32 @!p2 $0xFFFFC000;
	s7 =	sadd.s32 s12, s7  }
0xc7: {  	[tilespmem:s19], [sflag:$0x6] =	stream.linear.gather [hbm4b:s7+s4], $0x800, $0x38;
	[tilespmem:$0x1C8C0] =	vst v63  }
0xc8: {  	s15 =	rddreg [dreg:$0x5]  }
0xc9: {  	[tilespmem:s20], [sflag:$0x2] =	stream.indirect.gather [hbm4b:s1+s17], $0x80, s15, s17, $0xb8;
	[tilespmem:$0x1C8C0] =	vst v63  }
0xca: {  	_ =	swait.ge [sflag:s21], $0x4000  }
0xcb: {  	[sflag:s21] =	ssyncset.done $0x0  }
0xcc: {  	[sflag:s21] =	ssyncadd.s32 $0xFFFFC000  }
0xcd: {  	[spmem:s2] =	stream.indirect.scatter.add.f32 [tilespmem:s18], [sflag:$0x3], $0x80, s17, s17, $0xb8;
	[tilespmem:$0x1C8C0] =	vst v63  }
0xce: {  	_ =	swait.ge [sflag:s22], $0x4000  }
0xcf: {  	[sflag:s22] =	ssyncset.done $0x0  }
0xd0: {  	s15 =	rddreg [dreg:$0x6];
	[sflag:s22] =	ssyncadd.s32 $0xFFFFC000  }
0xd1: {  	[tilespmem:s18], [sflag:$0x1] =	stream.indirect.gather [hbm4b:s1+s17], $0x80, s15, s17, $0xb8;
	[tilespmem:$0x1C8C0] =	vst v63  }
0xd2: {  	_ =	swait.ge [sflag:s23], $0x4000  }
0xd3: {  	s14 =	smov.u32 s13;
	[sflag:s23] =	ssyncset.done $0x0  }
0xd4: {  	s12 =	smov.u32 s14;
	s14 =	rddreg [dreg:$0x7];
	[sflag:s23] =	ssyncadd.s32 $0xFFFFC000  }
0xd5: {  	[spmem:s2] =	stream.indirect.scatter.add.f32 [tilespmem:s20], [sflag:$0x4], $0x80, s14, s17, $0xb8;
	[tilespmem:$0x1C8C0] =	vst v63  }
0xd6: {  	_ =	swait.ge [sflag:s24], $0x4000  }
0xd7: {  	[sflag:s24] =	ssyncset.done $0x0  }
0xd8: {  	s15 =	rddreg [dreg:$0x8];
	[sflag:s24] =	ssyncadd.s32 $0xFFFFC000  }
0xd9: {  	[tilespmem:s20], [sflag:$0x2] =	stream.indirect.gather [hbm4b:s1+s17], $0x80, s15, s17, $0xb8;
	[tilespmem:$0x1C8C0] =	vst v63  }
0xda: {  	_ =	swait.ge [sflag:s21], $0x4000  }
0xdb: {  	[sflag:s21] =	ssyncset.done $0x0  }
0xdc: {  	s14 =	rddreg [dreg:$0x9];
	[sflag:s21] =	ssyncadd.s32 $0xFFFFC000  }
0xdd: {  	[spmem:s2] =	stream.indirect.scatter.add.f32 [tilespmem:s18], [sflag:$0x3], $0x80, s14, s17, $0xb8;
	[tilespmem:$0x1C8C0] =	vst v63  }
0xde: {  	_ =	swait.ge [sflag:s22], $0x4000  }
0xdf: {  	[sflag:s22] =	ssyncset.done $0x0  }
0xe0: {  	s15 =	rddreg [dreg:$0xa];
	[sflag:s22] =	ssyncadd.s32 $0xFFFFC000  }
0xe1: {  	[tilespmem:s18], [sflag:$0x1] =	stream.indirect.gather [hbm4b:s1+s17], $0x80, s15, s17, $0xb8;
	[tilespmem:$0x1C8C0] =	vst v63  }
0xe2: {  	_ =	swait.ge [sflag:s23], $0x4000  }
0xe3: {  	[sflag:s23] =	ssyncset.done $0x0  }
0xe4: {  	s14 =	rddreg [dreg:$0xb];
	[sflag:s23] =	ssyncadd.s32 $0xFFFFC000  }
0xe5: {  	[spmem:s2] =	stream.indirect.scatter.add.f32 [tilespmem:s20], [sflag:$0x4], $0x80, s14, s17, $0xb8;
	[tilespmem:$0x1C8C0] =	vst v63  }
0xe6: {  	_ =	swait.ge [sflag:s24], $0x4000  }
0xe7: {  	[sflag:s24] =	ssyncset.done $0x0  }
0xe8: {  	s15 =	rddreg [dreg:$0xc];
	[sflag:s24] =	ssyncadd.s32 $0xFFFFC000  }
0xe9: {  	[tilespmem:s20], [sflag:$0x2] =	stream.indirect.gather [hbm4b:s1+s17], $0x80, s15, s17, $0xb8;
	[tilespmem:$0x1C8C0] =	vst v63  }
0xea: {  	_ =	swait.ge [sflag:s21], $0x4000  }
0xeb: {  	[sflag:s21] =	ssyncset.done $0x0  }
0xec: {  	s14 =	rddreg [dreg:$0xd];
	[sflag:s21] =	ssyncadd.s32 $0xFFFFC000  }
0xed: {  	[spmem:s2] =	stream.indirect.scatter.add.f32 [tilespmem:s18], [sflag:$0x3], $0x80, s14, s17, $0xb8;
	[tilespmem:$0x1C8C0] =	vst v63  }
0xee: {  	_ =	swait.ge [sflag:s22], $0x4000  }
0xef: {  	[sflag:s22] =	ssyncset.done $0x0  }
0xf0: {  	s15 =	rddreg [dreg:$0xe];
	[sflag:s22] =	ssyncadd.s32 $0xFFFFC000  }
0xf1: {  	[tilespmem:s18], [sflag:$0x1] =	stream.indirect.gather [hbm4b:s1+s17], $0x80, s15, s17, $0xb8;
	[tilespmem:$0x1C8C0] =	vst v63  }
0xf2: {  	_ =	swait.ge [sflag:s23], $0x4000  }
0xf3: {  	[sflag:s23] =	ssyncset.done $0x0  }
0xf4: {  	s14 =	rddreg [dreg:$0xf];
	[sflag:s23] =	ssyncadd.s32 $0xFFFFC000  }
0xf5: {  	[spmem:s2] =	stream.indirect.scatter.add.f32 [tilespmem:s20], [sflag:$0x4], $0x80, s14, s17, $0xb8;
	[tilespmem:$0x1C8C0] =	vst v63  }
0xf6: {  	_ =	swait.ge [sflag:s24], $0x4000  }
0xf7: {  	[sflag:s24] =	ssyncset.done $0x0  }
0xf8: {  	s15 =	rddreg [dreg:$0x10];
	[sflag:s24] =	ssyncadd.s32 $0xFFFFC000  }
0xf9: {  	[tilespmem:s20], [sflag:$0x2] =	stream.indirect.gather [hbm4b:s1+s17], $0x80, s15, s17, $0xb8;
	[tilespmem:$0x1C8C0] =	vst v63  }
0xfa: {  	_ =	swait.ge [sflag:s21], $0x4000  }
0xfb: {  	[sflag:s21] =	ssyncset.done $0x0  }
0xfc: {  	s14 =	rddreg [dreg:$0x11];
	[sflag:s21] =	ssyncadd.s32 $0xFFFFC000  }
0xfd: {  	[spmem:s2] =	stream.indirect.scatter.add.f32 [tilespmem:s18], [sflag:$0x3], $0x80, s14, s17, $0xb8;
	[tilespmem:$0x1C8C0] =	vst v63  }
0xfe: {  	_ =	swait.ge [sflag:s22], $0x4000  }
0xff: {  	[sflag:s22] =	ssyncset.done $0x0  }
0x100: {  	[sflag:s22] =	ssyncadd.s32 $0xFFFFC000  }
0x101: {  	_ =	swait.ge [sflag:s25], $0x800  }
0x102: {  	[sflag:s25] =	ssyncset.done $0x0  }
0x103: {  	[sflag:s25] =	ssyncadd.s32 $0xFFFFF800  }
0x104: {  	[tilespmem:s18], [sflag:$0x1] =	stream.indirect.gather [hbm4b:s1+s17], $0x80, s19, s17, $0xb8;
	[tilespmem:$0x1C8C0] =	vst v63  }
0x105: {  	_ =	swait.ge [sflag:s23], $0x4000  }
0x106: {  	[sflag:s23] =	ssyncset.done $0x0  }
0x107: {  	s15 =	rddreg [dreg:$0x12];
	[sflag:s23] =	ssyncadd.s32 $0xFFFFC000  }
0x108: {  	[spmem:s2] =	stream.indirect.scatter.add.f32 [tilespmem:s20], [sflag:$0x4], $0x80, s15, s17, $0xb8;
	[tilespmem:$0x1C8C0] =	vst v63  }
0x109: {  	_ =	swait.ge [sflag:s24], $0x4000  }
0x10a: {  	s14 =	sshrl.u32 s6, $0x3;
	[sflag:s24] =	ssyncset.done $0x0  }
0x10b: {  	s7 =	sadd.s32 s5, s14;
	[sflag:s24] =	ssyncadd.s32 $0xFFFFC000  }
0x10c: {  	[tilespmem:s4], [sflag:$0x5] =	stream.linear.gather [hbm4b:s7+s4], $0x800, $0x38;
	[tilespmem:$0x1C8C0] =	vst v63  }
0x10d: {  	s15 =	rddreg [dreg:$0x13]  }
0x10e: {  	[tilespmem:s20], [sflag:$0x2] =	stream.indirect.gather [hbm4b:s1+s17], $0x80, s15, s17, $0xb8;
	[tilespmem:$0x1C8C0] =	vst v63  }
0x10f: {  	_ =	swait.ge [sflag:s21], $0x4000  }
0x110: {  	[sflag:s21] =	ssyncset.done $0x0  }
0x111: {  	s14 =	rddreg [dreg:$0x14];
	[sflag:s21] =	ssyncadd.s32 $0xFFFFC000  }
0x112: {  	[spmem:s2] =	stream.indirect.scatter.add.f32 [tilespmem:s18], [sflag:$0x3], $0x80, s14, s17, $0xb8;
	[tilespmem:$0x1C8C0] =	vst v63  }
0x113: {  	_ =	swait.ge [sflag:s22], $0x4000  }
0x114: {  	[sflag:s22] =	ssyncset.done $0x0  }
0x115: {  	s15 =	rddreg [dreg:$0x15];
	[sflag:s22] =	ssyncadd.s32 $0xFFFFC000  }
0x116: {  	[tilespmem:s18], [sflag:$0x1] =	stream.indirect.gather [hbm4b:s1+s17], $0x80, s15, s17, $0xb8;
	[tilespmem:$0x1C8C0] =	vst v63  }
0x117: {  	_ =	swait.ge [sflag:s23], $0x4000  }
0x118: {  	[sflag:s23] =	ssyncset.done $0x0  }
0x119: {  	s14 =	rddreg [dreg:$0x16];
	[sflag:s23] =	ssyncadd.s32 $0xFFFFC000  }
0x11a: {  	[spmem:s2] =	stream.indirect.scatter.add.f32 [tilespmem:s20], [sflag:$0x4], $0x80, s14, s17, $0xb8;
	[tilespmem:$0x1C8C0] =	vst v63  }
0x11b: {  	_ =	swait.ge [sflag:s24], $0x4000  }
0x11c: {  	[sflag:s24] =	ssyncset.done $0x0  }
0x11d: {  	s15 =	rddreg [dreg:$0x17];
	[sflag:s24] =	ssyncadd.s32 $0xFFFFC000  }
0x11e: {  	[tilespmem:s20], [sflag:$0x2] =	stream.indirect.gather [hbm4b:s1+s17], $0x80, s15, s17, $0xb8;
	[tilespmem:$0x1C8C0] =	vst v63  }
0x11f: {  	_ =	swait.ge [sflag:s21], $0x4000  }
0x120: {  	[sflag:s21] =	ssyncset.done $0x0  }
0x121: {  	[sflag:s21] =	ssyncadd.s32 $0xFFFFC000  }
0x122: {  	[spmem:s2] =	stream.indirect.scatter.add.f32 [tilespmem:s18], [sflag:$0x3], $0x80, s26, s17, $0xb8;
	[tilespmem:$0x1C8C0] =	vst v63  }
0x123: {  	_ =	swait.ge [sflag:s22], $0x4000  }
0x124: {  	[sflag:s22] =	ssyncset.done $0x0  }
0x125: {  	[sflag:s22] =	ssyncadd.s32 $0xFFFFC000  }
0x126: {  	[tilespmem:s18], [sflag:$0x1] =	stream.indirect.gather [hbm4b:s1+s17], $0x80, s28, s17, $0xb8;
	[tilespmem:$0x1C8C0] =	vst v63  }
0x127: {  	_ =	swait.ge [sflag:s23], $0x4000  }
0x128: {  	[sflag:s23] =	ssyncset.done $0x0  }
0x129: {  	[sflag:s23] =	ssyncadd.s32 $0xFFFFC000  }
0x12a: {  	[spmem:s2] =	stream.indirect.scatter.add.f32 [tilespmem:s20], [sflag:$0x4], $0x80, s29, s17, $0xb8;
	[tilespmem:$0x1C8C0] =	vst v63  }
0x12b: {  	_ =	swait.ge [sflag:s24], $0x4000  }
0x12c: {  	[sflag:s24] =	ssyncset.done $0x0  }
0x12d: {  	[sflag:s24] =	ssyncadd.s32 $0xFFFFC000  }
0x12e: {  	[tilespmem:s20], [sflag:$0x2] =	stream.indirect.gather [hbm4b:s1+s17], $0x80, s30, s17, $0xb8;
	[tilespmem:$0x1C8C0] =	vst v63  }
0x12f: {  	_ =	swait.ge [sflag:s21], $0x4000  }
0x130: {  	[sflag:s21] =	ssyncset.done $0x0  }
0x131: {  	[sflag:s21] =	ssyncadd.s32 $0xFFFFC000  }
0x132: {  	[spmem:s2] =	stream.indirect.scatter.add.f32 [tilespmem:s18], [sflag:$0x3], $0x80, s31, s17, $0xb8;
	[tilespmem:$0x1C8C0] =	vst v63  }
0x133: {  	_ =	swait.ge [sflag:s22], $0x4000  }
0x134: {  	[sflag:s22] =	ssyncset.done $0x0  }
0x135: {  	[sflag:s22] =	ssyncadd.s32 $0xFFFFC000  }
0x136: {  	[tilespmem:s18], [sflag:$0x1] =	stream.indirect.gather [hbm4b:s1+s17], $0x80, s0, s17, $0xb8;
	[tilespmem:$0x1C8C0] =	vst v63  }
0x137: {  	_ =	swait.ge [sflag:s23], $0x4000  }
0x138: {  	[sflag:s23] =	ssyncset.done $0x0  }
0x139: {  	[sflag:s23] =	ssyncadd.s32 $0xFFFFC000  }
0x13a: {  	[spmem:s2] =	stream.indirect.scatter.add.f32 [tilespmem:s20], [sflag:$0x4], $0x80, s3, s17, $0xb8;
	[tilespmem:$0x1C8C0] =	vst v63  }
0x13b: {  	_ =	swait.ge [sflag:s24], $0x4000  }
0x13c: {  	[sflag:s24] =	ssyncset.done $0x0  }
0x13d: {  	[sflag:s24] =	ssyncadd.s32 $0xFFFFC000  }
0x13e: {  	[tilespmem:s20], [sflag:$0x2] =	stream.indirect.gather [hbm4b:s1+s17], $0x80, s8, s17, $0xb8;
	[tilespmem:$0x1C8C0] =	vst v63  }
0x13f: {  	_ =	swait.ge [sflag:s21], $0x4000  }
0x140: {  	[sflag:s21] =	ssyncset.done $0x0  }
0x141: {  	[sflag:s21] =	ssyncadd.s32 $0xFFFFC000  }
0x142: {  	[spmem:s2] =	stream.indirect.scatter.add.f32 [tilespmem:s18], [sflag:$0x3], $0x80, s9, s17, $0xb8;
	[tilespmem:$0x1C8C0] =	vst v63  }
0x143: {  	_ =	swait.ge [sflag:s22], $0x4000  }
0x144: {  	[sflag:s22] =	ssyncset.done $0x0  }
0x145: {  	s13 =	sadd.s32 $0x200, s13;
	[sflag:s22] =	ssyncadd.s32 $0xFFFFC000  }
0x146: {  	p1 =	sne.s32 s13, $0xA00;
	_ =	swait.ge [sflag:s16], $0x800  }
.Ltmp0:
0x147: {  	[sflag:s16] =	ssyncset.done $0x0;
	(pc) =	sbr.rel @p1 .LBB2_2-.Ltmp0, $4  }
0x148: {  	[sflag:s16] =	ssyncadd.s32 $0xFFFFF800  }
0x149: {  	[tilespmem:s18], [sflag:$0x1] =	stream.indirect.gather [hbm4b:s1+s17], $0x80, s4, s17, $0xb8;
	[tilespmem:$0x1C8C0] =	vst v63  }
0x14a: {  	_ =	swait.ge [sflag:s23], $0x4000  }
0x14b: {  	p2 =	seq.s32 s12, $0x0;
	s6 =	sadd.s32 $0x1000, s6;
	[sflag:s23] =	ssyncset.done $0x0  }
0x14c: {  	s7 =	simm.s32 @!p2 $0x4;
	[sflag:s23] =	ssyncadd.s32 $0xFFFFC000  }
0x14d: {  	[spmem:s2] =	stream.indirect.scatter.add.f32 [tilespmem:s20], [sflag:$0x4], $0x80, s10, s17, $0xb8;
	[tilespmem:$0x1C8C0] =	vst v63  }
0x14e: {  	_ =	swait.ge @!p2 [sflag:s7], $0x4000  }
0x14f: {  	s13 =	rddreg [dreg:$0x4];
	[sflag:s7] =	ssyncset.done @!p2 $0x0  }
0x150: {  	[sflag:s7] =	ssyncadd.s32 @!p2 $0xFFFFC000;
	s12 =	sadd.s32 s12, s13  }
0x151: {  	[tilespmem:s19], [sflag:$0x6] =	stream.linear.gather [hbm4b:s12+s4], $0x800, $0x38;
	[tilespmem:$0x1C8C0] =	vst v63  }
0x152: {  	s13 =	rddreg [dreg:$0x5]  }
0x153: {  	[tilespmem:s20], [sflag:$0x2] =	stream.indirect.gather [hbm4b:s1+s17], $0x80, s13, s17, $0xb8;
	[tilespmem:$0x1C8C0] =	vst v63  }
0x154: {  	_ =	swait.ge [sflag:s21], $0x4000  }
0x155: {  	[sflag:s21] =	ssyncset.done $0x0  }
0x156: {  	[sflag:s21] =	ssyncadd.s32 $0xFFFFC000  }
0x157: {  	[spmem:s2] =	stream.indirect.scatter.add.f32 [tilespmem:s18], [sflag:$0x3], $0x80, s17, s17, $0xb8;
	[tilespmem:$0x1C8C0] =	vst v63  }
0x158: {  	_ =	swait.ge [sflag:s22], $0x4000  }
0x159: {  	[sflag:s22] =	ssyncset.done $0x0  }
0x15a: {  	s14 =	rddreg [dreg:$0x6];
	[sflag:s22] =	ssyncadd.s32 $0xFFFFC000  }
0x15b: {  	[tilespmem:s18], [sflag:$0x1] =	stream.indirect.gather [hbm4b:s1+s17], $0x80, s14, s17, $0xb8;
	[tilespmem:$0x1C8C0] =	vst v63  }
0x15c: {  	_ =	swait.ge [sflag:s23], $0x4000  }
0x15d: {  	[sflag:s23] =	ssyncset.done $0x0  }
0x15e: {  	s15 =	rddreg [dreg:$0x7];
	[sflag:s23] =	ssyncadd.s32 $0xFFFFC000  }
0x15f: {  	[spmem:s2] =	stream.indirect.scatter.add.f32 [tilespmem:s20], [sflag:$0x4], $0x80, s15, s17, $0xb8;
	[tilespmem:$0x1C8C0] =	vst v63  }
0x160: {  	_ =	swait.ge [sflag:s24], $0x4000  }
0x161: {  	[sflag:s24] =	ssyncset.done $0x0  }
0x162: {  	s12 =	rddreg [dreg:$0x8];
	[sflag:s24] =	ssyncadd.s32 $0xFFFFC000  }
0x163: {  	[tilespmem:s20], [sflag:$0x2] =	stream.indirect.gather [hbm4b:s1+s17], $0x80, s12, s17, $0xb8;
	[tilespmem:$0x1C8C0] =	vst v63  }
0x164: {  	_ =	swait.ge [sflag:s21], $0x4000  }
0x165: {  	[sflag:s21] =	ssyncset.done $0x0  }
0x166: {  	s13 =	rddreg [dreg:$0x9];
	[sflag:s21] =	ssyncadd.s32 $0xFFFFC000  }
0x167: {  	[spmem:s2] =	stream.indirect.scatter.add.f32 [tilespmem:s18], [sflag:$0x3], $0x80, s13, s17, $0xb8;
	[tilespmem:$0x1C8C0] =	vst v63  }
0x168: {  	_ =	swait.ge [sflag:s22], $0x4000  }
0x169: {  	[sflag:s22] =	ssyncset.done $0x0  }
0x16a: {  	s14 =	rddreg [dreg:$0xa];
	[sflag:s22] =	ssyncadd.s32 $0xFFFFC000  }
0x16b: {  	[tilespmem:s18], [sflag:$0x1] =	stream.indirect.gather [hbm4b:s1+s17], $0x80, s14, s17, $0xb8;
	[tilespmem:$0x1C8C0] =	vst v63  }
0x16c: {  	_ =	swait.ge [sflag:s23], $0x4000  }
0x16d: {  	[sflag:s23] =	ssyncset.done $0x0  }
0x16e: {  	s15 =	rddreg [dreg:$0xb];
	[sflag:s23] =	ssyncadd.s32 $0xFFFFC000  }
0x16f: {  	[spmem:s2] =	stream.indirect.scatter.add.f32 [tilespmem:s20], [sflag:$0x4], $0x80, s15, s17, $0xb8;
	[tilespmem:$0x1C8C0] =	vst v63  }
0x170: {  	_ =	swait.ge [sflag:s24], $0x4000  }
0x171: {  	[sflag:s24] =	ssyncset.done $0x0  }
0x172: {  	s12 =	rddreg [dreg:$0xc];
	[sflag:s24] =	ssyncadd.s32 $0xFFFFC000  }
0x173: {  	[tilespmem:s20], [sflag:$0x2] =	stream.indirect.gather [hbm4b:s1+s17], $0x80, s12, s17, $0xb8;
	[tilespmem:$0x1C8C0] =	vst v63  }
0x174: {  	_ =	swait.ge [sflag:s21], $0x4000  }
0x175: {  	[sflag:s21] =	ssyncset.done $0x0  }
0x176: {  	s13 =	rddreg [dreg:$0xd];
	[sflag:s21] =	ssyncadd.s32 $0xFFFFC000  }
0x177: {  	[spmem:s2] =	stream.indirect.scatter.add.f32 [tilespmem:s18], [sflag:$0x3], $0x80, s13, s17, $0xb8;
	[tilespmem:$0x1C8C0] =	vst v63  }
0x178: {  	_ =	swait.ge [sflag:s22], $0x4000  }
0x179: {  	[sflag:s22] =	ssyncset.done $0x0  }
0x17a: {  	s14 =	rddreg [dreg:$0xe];
	[sflag:s22] =	ssyncadd.s32 $0xFFFFC000  }
0x17b: {  	[tilespmem:s18], [sflag:$0x1] =	stream.indirect.gather [hbm4b:s1+s17], $0x80, s14, s17, $0xb8;
	[tilespmem:$0x1C8C0] =	vst v63  }
0x17c: {  	_ =	swait.ge [sflag:s23], $0x4000  }
0x17d: {  	[sflag:s23] =	ssyncset.done $0x0  }
0x17e: {  	s15 =	rddreg [dreg:$0xf];
	[sflag:s23] =	ssyncadd.s32 $0xFFFFC000  }
0x17f: {  	[spmem:s2] =	stream.indirect.scatter.add.f32 [tilespmem:s20], [sflag:$0x4], $0x80, s15, s17, $0xb8;
	[tilespmem:$0x1C8C0] =	vst v63  }
0x180: {  	_ =	swait.ge [sflag:s24], $0x4000  }
0x181: {  	[sflag:s24] =	ssyncset.done $0x0  }
0x182: {  	s12 =	rddreg [dreg:$0x10];
	[sflag:s24] =	ssyncadd.s32 $0xFFFFC000  }
0x183: {  	[tilespmem:s20], [sflag:$0x2] =	stream.indirect.gather [hbm4b:s1+s17], $0x80, s12, s17, $0xb8;
	[tilespmem:$0x1C8C0] =	vst v63  }
0x184: {  	_ =	swait.ge [sflag:s21], $0x4000  }
0x185: {  	[sflag:s21] =	ssyncset.done $0x0  }
0x186: {  	s13 =	rddreg [dreg:$0x11];
	[sflag:s21] =	ssyncadd.s32 $0xFFFFC000  }
0x187: {  	[spmem:s2] =	stream.indirect.scatter.add.f32 [tilespmem:s18], [sflag:$0x3], $0x80, s13, s17, $0xb8;
	[tilespmem:$0x1C8C0] =	vst v63  }
0x188: {  	_ =	swait.ge [sflag:s22], $0x4000  }
0x189: {  	[sflag:s22] =	ssyncset.done $0x0  }
0x18a: {  	[sflag:s22] =	ssyncadd.s32 $0xFFFFC000  }
0x18b: {  	_ =	swait.ge [sflag:s25], $0x800  }
0x18c: {  	[sflag:s25] =	ssyncset.done $0x0  }
0x18d: {  	[sflag:s25] =	ssyncadd.s32 $0xFFFFF800  }
0x18e: {  	[tilespmem:s18], [sflag:$0x1] =	stream.indirect.gather [hbm4b:s1+s17], $0x80, s19, s17, $0xb8;
	[tilespmem:$0x1C8C0] =	vst v63  }
0x18f: {  	_ =	swait.ge [sflag:s23], $0x4000  }
0x190: {  	[sflag:s23] =	ssyncset.done $0x0  }
0x191: {  	s14 =	rddreg [dreg:$0x12];
	[sflag:s23] =	ssyncadd.s32 $0xFFFFC000  }
0x192: {  	[spmem:s2] =	stream.indirect.scatter.add.f32 [tilespmem:s20], [sflag:$0x4], $0x80, s14, s17, $0xb8;
	[tilespmem:$0x1C8C0] =	vst v63  }
0x193: {  	_ =	swait.ge [sflag:s24], $0x4000  }
0x194: {  	s6 =	sshrl.u32 s6, $0x3;
	[sflag:s24] =	ssyncset.done $0x0  }
0x195: {  	s6 =	sadd.s32 s5, s6;
	[sflag:s24] =	ssyncadd.s32 $0xFFFFC000  }
0x196: {  	[tilespmem:s4], [sflag:$0x5] =	stream.linear.gather [hbm4b:s6+s4], $0x800, $0x38;
	[tilespmem:$0x1C8C0] =	vst v63  }
0x197: {  	s15 =	rddreg [dreg:$0x13]  }
0x198: {  	[tilespmem:s20], [sflag:$0x2] =	stream.indirect.gather [hbm4b:s1+s17], $0x80, s15, s17, $0xb8;
	[tilespmem:$0x1C8C0] =	vst v63  }
0x199: {  	_ =	swait.ge [sflag:s21], $0x4000  }
0x19a: {  	[sflag:s21] =	ssyncset.done $0x0  }
0x19b: {  	s7 =	rddreg [dreg:$0x14];
	[sflag:s21] =	ssyncadd.s32 $0xFFFFC000  }
0x19c: {  	[spmem:s2] =	stream.indirect.scatter.add.f32 [tilespmem:s18], [sflag:$0x3], $0x80, s7, s17, $0xb8;
	[tilespmem:$0x1C8C0] =	vst v63  }
0x19d: {  	_ =	swait.ge [sflag:s22], $0x4000  }
0x19e: {  	[sflag:s22] =	ssyncset.done $0x0  }
0x19f: {  	s12 =	rddreg [dreg:$0x15];
	[sflag:s22] =	ssyncadd.s32 $0xFFFFC000  }
0x1a0: {  	[tilespmem:s18], [sflag:$0x1] =	stream.indirect.gather [hbm4b:s1+s17], $0x80, s12, s17, $0xb8;
	[tilespmem:$0x1C8C0] =	vst v63  }
0x1a1: {  	_ =	swait.ge [sflag:s23], $0x4000  }
0x1a2: {  	[sflag:s23] =	ssyncset.done $0x0  }
0x1a3: {  	s13 =	rddreg [dreg:$0x16];
	[sflag:s23] =	ssyncadd.s32 $0xFFFFC000  }
0x1a4: {  	[spmem:s2] =	stream.indirect.scatter.add.f32 [tilespmem:s20], [sflag:$0x4], $0x80, s13, s17, $0xb8;
	[tilespmem:$0x1C8C0] =	vst v63  }
0x1a5: {  	_ =	swait.ge [sflag:s24], $0x4000  }
0x1a6: {  	[sflag:s24] =	ssyncset.done $0x0  }
0x1a7: {  	s14 =	rddreg [dreg:$0x17];
	[sflag:s24] =	ssyncadd.s32 $0xFFFFC000  }
0x1a8: {  	[tilespmem:s20], [sflag:$0x2] =	stream.indirect.gather [hbm4b:s1+s17], $0x80, s14, s17, $0xb8;
	[tilespmem:$0x1C8C0] =	vst v63  }
0x1a9: {  	_ =	swait.ge [sflag:s21], $0x4000  }
0x1aa: {  	[sflag:s21] =	ssyncset.done $0x0  }
0x1ab: {  	[sflag:s21] =	ssyncadd.s32 $0xFFFFC000  }
0x1ac: {  	[spmem:s2] =	stream.indirect.scatter.add.f32 [tilespmem:s18], [sflag:$0x3], $0x80, s26, s17, $0xb8;
	[tilespmem:$0x1C8C0] =	vst v63  }
0x1ad: {  	_ =	swait.ge [sflag:s22], $0x4000  }
0x1ae: {  	[sflag:s22] =	ssyncset.done $0x0  }
0x1af: {  	[sflag:s22] =	ssyncadd.s32 $0xFFFFC000  }
0x1b0: {  	[tilespmem:s18], [sflag:$0x1] =	stream.indirect.gather [hbm4b:s1+s17], $0x80, s28, s17, $0xb8;
	[tilespmem:$0x1C8C0] =	vst v63  }
0x1b1: {  	_ =	swait.ge [sflag:s23], $0x4000  }
0x1b2: {  	[sflag:s23] =	ssyncset.done $0x0  }
0x1b3: {  	[sflag:s23] =	ssyncadd.s32 $0xFFFFC000  }
0x1b4: {  	[spmem:s2] =	stream.indirect.scatter.add.f32 [tilespmem:s20], [sflag:$0x4], $0x80, s29, s17, $0xb8;
	[tilespmem:$0x1C8C0] =	vst v63  }
0x1b5: {  	_ =	swait.ge [sflag:s24], $0x4000  }
0x1b6: {  	[sflag:s24] =	ssyncset.done $0x0  }
0x1b7: {  	[sflag:s24] =	ssyncadd.s32 $0xFFFFC000  }
0x1b8: {  	[tilespmem:s20], [sflag:$0x2] =	stream.indirect.gather [hbm4b:s1+s17], $0x80, s30, s17, $0xb8;
	[tilespmem:$0x1C8C0] =	vst v63  }
0x1b9: {  	_ =	swait.ge [sflag:s21], $0x4000  }
0x1ba: {  	[sflag:s21] =	ssyncset.done $0x0  }
0x1bb: {  	[sflag:s21] =	ssyncadd.s32 $0xFFFFC000  }
0x1bc: {  	[spmem:s2] =	stream.indirect.scatter.add.f32 [tilespmem:s18], [sflag:$0x3], $0x80, s31, s17, $0xb8;
	[tilespmem:$0x1C8C0] =	vst v63  }
0x1bd: {  	_ =	swait.ge [sflag:s22], $0x4000  }
0x1be: {  	[sflag:s22] =	ssyncset.done $0x0  }
0x1bf: {  	[sflag:s22] =	ssyncadd.s32 $0xFFFFC000  }
0x1c0: {  	[tilespmem:s18], [sflag:$0x1] =	stream.indirect.gather [hbm4b:s1+s17], $0x80, s0, s17, $0xb8;
	[tilespmem:$0x1C8C0] =	vst v63  }
0x1c1: {  	_ =	swait.ge [sflag:s23], $0x4000  }
0x1c2: {  	[sflag:s23] =	ssyncset.done $0x0  }
0x1c3: {  	[sflag:s23] =	ssyncadd.s32 $0xFFFFC000  }
0x1c4: {  	[spmem:s2] =	stream.indirect.scatter.add.f32 [tilespmem:s20], [sflag:$0x4], $0x80, s3, s17, $0xb8;
	[tilespmem:$0x1C8C0] =	vst v63  }
0x1c5: {  	_ =	swait.ge [sflag:s24], $0x4000  }
0x1c6: {  	[sflag:s24] =	ssyncset.done $0x0  }
0x1c7: {  	[sflag:s24] =	ssyncadd.s32 $0xFFFFC000  }
0x1c8: {  	[tilespmem:s20], [sflag:$0x2] =	stream.indirect.gather [hbm4b:s1+s17], $0x80, s8, s17, $0xb8;
	[tilespmem:$0x1C8C0] =	vst v63  }
0x1c9: {  	_ =	swait.ge [sflag:s21], $0x4000  }
0x1ca: {  	[sflag:s21] =	ssyncset.done $0x0  }
0x1cb: {  	[sflag:s21] =	ssyncadd.s32 $0xFFFFC000  }
0x1cc: {  	[spmem:s2] =	stream.indirect.scatter.add.f32 [tilespmem:s18], [sflag:$0x3], $0x80, s9, s17, $0xb8;
	[tilespmem:$0x1C8C0] =	vst v63  }
0x1cd: {  	_ =	swait.ge [sflag:s22], $0x4000  }
0x1ce: {  	[sflag:s22] =	ssyncset.done $0x0  }
0x1cf: {  	[sflag:s22] =	ssyncadd.s32 $0xFFFFC000  }
0x1d0: {  	_ =	swait.ge [sflag:s16], $0x800  }
0x1d1: {  	[sflag:s16] =	ssyncset.done $0x0  }
0x1d2: {  	[sflag:s16] =	ssyncadd.s32 $0xFFFFF800  }
0x1d3: {  	[tilespmem:s18], [sflag:$0x1] =	stream.indirect.gather [hbm4b:s1+s17], $0x80, s4, s17, $0xb8;
	[tilespmem:$0x1C8C0] =	vst v63  }
0x1d4: {  	_ =	swait.ge [sflag:s23], $0x4000  }
0x1d5: {  	[sflag:s23] =	ssyncset.done $0x0  }
0x1d6: {  	[sflag:s23] =	ssyncadd.s32 $0xFFFFC000  }
0x1d7: {  	[spmem:s2] =	stream.indirect.scatter.add.f32 [tilespmem:s20], [sflag:$0x4], $0x80, s10, s17, $0xb8;
	[tilespmem:$0x1C8C0] =	vst v63  }
0x1d8: {  	_ =	swait.ge [sflag:s24], $0x4000  }
0x1d9: {  	[sflag:s24] =	ssyncset.done $0x0  }
0x1da: {  	[sflag:s24] =	ssyncadd.s32 $0xFFFFC000  }
0x1db: {  	_ =	swait.ge [sflag:s21], $0x4000  }
0x1dc: {  	[sflag:s21] =	ssyncset.done $0x0  }
0x1dd: {  	[sflag:s21] =	ssyncadd.s32 $0xFFFFC000  }
0x1de: {  	[bflag:$0x0] =	sbarrier.arrive $0xFFFF  }
0x1df: {  	s7 =	rddreg [dreg:$0x19]  }
0x1e0: {  	s15 =	rddreg [dreg:$0x1b]  }
0x1e1: {  	s14 =	rddreg [dreg:$0x1f]  }
0x1e2: {  	[hbm:s15], [sflag:s7] =	dma.local [spmem:s14], $0x2700  }
0x1e3: {  	s15 =	simm.s32 $0x7  }
0x1e4: {  	_ =	swait.ge [sflag:s15], $0x2700  }
0x1e5: {  	s13 =	sld [smem:$0x7FD]  }
0x1e6: {  	[sflag:s15] =	ssyncset.done $0x0  }
0x1e7: {  	s6 =	rddreg [dreg:$0x1c];
	[sflag:s15] =	ssyncadd.s32 $0xFFFFD900  }
0x1e8: {  	[hbm:s6], [sflag:s7] =	dma.local @!p0 [spmem:s13], $0x100  }
0x1e9: {  	s6 =	simm.s32 @!p0 $0x7  }
0x1ea: {  	_ =	swait.ge @!p0 [sflag:s6], $0x100  }
0x1eb: {  	s11 =	sadd.s32 $0x1, s11;
	s12 =	rddreg [dreg:$0x1d]  }
0x1ec: {  	p1 =	sne.s32 s11, s12  }
.Ltmp1:
0x1ed: {  	_ = 	snop;
	(pc) =	sbr.rel @p1 .LBB2_1-.Ltmp1, $3  }
0x1ee: {  	_ =	sdelay $0x1  }
0x1ef: {  	[sflag:s6] =	ssyncset.done @!p0 $0x0  }
0x1f0: {  	[sflag:s6] =	ssyncadd.s32 @!p0 $0xFFFFFF00  }
0x1f1: {  	_ =	sfence.sel $0x180000  }
0x1f2: {  	[bflag:$0x0] =	sbarrier.arrive $0xFFFF  }
0x1f3: {  	_ =	strace $0x90000047  }
0x1f4: {  	s0 =	stileid.u32;
	[bflag:$0x2] =	sbarrier.arrive $0xFFFF  }
0x1f5: {  	p0 =	sne.s32 s0, $0x0;
	s0 =	rddreg [dreg:$0x3]  }
0x1f6: {  	s0 =	sadd.s32 @!p0 $0x100000, s0  }
0x1f7: {  	[sflag:s0] =	ssyncadd.tile.s32 @!p0 $0x1;
	_ =	shalt  }
.Lfunc_end2:
_tile_overlayer_lowered:
.L_overlay_start_2:
0x1f8: {  	(tag) =	ssettag $0x2  }
0x1f9: {  	s0 =	rddreg [dreg:$0x0];
	s2 =	stileid.u32  }
0x1fa: {  	s1 =	rddreg [dreg:$0x1];
	p0 =	sne.s32 s2, $0x0  }
0x1fb: {  	s3 =	rddreg [dreg:$0x2];
	[bflag:$0x3] =	sbarrier.arrive $0xFFFF;
	s2 =	simm.s32 @!p0 $0x1C07  }
0x1fc: {  	[timem:s3], [sflag:s2] =	dma.local @!p0 [hbm:s0], s1  }
0x1fd: {  	s0 =	simm.s32 @!p0 $0x7  }
0x1fe: {  	_ =	swait.ge @!p0 [sflag:s0], s1  }
0x1ff: {  	s1 =	ssub.s32 @!p0 $0x0, s1;
	[sflag:s0] =	ssyncset.done @!p0 $0x0  }
0x200: {  	[sflag:s0] =	ssyncadd.s32 @!p0 s1  }
0x201: {  	[bflag:$0x3] =	sbarrier.arrive $0xFFFF  }
0x202: {  	_ =	shalt  }

</sc_bundles>
